<compile_context>
chip_gen: v7x
topology: tpu7x:2x2x1
jax: 0.10.2.dev20260603
libtpu: 0.0.44.dev20260713+nightly
codegen_flags: <defaults>
</compile_context>

<pallas_src>
import functools

import jax
import jax.numpy as jnp
from jax import lax
from jax.experimental import pallas as pl
from jax.experimental.pallas import tpu as pltpu
from jax.experimental.pallas import tpu_sc as plsc

N_NODES = 207
N_EDGES = 1722
L = 16
NB = 112
NEP = NB * L
BW = 256
NF = 12
XW = N_NODES * NF
NW = (XW + L - 1) // L
XV = NW * L
ST = NF + 1
X13 = 2704


def _vtanh(a):
    e = jnp.exp(jnp.abs(a) * 2.0)
    return jnp.sign(a) * (1.0 - 2.0 / (e + 1.0))


def _body(x_hbm, ind_hbm, ei_hbm, ej_hbm, nt_hbm, wr_hbm, wd_hbm, wra_hbm,
          wda_hbm, br_hbm, bd_hbm, bra_hbm, bda_hbm, out_hbm,
          idxw, ei_v, ej_v, nt_v, wr_v, wd_v, wra_v, wda_v,
          br_v, bd_v, bra_v, bda_v,
          x_v2, x13, accR, accRa, accDD, cR, cRa, cDD, out_v,
          sem, sem3):
    cidx = lax.axis_index("c")
    sidx = lax.axis_index("s")
    wid = sidx * 2 + cidx
    b0 = wid * 2

    pltpu.sync_copy(ind_hbm.at[pl.ds(wid * 8, 8)], idxw)

    idx2 = idxw.at[pl.ds(0, 2)]
    copies = [
        pltpu.async_copy(wr_hbm.at[idx2], wr_v, sem),
        pltpu.async_copy(wd_hbm.at[idx2], wd_v, sem),
        pltpu.async_copy(wra_hbm.at[idx2], wra_v, sem),
        pltpu.async_copy(wda_hbm.at[idx2], wda_v, sem),
        pltpu.async_copy(ei_hbm, ei_v, sem),
        pltpu.async_copy(ej_hbm, ej_v, sem),
        pltpu.async_copy(nt_hbm, nt_v, sem),
        pltpu.async_copy(x_hbm.at[pl.ds(b0 * XW, 2 * XW)], x_v2.at[pl.ds(0, 2 * XW)], sem),
    ]
    copies2 = [
        pltpu.async_copy(br_hbm.at[idx2], br_v, sem3),
        pltpu.async_copy(bd_hbm.at[idx2], bd_v, sem3),
        pltpu.async_copy(bra_hbm.at[idx2], bra_v, sem3),
        pltpu.async_copy(bda_hbm.at[idx2], bda_v, sem3),
    ]

    zf = jnp.zeros((L,), jnp.float32)

    def _zero():
        @plsc.parallel_loop(0, X13 // L, unroll=8)
        def _zero_acc(i):
            accR[pl.ds(i * L, L)] = zf
            accRa[pl.ds(i * L, L)] = zf
            accDD[pl.ds(i * L, L)] = zf

        @plsc.parallel_loop(0, 13, unroll=4)
        def _zero_c(i):
            cR[pl.ds(i * L, L)] = zf
            cRa[pl.ds(i * L, L)] = zf
            cDD[pl.ds(i * L, L)] = zf

    _zero()
    for c in copies:
        c.wait()

    iota16 = lax.iota(jnp.int32, L)
    for k in (0, 1):
        b = b0 + k
        ob = k * XW

        @plsc.parallel_loop(0, NW, unroll=4)
        def _relay(t):
            wv = t * L + iota16
            nidx = nt_v[pl.ds(t * L, L)]
            xval = x_v2[pl.ds(ob + t * L, L)]
            plsc.store_scatter(x13, [wv + nidx], xval)

        @plsc.parallel_loop(0, NB, unroll=2)
        def _edges(bi):
            base = bi * L
            i16 = ei_v[pl.ds(base, L)]
            j16 = ej_v[pl.ds(base, L)]
            wr16 = wr_v[k, pl.ds(base, L)]
            wd16 = wd_v[k, pl.ds(base, L)]
            wra16 = wra_v[k, pl.ds(base, L)]
            wda16 = wda_v[k, pl.ds(base, L)]
            plsc.addupdate_scatter(cR, [j16], wr16)
            plsc.addupdate_scatter(cRa, [j16], wra16)
            plsc.addupdate_scatter(cDD, [i16], wd16 + wda16)
            wdd16 = wda16 - wd16
            ib = i16 * ST
            jb = j16 * ST
            for f in range(NF):
                ibf = ib + f
                jbf = jb + f
                xj = plsc.load_gather(x13, [jbf])
                xi = plsc.load_gather(x13, [ibf])
                plsc.addupdate_scatter(accR, [ibf], wr16 * xj)
                plsc.addupdate_scatter(accRa, [ibf], wra16 * xj)
                plsc.addupdate_scatter(accDD, [jbf], wdd16 * xi)

        if k == 0:
            for c in copies2:
                c.wait()
            for k2 in (0, 1):
                @plsc.parallel_loop(0, 13, unroll=4)
                def _bsum(i):
                    bd_v[k2, pl.ds(i * L, L)] = (bd_v[k2, pl.ds(i * L, L)]
                                                 + bda_v[k2, pl.ds(i * L, L)])

        ga = jnp.where(jnp.full((L,), b, jnp.int32) == 0, 0.0, 1.0)
        ks = jnp.full((L,), k, jnp.int32)

        @plsc.parallel_loop(0, NW, unroll=2)
        def _nodes(t):
            tb = pl.ds(t * L, L)
            nidx = nt_v[tb]
            aidx = t * L + iota16 + nidx
            xw = plsc.load_gather(x13, [aidx])
            r = plsc.load_gather(cR, [nidx]) * xw - plsc.load_gather(accR, [aidx]) \
                + plsc.load_gather(br_v, [ks, nidx])
            ra = plsc.load_gather(cRa, [nidx]) * ga * xw + plsc.load_gather(accRa, [aidx]) \
                + plsc.load_gather(bra_v, [ks, nidx])
            dd = plsc.load_gather(cDD, [nidx]) * xw + plsc.load_gather(accDD, [aidx]) \
                + plsc.load_gather(bd_v, [ks, nidx])
            out_v[pl.ds(ob + t * L, L)] = _vtanh(r) + _vtanh(ra) + dd + xw

        if k == 0:
            _zero()

    pltpu.sync_copy(out_v.at[pl.ds(0, 2 * XW)],
                    out_hbm.at[pl.ds(b0 * XW, 2 * XW)])


@jax.jit
def _run(xp, ind, ei, ej, nt, wr, wd, wra, wda, br, bd, bra, bda):
    f32 = jnp.float32
    i32 = jnp.int32
    fn = functools.partial(
        pl.kernel,
        out_type=jax.ShapeDtypeStruct((64 * XW,), f32),
        mesh=plsc.VectorSubcoreMesh(core_axis_name="c", subcore_axis_name="s"),
        compiler_params=pltpu.CompilerParams(needs_layout_passes=False),
        scratch_types=[
            pltpu.VMEM((8,), i32),
            pltpu.VMEM((NEP,), i32),
            pltpu.VMEM((NEP,), i32),
            pltpu.VMEM((XV,), i32),
            pltpu.VMEM((2, NEP), f32),
            pltpu.VMEM((2, NEP), f32),
            pltpu.VMEM((2, NEP), f32),
            pltpu.VMEM((2, NEP), f32),
            pltpu.VMEM((2, BW), f32),
            pltpu.VMEM((2, BW), f32),
            pltpu.VMEM((2, BW), f32),
            pltpu.VMEM((2, BW), f32),
            pltpu.VMEM((2 * XW + 24,), f32),
            pltpu.VMEM((X13,), f32),
            pltpu.VMEM((X13,), f32),
            pltpu.VMEM((X13,), f32),
            pltpu.VMEM((X13,), f32),
            pltpu.VMEM((208,), f32),
            pltpu.VMEM((208,), f32),
            pltpu.VMEM((208,), f32),
            pltpu.VMEM((XW + XV,), f32),
            pltpu.SemaphoreType.DMA,
            pltpu.SemaphoreType.DMA,
        ],
    )(_body)
    return fn(xp, ind, ei, ej, nt, wr, wd, wra, wda, br, bd, bra, bda)


def kernel(inputs, ind, edge_index, weight_react, weight_diff, weight_react_a,
           weight_diff_a, bias_reaction, bias_diffusion, bias_reaction_a,
           bias_diffusion_a):
    xp = inputs[:, 0, :, :].reshape(64 * XW)
    ep = jnp.pad(edge_index, ((0, 0), (0, NEP - N_EDGES)))
    nt = jnp.arange(NW * L, dtype=jnp.int32) // NF
    padw = lambda w: jnp.pad(w, ((0, 0), (0, NEP - N_EDGES)))
    padb = lambda b: jnp.pad(b, ((0, 0), (0, BW - N_NODES)))
    ind8 = jnp.pad(ind.astype(jnp.int32).reshape(32, 2), ((0, 0), (0, 6))).reshape(256)
    res = _run(xp, ind8, ep[0], ep[1], nt,
               padw(weight_react), padw(weight_diff),
               padw(weight_react_a), padw(weight_diff_a),
               padb(bias_reaction), padb(bias_diffusion),
               padb(bias_reaction_a), padb(bias_diffusion_a))
    return res.reshape(64, N_NODES, NF)

# --- scband reference (transcript-rebuilt; emitter-appended) ---
"""Pipeline reference for scband-reaction-diffusion-nature-plus-90872918049156 (READ-ONLY COPY).

The authoritative reference and input builder live on the scoring server;
editing this copy changes nothing except your own understanding.
"""

import jax, jax.numpy as jnp
import numpy as np

N_NODES = 207
N_EDGES = 1722
T_SLOTS = 288
RESOLUTION = 1

def setup_inputs(seed: int = 0):
    key = jax.random.key(seed)
    ks = jax.random.split(key, 11)
    inputs = jax.random.normal(ks[0], (64, 2, N_NODES, 12), dtype=jnp.float32)
    ind = jax.random.randint(ks[1], (64,), 0, T_SLOTS, dtype=jnp.int32)
    edge_index = jax.random.randint(ks[2], (2, N_EDGES), 0, N_NODES, dtype=jnp.int32)
    weight_react = jax.random.normal(ks[3], (T_SLOTS, N_EDGES), dtype=jnp.float32) / 10.0
    weight_diff = jax.random.normal(ks[4], (T_SLOTS, N_EDGES), dtype=jnp.float32) / 1000.0
    weight_react_a = jax.random.normal(ks[5], (T_SLOTS, N_EDGES), dtype=jnp.float32) / 10.0
    weight_diff_a = jax.random.normal(ks[6], (T_SLOTS, N_EDGES), dtype=jnp.float32) / 1000.0
    bias_reaction = jax.random.normal(ks[7], (T_SLOTS, N_NODES), dtype=jnp.float32) / 10.0
    bias_diffusion = jax.random.normal(ks[8], (T_SLOTS, N_NODES), dtype=jnp.float32) / 10.0
    bias_reaction_a = jax.random.normal(ks[9], (T_SLOTS, N_NODES), dtype=jnp.float32) / 10.0
    bias_diffusion_a = jax.random.normal(ks[10], (T_SLOTS, N_NODES), dtype=jnp.float32) / 10.0
    return {"inputs": inputs, "ind": ind, "edge_index": edge_index,
            "weight_react": weight_react, "weight_diff": weight_diff,
            "weight_react_a": weight_react_a, "weight_diff_a": weight_diff_a,
            "bias_reaction": bias_reaction, "bias_diffusion": bias_diffusion,
            "bias_reaction_a": bias_reaction_a, "bias_diffusion_a": bias_diffusion_a}

def _dense(ii, jj, vals):
    # torch.sparse_coo_tensor(...).to_dense() sums duplicate coordinates -> scatter-add
    return jnp.zeros((N_NODES, N_NODES), dtype=vals.dtype).at[ii, jj].add(vals)

def _build_weights(ind, edge_index, wr, wd, wra, wda):
    i_idx = edge_index[0]
    j_idx = edge_index[1]
    slots = ind // RESOLUTION
    def per_elem(ii):
        Re = _dense(i_idx, j_idx, wr[ii]); Re = jnp.diag(Re.sum(0)) - Re
        De = _dense(j_idx, i_idx, wd[ii]); De = jnp.diag(De.sum(0)) - De
        Rae = _dense(i_idx, j_idx, wra[ii]); Rae = jnp.diag(Rae.sum(0)) + Rae
        Dae = _dense(j_idx, i_idx, wda[ii]); Dae = jnp.diag(Dae.sum(0)) + Dae
        return Re, De, Rae, Dae
    # first batch element replicates the original code exactly, including the quirk
    # that I3 is built from the already-laplacianized reaction_weight, not reaction_weight_a
    ii0 = slots[0]
    R0 = _dense(i_idx, j_idx, wr[ii0]); R0 = jnp.diag(R0.sum(0)) - R0
    D0 = _dense(j_idx, i_idx, wd[ii0]); D0 = jnp.diag(D0.sum(0)) - D0
    Ra0 = _dense(i_idx, j_idx, wra[ii0]); Ra0 = jnp.diag(R0.sum(0)) + Ra0
    Da0 = _dense(j_idx, i_idx, wda[ii0]); Da0 = jnp.diag(Da0.sum(0)) + Da0
    Rr, Dr, Rar, Dar = jax.vmap(per_elem)(slots[1:])
    R = jnp.concatenate([R0[None], Rr], 0)
    D = jnp.concatenate([D0[None], Dr], 0)
    Ra = jnp.concatenate([Ra0[None], Rar], 0)
    Da = jnp.concatenate([Da0[None], Dar], 0)
    return R, D, Ra, Da

def _nconv(x, A):
    return jnp.einsum('nvl,nwv->nwl', x, A)

def reference(inputs, ind, edge_index, weight_react, weight_diff, weight_react_a, weight_diff_a, bias_reaction, bias_diffusion, bias_reaction_a, bias_diffusion_a):
    x = inputs[:, 0, :, :]
    R, D, Ra, Da = _build_weights(ind, edge_index, weight_react, weight_diff, weight_react_a, weight_diff_a)
    slots = ind // RESOLUTION
    rb = bias_reaction[slots][:, :, None]
    db = bias_diffusion[slots][:, :, None]
    rba = bias_reaction_a[slots][:, :, None]
    dba = bias_diffusion_a[slots][:, :, None]
    reaction = _nconv(x, R) + rb
    reaction_a = _nconv(x, Ra) + rba
    diffusion = _nconv(x, D) + db
    diffusion_a = _nconv(x, Da) + dba
    return jnp.tanh(reaction) + jnp.tanh(reaction_a) + diffusion + diffusion_a + x

if __name__ == "__main__":
    import jax
    _d = setup_inputs()
    print(jax.jit(kernel)(*tuple(_d.values())))

</pallas_src>

<mosaic_0001>
#map = affine_map<(d0, d1) -> (0)>
#map1 = affine_map<(d0, d1) -> (0, 0)>
module attributes {stable_mosaic.version = 14 : i64} {
  func.func @_body(%arg0: i32, %arg1: i32, %arg2: memref<158976xf32, #tpu.memory_space<hbm>>, %arg3: memref<256xi32, #tpu.memory_space<hbm>>, %arg4: memref<1792xi32, #tpu.memory_space<hbm>>, %arg5: memref<1792xi32, #tpu.memory_space<hbm>>, %arg6: memref<2496xi32, #tpu.memory_space<hbm>>, %arg7: memref<288x1792xf32, #tpu.memory_space<hbm>>, %arg8: memref<288x1792xf32, #tpu.memory_space<hbm>>, %arg9: memref<288x1792xf32, #tpu.memory_space<hbm>>, %arg10: memref<288x1792xf32, #tpu.memory_space<hbm>>, %arg11: memref<288x256xf32, #tpu.memory_space<hbm>>, %arg12: memref<288x256xf32, #tpu.memory_space<hbm>>, %arg13: memref<288x256xf32, #tpu.memory_space<hbm>>, %arg14: memref<288x256xf32, #tpu.memory_space<hbm>>, %arg15: memref<158976xf32, #tpu.memory_space<hbm>>, %arg16: memref<8xi32, #tpu.memory_space<vmem>>, %arg17: memref<1792xi32, #tpu.memory_space<vmem>>, %arg18: memref<1792xi32, #tpu.memory_space<vmem>>, %arg19: memref<2496xi32, #tpu.memory_space<vmem>>, %arg20: memref<2x1792xf32, #tpu.memory_space<vmem>>, %arg21: memref<2x1792xf32, #tpu.memory_space<vmem>>, %arg22: memref<2x1792xf32, #tpu.memory_space<vmem>>, %arg23: memref<2x1792xf32, #tpu.memory_space<vmem>>, %arg24: memref<2x256xf32, #tpu.memory_space<vmem>>, %arg25: memref<2x256xf32, #tpu.memory_space<vmem>>, %arg26: memref<2x256xf32, #tpu.memory_space<vmem>>, %arg27: memref<2x256xf32, #tpu.memory_space<vmem>>, %arg28: memref<4992xf32, #tpu.memory_space<vmem>>, %arg29: memref<2704xf32, #tpu.memory_space<vmem>>, %arg30: memref<2704xf32, #tpu.memory_space<vmem>>, %arg31: memref<2704xf32, #tpu.memory_space<vmem>>, %arg32: memref<2704xf32, #tpu.memory_space<vmem>>, %arg33: memref<208xf32, #tpu.memory_space<vmem>>, %arg34: memref<208xf32, #tpu.memory_space<vmem>>, %arg35: memref<208xf32, #tpu.memory_space<vmem>>, %arg36: memref<4980xf32, #tpu.memory_space<vmem>>, %arg37: memref<!tpu.dma_semaphore, #tpu.memory_space<semaphore_mem>>, %arg38: memref<!tpu.dma_semaphore, #tpu.memory_space<semaphore_mem>>) attributes {dimension_semantics = [#tpu.dimension_semantics<core_parallel>, #tpu.dimension_semantics<subcore_parallel>], iteration_bounds = array<i64: 2, 16>, scalar_prefetch = 0 : i64, scratch_operands = 23 : i64, tpu.core_type = #tpu.core_type<sc_vector_subcore>, window_params = [{transform_indices = #map}, {transform_indices = #map}, {transform_indices = #map}, {transform_indices = #map}, {transform_indices = #map}, {transform_indices = #map1}, {transform_indices = #map1}, {transform_indices = #map1}, {transform_indices = #map1}, {transform_indices = #map1}, {transform_indices = #map1}, {transform_indices = #map1}, {transform_indices = #map1}, {transform_indices = #map}]} {
    %mul3A = arith.constant 2 : i32
    %mul3A_0 = arith.muli %arg1, %mul3A : i32
    %add3A = arith.addi %mul3A_0, %arg0 : i32
    %mul3A_1 = arith.constant 2 : i32
    %mul3A_2 = arith.muli %add3A, %mul3A_1 : i32
    %mul3A_3 = arith.constant 8 : i32
    %mul3A_4 = arith.muli %add3A, %mul3A_3 : i32
    "tpu.region"() ({
      %run_scoped3A = tpu.sem_alloc : memref<!tpu.dma_semaphore, #tpu.memory_space<semaphore_mem>>
      %dma_start3A_158 = tpu.memref_slice %arg3[%mul3A_4] : memref<256xi32, #tpu.memory_space<hbm>> -> memref<8xi32, #tpu.memory_space<hbm>>
      %dma_start3A_159 = tpu.memref_slice %arg3[%mul3A_4] : memref<256xi32, #tpu.memory_space<hbm>> -> memref<8xi32, #tpu.memory_space<hbm>>
      tpu.enqueue_dma source(%dma_start3A_159 : memref<8xi32, #tpu.memory_space<hbm>>) target(%arg16 : memref<8xi32, #tpu.memory_space<vmem>>) target_semaphore(%run_scoped3A : memref<!tpu.dma_semaphore, #tpu.memory_space<semaphore_mem>>)
      %dma_wait3A_160 = tpu.memref_slice %arg3[%mul3A_4] : memref<256xi32, #tpu.memory_space<hbm>> -> memref<8xi32, #tpu.memory_space<hbm>>
      %dma_wait3A_161 = tpu.memref_slice %arg3[%mul3A_4] : memref<256xi32, #tpu.memory_space<hbm>> -> memref<8xi32, #tpu.memory_space<hbm>>
      tpu.wait_dma2 semaphore(%run_scoped3A : memref<!tpu.dma_semaphore, #tpu.memory_space<semaphore_mem>>) src(%dma_wait3A_161 : memref<8xi32, #tpu.memory_space<hbm>>) dst(%arg16 : memref<8xi32, #tpu.memory_space<vmem>>)
      tpu.yield
    }) : () -> ()
    %dma_start3A = arith.constant 0 : i32
    %dma_start3A_5 = tpu.memref_slice %arg16[%dma_start3A] : memref<8xi32, #tpu.memory_space<vmem>> -> memref<2xi32, #tpu.memory_space<vmem>>
    %dma_start3A_6 = arith.constant 0 : i32
    %dma_start3A_7 = arith.constant 0 : i32
    %dma_start3A_8 = tpu.memref_slice %arg7[%dma_start3A_6, %dma_start3A_7] : memref<288x1792xf32, #tpu.memory_space<hbm>> -> memref<288x1792xf32, #tpu.memory_space<hbm>>
    tpu.enqueue_indirect_dma source(%dma_start3A_8 : memref<288x1792xf32, #tpu.memory_space<hbm>>) target(%arg20 : memref<2x1792xf32, #tpu.memory_space<vmem>>) offsets(%dma_start3A_5 : memref<2xi32, #tpu.memory_space<vmem>>) semaphore(%arg37 : memref<!tpu.dma_semaphore, #tpu.memory_space<semaphore_mem>>)
    %dma_start3A_9 = arith.constant 0 : i32
    %dma_start3A_10 = tpu.memref_slice %arg16[%dma_start3A_9] : memref<8xi32, #tpu.memory_space<vmem>> -> memref<2xi32, #tpu.memory_space<vmem>>
    %dma_start3A_11 = arith.constant 0 : i32
    %dma_start3A_12 = arith.constant 0 : i32
    %dma_start3A_13 = tpu.memref_slice %arg8[%dma_start3A_11, %dma_start3A_12] : memref<288x1792xf32, #tpu.memory_space<hbm>> -> memref<288x1792xf32, #tpu.memory_space<hbm>>
    tpu.enqueue_indirect_dma source(%dma_start3A_13 : memref<288x1792xf32, #tpu.memory_space<hbm>>) target(%arg21 : memref<2x1792xf32, #tpu.memory_space<vmem>>) offsets(%dma_start3A_10 : memref<2xi32, #tpu.memory_space<vmem>>) semaphore(%arg37 : memref<!tpu.dma_semaphore, #tpu.memory_space<semaphore_mem>>)
    %dma_start3A_14 = arith.constant 0 : i32
    %dma_start3A_15 = tpu.memref_slice %arg16[%dma_start3A_14] : memref<8xi32, #tpu.memory_space<vmem>> -> memref<2xi32, #tpu.memory_space<vmem>>
    %dma_start3A_16 = arith.constant 0 : i32
    %dma_start3A_17 = arith.constant 0 : i32
    %dma_start3A_18 = tpu.memref_slice %arg9[%dma_start3A_16, %dma_start3A_17] : memref<288x1792xf32, #tpu.memory_space<hbm>> -> memref<288x1792xf32, #tpu.memory_space<hbm>>
    tpu.enqueue_indirect_dma source(%dma_start3A_18 : memref<288x1792xf32, #tpu.memory_space<hbm>>) target(%arg22 : memref<2x1792xf32, #tpu.memory_space<vmem>>) offsets(%dma_start3A_15 : memref<2xi32, #tpu.memory_space<vmem>>) semaphore(%arg37 : memref<!tpu.dma_semaphore, #tpu.memory_space<semaphore_mem>>)
    %dma_start3A_19 = arith.constant 0 : i32
    %dma_start3A_20 = tpu.memref_slice %arg16[%dma_start3A_19] : memref<8xi32, #tpu.memory_space<vmem>> -> memref<2xi32, #tpu.memory_space<vmem>>
    %dma_start3A_21 = arith.constant 0 : i32
    %dma_start3A_22 = arith.constant 0 : i32
    %dma_start3A_23 = tpu.memref_slice %arg10[%dma_start3A_21, %dma_start3A_22] : memref<288x1792xf32, #tpu.memory_space<hbm>> -> memref<288x1792xf32, #tpu.memory_space<hbm>>
    tpu.enqueue_indirect_dma source(%dma_start3A_23 : memref<288x1792xf32, #tpu.memory_space<hbm>>) target(%arg23 : memref<2x1792xf32, #tpu.memory_space<vmem>>) offsets(%dma_start3A_20 : memref<2xi32, #tpu.memory_space<vmem>>) semaphore(%arg37 : memref<!tpu.dma_semaphore, #tpu.memory_space<semaphore_mem>>)
    tpu.enqueue_dma source(%arg4 : memref<1792xi32, #tpu.memory_space<hbm>>) target(%arg17 : memref<1792xi32, #tpu.memory_space<vmem>>) target_semaphore(%arg37 : memref<!tpu.dma_semaphore, #tpu.memory_space<semaphore_mem>>)
    tpu.enqueue_dma source(%arg5 : memref<1792xi32, #tpu.memory_space<hbm>>) target(%arg18 : memref<1792xi32, #tpu.memory_space<vmem>>) target_semaphore(%arg37 : memref<!tpu.dma_semaphore, #tpu.memory_space<semaphore_mem>>)
    tpu.enqueue_dma source(%arg6 : memref<2496xi32, #tpu.memory_space<hbm>>) target(%arg19 : memref<2496xi32, #tpu.memory_space<vmem>>) target_semaphore(%arg37 : memref<!tpu.dma_semaphore, #tpu.memory_space<semaphore_mem>>)
    %mul3A_24 = arith.constant 2484 : i32
    %mul3A_25 = arith.muli %mul3A_2, %mul3A_24 : i32
    %dma_start3A_26 = arith.constant 0 : i32
    %dma_start3A_27 = tpu.memref_slice %arg28[%dma_start3A_26] : memref<4992xf32, #tpu.memory_space<vmem>> -> memref<4968xf32, #tpu.memory_space<vmem>>
    %dma_start3A_28 = tpu.memref_slice %arg2[%mul3A_25] : memref<158976xf32, #tpu.memory_space<hbm>> -> memref<4968xf32, #tpu.memory_space<hbm>>
    %dma_start3A_29 = arith.constant 0 : i32
    %dma_start3A_30 = tpu.memref_slice %arg28[%dma_start3A_29] : memref<4992xf32, #tpu.memory_space<vmem>> -> memref<4968xf32, #tpu.memory_space<vmem>>
    %dma_start3A_31 = tpu.memref_slice %arg2[%mul3A_25] : memref<158976xf32, #tpu.memory_space<hbm>> -> memref<4968xf32, #tpu.memory_space<hbm>>
    tpu.enqueue_dma source(%dma_start3A_31 : memref<4968xf32, #tpu.memory_space<hbm>>) target(%dma_start3A_30 : memref<4968xf32, #tpu.memory_space<vmem>>) target_semaphore(%arg37 : memref<!tpu.dma_semaphore, #tpu.memory_space<semaphore_mem>>)
    %dma_start3A_32 = arith.constant 0 : i32
    %dma_start3A_33 = tpu.memref_slice %arg16[%dma_start3A_32] : memref<8xi32, #tpu.memory_space<vmem>> -> memref<2xi32, #tpu.memory_space<vmem>>
    %dma_start3A_34 = arith.constant 0 : i32
    %dma_start3A_35 = arith.constant 0 : i32
    %dma_start3A_36 = tpu.memref_slice %arg11[%dma_start3A_34, %dma_start3A_35] : memref<288x256xf32, #tpu.memory_space<hbm>> -> memref<288x256xf32, #tpu.memory_space<hbm>>
    tpu.enqueue_indirect_dma source(%dma_start3A_36 : memref<288x256xf32, #tpu.memory_space<hbm>>) target(%arg24 : memref<2x256xf32, #tpu.memory_space<vmem>>) offsets(%dma_start3A_33 : memref<2xi32, #tpu.memory_space<vmem>>) semaphore(%arg38 : memref<!tpu.dma_semaphore, #tpu.memory_space<semaphore_mem>>)
    %dma_start3A_37 = arith.constant 0 : i32
    %dma_start3A_38 = tpu.memref_slice %arg16[%dma_start3A_37] : memref<8xi32, #tpu.memory_space<vmem>> -> memref<2xi32, #tpu.memory_space<vmem>>
    %dma_start3A_39 = arith.constant 0 : i32
    %dma_start3A_40 = arith.constant 0 : i32
    %dma_start3A_41 = tpu.memref_slice %arg12[%dma_start3A_39, %dma_start3A_40] : memref<288x256xf32, #tpu.memory_space<hbm>> -> memref<288x256xf32, #tpu.memory_space<hbm>>
    tpu.enqueue_indirect_dma source(%dma_start3A_41 : memref<288x256xf32, #tpu.memory_space<hbm>>) target(%arg25 : memref<2x256xf32, #tpu.memory_space<vmem>>) offsets(%dma_start3A_38 : memref<2xi32, #tpu.memory_space<vmem>>) semaphore(%arg38 : memref<!tpu.dma_semaphore, #tpu.memory_space<semaphore_mem>>)
    %dma_start3A_42 = arith.constant 0 : i32
    %dma_start3A_43 = tpu.memref_slice %arg16[%dma_start3A_42] : memref<8xi32, #tpu.memory_space<vmem>> -> memref<2xi32, #tpu.memory_space<vmem>>
    %dma_start3A_44 = arith.constant 0 : i32
    %dma_start3A_45 = arith.constant 0 : i32
    %dma_start3A_46 = tpu.memref_slice %arg13[%dma_start3A_44, %dma_start3A_45] : memref<288x256xf32, #tpu.memory_space<hbm>> -> memref<288x256xf32, #tpu.memory_space<hbm>>
    tpu.enqueue_indirect_dma source(%dma_start3A_46 : memref<288x256xf32, #tpu.memory_space<hbm>>) target(%arg26 : memref<2x256xf32, #tpu.memory_space<vmem>>) offsets(%dma_start3A_43 : memref<2xi32, #tpu.memory_space<vmem>>) semaphore(%arg38 : memref<!tpu.dma_semaphore, #tpu.memory_space<semaphore_mem>>)
    %dma_start3A_47 = arith.constant 0 : i32
    %dma_start3A_48 = tpu.memref_slice %arg16[%dma_start3A_47] : memref<8xi32, #tpu.memory_space<vmem>> -> memref<2xi32, #tpu.memory_space<vmem>>
    %dma_start3A_49 = arith.constant 0 : i32
    %dma_start3A_50 = arith.constant 0 : i32
    %dma_start3A_51 = tpu.memref_slice %arg14[%dma_start3A_49, %dma_start3A_50] : memref<288x256xf32, #tpu.memory_space<hbm>> -> memref<288x256xf32, #tpu.memory_space<hbm>>
    tpu.enqueue_indirect_dma source(%dma_start3A_51 : memref<288x256xf32, #tpu.memory_space<hbm>>) target(%arg27 : memref<2x256xf32, #tpu.memory_space<vmem>>) offsets(%dma_start3A_48 : memref<2xi32, #tpu.memory_space<vmem>>) semaphore(%arg38 : memref<!tpu.dma_semaphore, #tpu.memory_space<semaphore_mem>>)
    %broadcast_in_dim3A = arith.constant 0.000000e+00 : f32
    %broadcast_in_dim3A_52 = vector.broadcast %broadcast_in_dim3A : f32 to vector<16xf32>
    %parallel_loop3A = arith.constant 0 : i32
    %parallel_loop3A_53 = arith.constant 169 : i32
    %parallel_loop3A_54 = arith.constant 1 : i32
    scf.for %parallel_loop3A_158 = %parallel_loop3A to %parallel_loop3A_53 step %parallel_loop3A_54  : i32 {
      %parallel_loop3A_159 = arith.constant 16 : i32
      %parallel_loop3A_160 = arith.muli %parallel_loop3A_158, %parallel_loop3A_159 : i32
      %parallel_loop3A_161 = arith.index_cast %parallel_loop3A_160 : i32 to index
      %parallel_loop3A_162 = tpu.vector_load %arg30[%parallel_loop3A_161] {strides = array<i32>} : memref<2704xf32, #tpu.memory_space<vmem>>, vector<16xf32>,
      tpu.vector_store %arg30[%parallel_loop3A_161], %broadcast_in_dim3A_52 {strides = array<i32>} : memref<2704xf32, #tpu.memory_space<vmem>>, vector<16xf32>,
      %parallel_loop3A_163 = arith.constant 16 : i32
      %parallel_loop3A_164 = arith.muli %parallel_loop3A_158, %parallel_loop3A_163 : i32
      %parallel_loop3A_165 = arith.index_cast %parallel_loop3A_164 : i32 to index
      %parallel_loop3A_166 = tpu.vector_load %arg31[%parallel_loop3A_165] {strides = array<i32>} : memref<2704xf32, #tpu.memory_space<vmem>>, vector<16xf32>,
      tpu.vector_store %arg31[%parallel_loop3A_165], %broadcast_in_dim3A_52 {strides = array<i32>} : memref<2704xf32, #tpu.memory_space<vmem>>, vector<16xf32>,
      %parallel_loop3A_167 = arith.constant 16 : i32
      %parallel_loop3A_168 = arith.muli %parallel_loop3A_158, %parallel_loop3A_167 : i32
      %parallel_loop3A_169 = arith.index_cast %parallel_loop3A_168 : i32 to index
      %parallel_loop3A_170 = tpu.vector_load %arg32[%parallel_loop3A_169] {strides = array<i32>} : memref<2704xf32, #tpu.memory_space<vmem>>, vector<16xf32>,
      tpu.vector_store %arg32[%parallel_loop3A_169], %broadcast_in_dim3A_52 {strides = array<i32>} : memref<2704xf32, #tpu.memory_space<vmem>>, vector<16xf32>,
    } {sc.loop_unroll_factor = 8 : i64, sc.parallel_access}
    %parallel_loop3A_55 = arith.constant 0 : i32
    %parallel_loop3A_56 = arith.constant 13 : i32
    %parallel_loop3A_57 = arith.constant 1 : i32
    scf.for %parallel_loop3A_158 = %parallel_loop3A_55 to %parallel_loop3A_56 step %parallel_loop3A_57  : i32 {
      %parallel_loop3A_159 = arith.constant 16 : i32
      %parallel_loop3A_160 = arith.muli %parallel_loop3A_158, %parallel_loop3A_159 : i32
      %parallel_loop3A_161 = arith.index_cast %parallel_loop3A_160 : i32 to index
      %parallel_loop3A_162 = tpu.vector_load %arg33[%parallel_loop3A_161] {strides = array<i32>} : memref<208xf32, #tpu.memory_space<vmem>>, vector<16xf32>,
      tpu.vector_store %arg33[%parallel_loop3A_161], %broadcast_in_dim3A_52 {strides = array<i32>} : memref<208xf32, #tpu.memory_space<vmem>>, vector<16xf32>,
      %parallel_loop3A_163 = arith.constant 16 : i32
      %parallel_loop3A_164 = arith.muli %parallel_loop3A_158, %parallel_loop3A_163 : i32
      %parallel_loop3A_165 = arith.index_cast %parallel_loop3A_164 : i32 to index
      %parallel_loop3A_166 = tpu.vector_load %arg34[%parallel_loop3A_165] {strides = array<i32>} : memref<208xf32, #tpu.memory_space<vmem>>, vector<16xf32>,
      tpu.vector_store %arg34[%parallel_loop3A_165], %broadcast_in_dim3A_52 {strides = array<i32>} : memref<208xf32, #tpu.memory_space<vmem>>, vector<16xf32>,
      %parallel_loop3A_167 = arith.constant 16 : i32
      %parallel_loop3A_168 = arith.muli %parallel_loop3A_158, %parallel_loop3A_167 : i32
      %parallel_loop3A_169 = arith.index_cast %parallel_loop3A_168 : i32 to index
      %parallel_loop3A_170 = tpu.vector_load %arg35[%parallel_loop3A_169] {strides = array<i32>} : memref<208xf32, #tpu.memory_space<vmem>>, vector<16xf32>,
      tpu.vector_store %arg35[%parallel_loop3A_169], %broadcast_in_dim3A_52 {strides = array<i32>} : memref<208xf32, #tpu.memory_space<vmem>>, vector<16xf32>,
    } {sc.loop_unroll_factor = 4 : i64, sc.parallel_access}
    %dma_wait3A = arith.constant 0 : i32
    %dma_wait3A_58 = tpu.memref_slice %arg16[%dma_wait3A] : memref<8xi32, #tpu.memory_space<vmem>> -> memref<2xi32, #tpu.memory_space<vmem>>
    %dma_wait3A_59 = arith.constant 0 : i32
    %dma_wait3A_60 = arith.constant 0 : i32
    %dma_wait3A_61 = tpu.memref_slice %arg7[%dma_wait3A_59, %dma_wait3A_60] : memref<288x1792xf32, #tpu.memory_space<hbm>> -> memref<288x1792xf32, #tpu.memory_space<hbm>>
    tpu.wait_indirect_dma semaphore(%arg37 : memref<!tpu.dma_semaphore, #tpu.memory_space<semaphore_mem>>) src(%dma_wait3A_61 : memref<288x1792xf32, #tpu.memory_space<hbm>>) dst(%arg20 : memref<2x1792xf32, #tpu.memory_space<vmem>>)
    %dma_wait3A_62 = arith.constant 0 : i32
    %dma_wait3A_63 = tpu.memref_slice %arg16[%dma_wait3A_62] : memref<8xi32, #tpu.memory_space<vmem>> -> memref<2xi32, #tpu.memory_space<vmem>>
    %dma_wait3A_64 = arith.constant 0 : i32
    %dma_wait3A_65 = arith.constant 0 : i32
    %dma_wait3A_66 = tpu.memref_slice %arg8[%dma_wait3A_64, %dma_wait3A_65] : memref<288x1792xf32, #tpu.memory_space<hbm>> -> memref<288x1792xf32, #tpu.memory_space<hbm>>
    tpu.wait_indirect_dma semaphore(%arg37 : memref<!tpu.dma_semaphore, #tpu.memory_space<semaphore_mem>>) src(%dma_wait3A_66 : memref<288x1792xf32, #tpu.memory_space<hbm>>) dst(%arg21 : memref<2x1792xf32, #tpu.memory_space<vmem>>)
    %dma_wait3A_67 = arith.constant 0 : i32
    %dma_wait3A_68 = tpu.memref_slice %arg16[%dma_wait3A_67] : memref<8xi32, #tpu.memory_space<vmem>> -> memref<2xi32, #tpu.memory_space<vmem>>
    %dma_wait3A_69 = arith.constant 0 : i32
    %dma_wait3A_70 = arith.constant 0 : i32
    %dma_wait3A_71 = tpu.memref_slice %arg9[%dma_wait3A_69, %dma_wait3A_70] : memref<288x1792xf32, #tpu.memory_space<hbm>> -> memref<288x1792xf32, #tpu.memory_space<hbm>>
    tpu.wait_indirect_dma semaphore(%arg37 : memref<!tpu.dma_semaphore, #tpu.memory_space<semaphore_mem>>) src(%dma_wait3A_71 : memref<288x1792xf32, #tpu.memory_space<hbm>>) dst(%arg22 : memref<2x1792xf32, #tpu.memory_space<vmem>>)
    %dma_wait3A_72 = arith.constant 0 : i32
    %dma_wait3A_73 = tpu.memref_slice %arg16[%dma_wait3A_72] : memref<8xi32, #tpu.memory_space<vmem>> -> memref<2xi32, #tpu.memory_space<vmem>>
    %dma_wait3A_74 = arith.constant 0 : i32
    %dma_wait3A_75 = arith.constant 0 : i32
    %dma_wait3A_76 = tpu.memref_slice %arg10[%dma_wait3A_74, %dma_wait3A_75] : memref<288x1792xf32, #tpu.memory_space<hbm>> -> memref<288x1792xf32, #tpu.memory_space<hbm>>
    tpu.wait_indirect_dma semaphore(%arg37 : memref<!tpu.dma_semaphore, #tpu.memory_space<semaphore_mem>>) src(%dma_wait3A_76 : memref<288x1792xf32, #tpu.memory_space<hbm>>) dst(%arg23 : memref<2x1792xf32, #tpu.memory_space<vmem>>)
    tpu.wait_dma2 semaphore(%arg37 : memref<!tpu.dma_semaphore, #tpu.memory_space<semaphore_mem>>) src(%arg4 : memref<1792xi32, #tpu.memory_space<hbm>>) dst(%arg17 : memref<1792xi32, #tpu.memory_space<vmem>>)
    tpu.wait_dma2 semaphore(%arg37 : memref<!tpu.dma_semaphore, #tpu.memory_space<semaphore_mem>>) src(%arg5 : memref<1792xi32, #tpu.memory_space<hbm>>) dst(%arg18 : memref<1792xi32, #tpu.memory_space<vmem>>)
    tpu.wait_dma2 semaphore(%arg37 : memref<!tpu.dma_semaphore, #tpu.memory_space<semaphore_mem>>) src(%arg6 : memref<2496xi32, #tpu.memory_space<hbm>>) dst(%arg19 : memref<2496xi32, #tpu.memory_space<vmem>>)
    %dma_wait3A_77 = arith.constant 0 : i32
    %dma_wait3A_78 = tpu.memref_slice %arg28[%dma_wait3A_77] : memref<4992xf32, #tpu.memory_space<vmem>> -> memref<4968xf32, #tpu.memory_space<vmem>>
    %dma_wait3A_79 = tpu.memref_slice %arg2[%mul3A_25] : memref<158976xf32, #tpu.memory_space<hbm>> -> memref<4968xf32, #tpu.memory_space<hbm>>
    %dma_wait3A_80 = arith.constant 0 : i32
    %dma_wait3A_81 = tpu.memref_slice %arg28[%dma_wait3A_80] : memref<4992xf32, #tpu.memory_space<vmem>> -> memref<4968xf32, #tpu.memory_space<vmem>>
    %dma_wait3A_82 = tpu.memref_slice %arg2[%mul3A_25] : memref<158976xf32, #tpu.memory_space<hbm>> -> memref<4968xf32, #tpu.memory_space<hbm>>
    tpu.wait_dma2 semaphore(%arg37 : memref<!tpu.dma_semaphore, #tpu.memory_space<semaphore_mem>>) src(%dma_wait3A_82 : memref<4968xf32, #tpu.memory_space<hbm>>) dst(%dma_wait3A_81 : memref<4968xf32, #tpu.memory_space<vmem>>)
    %iota3A = tpu.iota {dimensions = array<i32: 0>} : vector<16xi32>
    %add3A_83 = arith.constant 0 : i32
    %add3A_84 = arith.addi %mul3A_2, %add3A_83 : i32
    %parallel_loop3A_85 = arith.constant 0 : i32
    %parallel_loop3A_86 = arith.constant 156 : i32
    %parallel_loop3A_87 = arith.constant 1 : i32
    scf.for %parallel_loop3A_158 = %parallel_loop3A_85 to %parallel_loop3A_86 step %parallel_loop3A_87  : i32 {
      %parallel_loop3A_159 = arith.constant 16 : i32
      %parallel_loop3A_160 = arith.muli %parallel_loop3A_158, %parallel_loop3A_159 : i32
      %parallel_loop3A_161 = vector.broadcast %parallel_loop3A_160 : i32 to vector<16xi32>
      %parallel_loop3A_162 = arith.addi %parallel_loop3A_161, %iota3A : vector<16xi32>
      %parallel_loop3A_163 = arith.constant 16 : i32
      %parallel_loop3A_164 = arith.muli %parallel_loop3A_158, %parallel_loop3A_163 : i32
      %parallel_loop3A_165 = arith.index_cast %parallel_loop3A_164 : i32 to index
      %parallel_loop3A_166 = tpu.vector_load %arg19[%parallel_loop3A_165] {strides = array<i32>} : memref<2496xi32, #tpu.memory_space<vmem>>, vector<16xi32>,
      %parallel_loop3A_167 = arith.constant 16 : i32
      %parallel_loop3A_168 = arith.muli %parallel_loop3A_158, %parallel_loop3A_167 : i32
      %parallel_loop3A_169 = arith.constant 0 : i32
      %parallel_loop3A_170 = arith.addi %parallel_loop3A_169, %parallel_loop3A_168 : i32
      %parallel_loop3A_171 = arith.index_cast %parallel_loop3A_170 : i32 to index
      %parallel_loop3A_172 = tpu.vector_load %arg28[%parallel_loop3A_171] {strides = array<i32>} : memref<4992xf32, #tpu.memory_space<vmem>>, vector<16xf32>,
      %parallel_loop3A_173 = arith.addi %parallel_loop3A_162, %parallel_loop3A_166 : vector<16xi32>
      tpu.vector_store_idx %arg29[%parallel_loop3A_173], %parallel_loop3A_172 : memref<2704xf32, #tpu.memory_space<vmem>>[vector<16xi32>], vector<16xf32>,
    } {sc.loop_unroll_factor = 4 : i64, sc.parallel_access}
    %parallel_loop3A_88 = arith.constant 0 : i32
    %parallel_loop3A_89 = arith.constant 112 : i32
    %parallel_loop3A_90 = arith.constant 1 : i32
    scf.for %parallel_loop3A_158 = %parallel_loop3A_88 to %parallel_loop3A_89 step %parallel_loop3A_90  : i32 {
      %parallel_loop3A_159 = arith.constant 16 : i32
      %parallel_loop3A_160 = arith.muli %parallel_loop3A_158, %parallel_loop3A_159 : i32
      %parallel_loop3A_161 = arith.index_cast %parallel_loop3A_160 : i32 to index
      %parallel_loop3A_162 = tpu.vector_load %arg17[%parallel_loop3A_161] {strides = array<i32>} : memref<1792xi32, #tpu.memory_space<vmem>>, vector<16xi32>,
      %parallel_loop3A_163 = arith.index_cast %parallel_loop3A_160 : i32 to index
      %parallel_loop3A_164 = tpu.vector_load %arg18[%parallel_loop3A_163] {strides = array<i32>} : memref<1792xi32, #tpu.memory_space<vmem>>, vector<16xi32>,
      %parallel_loop3A_165 = arith.constant 0 : i32
      %parallel_loop3A_166 = arith.index_cast %parallel_loop3A_165 : i32 to index
      %parallel_loop3A_167 = arith.index_cast %parallel_loop3A_160 : i32 to index
      %parallel_loop3A_168 = tpu.vector_load %arg20[%parallel_loop3A_166, %parallel_loop3A_167] {strides = array<i32>} : memref<2x1792xf32, #tpu.memory_space<vmem>>, vector<16xf32>,
      %parallel_loop3A_169 = arith.constant 0 : i32
      %parallel_loop3A_170 = arith.index_cast %parallel_loop3A_169 : i32 to index
      %parallel_loop3A_171 = arith.index_cast %parallel_loop3A_160 : i32 to index
      %parallel_loop3A_172 = tpu.vector_load %arg21[%parallel_loop3A_170, %parallel_loop3A_171] {strides = array<i32>} : memref<2x1792xf32, #tpu.memory_space<vmem>>, vector<16xf32>,
      %parallel_loop3A_173 = arith.constant 0 : i32
      %parallel_loop3A_174 = arith.index_cast %parallel_loop3A_173 : i32 to index
      %parallel_loop3A_175 = arith.index_cast %parallel_loop3A_160 : i32 to index
      %parallel_loop3A_176 = tpu.vector_load %arg22[%parallel_loop3A_174, %parallel_loop3A_175] {strides = array<i32>} : memref<2x1792xf32, #tpu.memory_space<vmem>>, vector<16xf32>,
      %parallel_loop3A_177 = arith.constant 0 : i32
      %parallel_loop3A_178 = arith.index_cast %parallel_loop3A_177 : i32 to index
      %parallel_loop3A_179 = arith.index_cast %parallel_loop3A_160 : i32 to index
      %parallel_loop3A_180 = tpu.vector_load %arg23[%parallel_loop3A_178, %parallel_loop3A_179] {strides = array<i32>} : memref<2x1792xf32, #tpu.memory_space<vmem>>, vector<16xf32>,
      tpu.vector_store_idx %arg33[%parallel_loop3A_164], %parallel_loop3A_168 {add = true} : memref<208xf32, #tpu.memory_space<vmem>>[vector<16xi32>], vector<16xf32>,
      tpu.vector_store_idx %arg34[%parallel_loop3A_164], %parallel_loop3A_176 {add = true} : memref<208xf32, #tpu.memory_space<vmem>>[vector<16xi32>], vector<16xf32>,
      %parallel_loop3A_181 = arith.addf %parallel_loop3A_172, %parallel_loop3A_180 : vector<16xf32>
      tpu.vector_store_idx %arg35[%parallel_loop3A_162], %parallel_loop3A_181 {add = true} : memref<208xf32, #tpu.memory_space<vmem>>[vector<16xi32>], vector<16xf32>,
      %parallel_loop3A_182 = arith.subf %parallel_loop3A_180, %parallel_loop3A_172 : vector<16xf32>
      %parallel_loop3A_183 = arith.constant 13 : i32
      %parallel_loop3A_184 = vector.broadcast %parallel_loop3A_183 : i32 to vector<16xi32>
      %parallel_loop3A_185 = arith.muli %parallel_loop3A_162, %parallel_loop3A_184 : vector<16xi32>
      %parallel_loop3A_186 = arith.constant 13 : i32
      %parallel_loop3A_187 = vector.broadcast %parallel_loop3A_186 : i32 to vector<16xi32>
      %parallel_loop3A_188 = arith.muli %parallel_loop3A_164, %parallel_loop3A_187 : vector<16xi32>
      %parallel_loop3A_189 = arith.constant 0 : i32
      %parallel_loop3A_190 = vector.broadcast %parallel_loop3A_189 : i32 to vector<16xi32>
      %parallel_loop3A_191 = arith.addi %parallel_loop3A_185, %parallel_loop3A_190 : vector<16xi32>
      %parallel_loop3A_192 = arith.constant 0 : i32
      %parallel_loop3A_193 = vector.broadcast %parallel_loop3A_192 : i32 to vector<16xi32>
      %parallel_loop3A_194 = arith.addi %parallel_loop3A_188, %parallel_loop3A_193 : vector<16xi32>
      %parallel_loop3A_195 = tpu.vector_load_idx %arg29[%parallel_loop3A_194] : memref<2704xf32, #tpu.memory_space<vmem>>[vector<16xi32>], vector<16xf32>,
      %parallel_loop3A_196 = tpu.vector_load_idx %arg29[%parallel_loop3A_191] : memref<2704xf32, #tpu.memory_space<vmem>>[vector<16xi32>], vector<16xf32>,
      %parallel_loop3A_197 = arith.mulf %parallel_loop3A_168, %parallel_loop3A_195 : vector<16xf32>
      tpu.vector_store_idx %arg30[%parallel_loop3A_191], %parallel_loop3A_197 {add = true} : memref<2704xf32, #tpu.memory_space<vmem>>[vector<16xi32>], vector<16xf32>,
      %parallel_loop3A_198 = arith.mulf %parallel_loop3A_176, %parallel_loop3A_195 : vector<16xf32>
      tpu.vector_store_idx %arg31[%parallel_loop3A_191], %parallel_loop3A_198 {add = true} : memref<2704xf32, #tpu.memory_space<vmem>>[vector<16xi32>], vector<16xf32>,
      %parallel_loop3A_199 = arith.mulf %parallel_loop3A_182, %parallel_loop3A_196 : vector<16xf32>
      tpu.vector_store_idx %arg32[%parallel_loop3A_194], %parallel_loop3A_199 {add = true} : memref<2704xf32, #tpu.memory_space<vmem>>[vector<16xi32>], vector<16xf32>,
      %parallel_loop3A_200 = arith.constant 1 : i32
      %parallel_loop3A_201 = vector.broadcast %parallel_loop3A_200 : i32 to vector<16xi32>
      %parallel_loop3A_202 = arith.addi %parallel_loop3A_185, %parallel_loop3A_201 : vector<16xi32>
      %parallel_loop3A_203 = arith.constant 1 : i32
      %parallel_loop3A_204 = vector.broadcast %parallel_loop3A_203 : i32 to vector<16xi32>
      %parallel_loop3A_205 = arith.addi %parallel_loop3A_188, %parallel_loop3A_204 : vector<16xi32>
      %parallel_loop3A_206 = tpu.vector_load_idx %arg29[%parallel_loop3A_205] : memref<2704xf32, #tpu.memory_space<vmem>>[vector<16xi32>], vector<16xf32>,
      %parallel_loop3A_207 = tpu.vector_load_idx %arg29[%parallel_loop3A_202] : memref<2704xf32, #tpu.memory_space<vmem>>[vector<16xi32>], vector<16xf32>,
      %parallel_loop3A_208 = arith.mulf %parallel_loop3A_168, %parallel_loop3A_206 : vector<16xf32>
      tpu.vector_store_idx %arg30[%parallel_loop3A_202], %parallel_loop3A_208 {add = true} : memref<2704xf32, #tpu.memory_space<vmem>>[vector<16xi32>], vector<16xf32>,
      %parallel_loop3A_209 = arith.mulf %parallel_loop3A_176, %parallel_loop3A_206 : vector<16xf32>
      tpu.vector_store_idx %arg31[%parallel_loop3A_202], %parallel_loop3A_209 {add = true} : memref<2704xf32, #tpu.memory_space<vmem>>[vector<16xi32>], vector<16xf32>,
      %parallel_loop3A_210 = arith.mulf %parallel_loop3A_182, %parallel_loop3A_207 : vector<16xf32>
      tpu.vector_store_idx %arg32[%parallel_loop3A_205], %parallel_loop3A_210 {add = true} : memref<2704xf32, #tpu.memory_space<vmem>>[vector<16xi32>], vector<16xf32>,
      %parallel_loop3A_211 = arith.constant 2 : i32
      %parallel_loop3A_212 = vector.broadcast %parallel_loop3A_211 : i32 to vector<16xi32>
      %parallel_loop3A_213 = arith.addi %parallel_loop3A_185, %parallel_loop3A_212 : vector<16xi32>
      %parallel_loop3A_214 = arith.constant 2 : i32
      %parallel_loop3A_215 = vector.broadcast %parallel_loop3A_214 : i32 to vector<16xi32>
      %parallel_loop3A_216 = arith.addi %parallel_loop3A_188, %parallel_loop3A_215 : vector<16xi32>
      %parallel_loop3A_217 = tpu.vector_load_idx %arg29[%parallel_loop3A_216] : memref<2704xf32, #tpu.memory_space<vmem>>[vector<16xi32>], vector<16xf32>,
      %parallel_loop3A_218 = tpu.vector_load_idx %arg29[%parallel_loop3A_213] : memref<2704xf32, #tpu.memory_space<vmem>>[vector<16xi32>], vector<16xf32>,
      %parallel_loop3A_219 = arith.mulf %parallel_loop3A_168, %parallel_loop3A_217 : vector<16xf32>
      tpu.vector_store_idx %arg30[%parallel_loop3A_213], %parallel_loop3A_219 {add = true} : memref<2704xf32, #tpu.memory_space<vmem>>[vector<16xi32>], vector<16xf32>,
      %parallel_loop3A_220 = arith.mulf %parallel_loop3A_176, %parallel_loop3A_217 : vector<16xf32>
      tpu.vector_store_idx %arg31[%parallel_loop3A_213], %parallel_loop3A_220 {add = true} : memref<2704xf32, #tpu.memory_space<vmem>>[vector<16xi32>], vector<16xf32>,
      %parallel_loop3A_221 = arith.mulf %parallel_loop3A_182, %parallel_loop3A_218 : vector<16xf32>
      tpu.vector_store_idx %arg32[%parallel_loop3A_216], %parallel_loop3A_221 {add = true} : memref<2704xf32, #tpu.memory_space<vmem>>[vector<16xi32>], vector<16xf32>,
      %parallel_loop3A_222 = arith.constant 3 : i32
      %parallel_loop3A_223 = vector.broadcast %parallel_loop3A_222 : i32 to vector<16xi32>
      %parallel_loop3A_224 = arith.addi %parallel_loop3A_185, %parallel_loop3A_223 : vector<16xi32>
      %parallel_loop3A_225 = arith.constant 3 : i32
      %parallel_loop3A_226 = vector.broadcast %parallel_loop3A_225 : i32 to vector<16xi32>
      %parallel_loop3A_227 = arith.addi %parallel_loop3A_188, %parallel_loop3A_226 : vector<16xi32>
      %parallel_loop3A_228 = tpu.vector_load_idx %arg29[%parallel_loop3A_227] : memref<2704xf32, #tpu.memory_space<vmem>>[vector<16xi32>], vector<16xf32>,
      %parallel_loop3A_229 = tpu.vector_load_idx %arg29[%parallel_loop3A_224] : memref<2704xf32, #tpu.memory_space<vmem>>[vector<16xi32>], vector<16xf32>,
      %parallel_loop3A_230 = arith.mulf %parallel_loop3A_168, %parallel_loop3A_228 : vector<16xf32>
      tpu.vector_store_idx %arg30[%parallel_loop3A_224], %parallel_loop3A_230 {add = true} : memref<2704xf32, #tpu.memory_space<vmem>>[vector<16xi32>], vector<16xf32>,
      %parallel_loop3A_231 = arith.mulf %parallel_loop3A_176, %parallel_loop3A_228 : vector<16xf32>
      tpu.vector_store_idx %arg31[%parallel_loop3A_224], %parallel_loop3A_231 {add = true} : memref<2704xf32, #tpu.memory_space<vmem>>[vector<16xi32>], vector<16xf32>,
      %parallel_loop3A_232 = arith.mulf %parallel_loop3A_182, %parallel_loop3A_229 : vector<16xf32>
      tpu.vector_store_idx %arg32[%parallel_loop3A_227], %parallel_loop3A_232 {add = true} : memref<2704xf32, #tpu.memory_space<vmem>>[vector<16xi32>], vector<16xf32>,
      %parallel_loop3A_233 = arith.constant 4 : i32
      %parallel_loop3A_234 = vector.broadcast %parallel_loop3A_233 : i32 to vector<16xi32>
      %parallel_loop3A_235 = arith.addi %parallel_loop3A_185, %parallel_loop3A_234 : vector<16xi32>
      %parallel_loop3A_236 = arith.constant 4 : i32
      %parallel_loop3A_237 = vector.broadcast %parallel_loop3A_236 : i32 to vector<16xi32>
      %parallel_loop3A_238 = arith.addi %parallel_loop3A_188, %parallel_loop3A_237 : vector<16xi32>
      %parallel_loop3A_239 = tpu.vector_load_idx %arg29[%parallel_loop3A_238] : memref<2704xf32, #tpu.memory_space<vmem>>[vector<16xi32>], vector<16xf32>,
      %parallel_loop3A_240 = tpu.vector_load_idx %arg29[%parallel_loop3A_235] : memref<2704xf32, #tpu.memory_space<vmem>>[vector<16xi32>], vector<16xf32>,
      %parallel_loop3A_241 = arith.mulf %parallel_loop3A_168, %parallel_loop3A_239 : vector<16xf32>
      tpu.vector_store_idx %arg30[%parallel_loop3A_235], %parallel_loop3A_241 {add = true} : memref<2704xf32, #tpu.memory_space<vmem>>[vector<16xi32>], vector<16xf32>,
      %parallel_loop3A_242 = arith.mulf %parallel_loop3A_176, %parallel_loop3A_239 : vector<16xf32>
      tpu.vector_store_idx %arg31[%parallel_loop3A_235], %parallel_loop3A_242 {add = true} : memref<2704xf32, #tpu.memory_space<vmem>>[vector<16xi32>], vector<16xf32>,
      %parallel_loop3A_243 = arith.mulf %parallel_loop3A_182, %parallel_loop3A_240 : vector<16xf32>
      tpu.vector_store_idx %arg32[%parallel_loop3A_238], %parallel_loop3A_243 {add = true} : memref<2704xf32, #tpu.memory_space<vmem>>[vector<16xi32>], vector<16xf32>,
      %parallel_loop3A_244 = arith.constant 5 : i32
      %parallel_loop3A_245 = vector.broadcast %parallel_loop3A_244 : i32 to vector<16xi32>
      %parallel_loop3A_246 = arith.addi %parallel_loop3A_185, %parallel_loop3A_245 : vector<16xi32>
      %parallel_loop3A_247 = arith.constant 5 : i32
      %parallel_loop3A_248 = vector.broadcast %parallel_loop3A_247 : i32 to vector<16xi32>
      %parallel_loop3A_249 = arith.addi %parallel_loop3A_188, %parallel_loop3A_248 : vector<16xi32>
      %parallel_loop3A_250 = tpu.vector_load_idx %arg29[%parallel_loop3A_249] : memref<2704xf32, #tpu.memory_space<vmem>>[vector<16xi32>], vector<16xf32>,
      %parallel_loop3A_251 = tpu.vector_load_idx %arg29[%parallel_loop3A_246] : memref<2704xf32, #tpu.memory_space<vmem>>[vector<16xi32>], vector<16xf32>,
      %parallel_loop3A_252 = arith.mulf %parallel_loop3A_168, %parallel_loop3A_250 : vector<16xf32>
      tpu.vector_store_idx %arg30[%parallel_loop3A_246], %parallel_loop3A_252 {add = true} : memref<2704xf32, #tpu.memory_space<vmem>>[vector<16xi32>], vector<16xf32>,
      %parallel_loop3A_253 = arith.mulf %parallel_loop3A_176, %parallel_loop3A_250 : vector<16xf32>
      tpu.vector_store_idx %arg31[%parallel_loop3A_246], %parallel_loop3A_253 {add = true} : memref<2704xf32, #tpu.memory_space<vmem>>[vector<16xi32>], vector<16xf32>,
      %parallel_loop3A_254 = arith.mulf %parallel_loop3A_182, %parallel_loop3A_251 : vector<16xf32>
      tpu.vector_store_idx %arg32[%parallel_loop3A_249], %parallel_loop3A_254 {add = true} : memref<2704xf32, #tpu.memory_space<vmem>>[vector<16xi32>], vector<16xf32>,
      %parallel_loop3A_255 = arith.constant 6 : i32
      %parallel_loop3A_256 = vector.broadcast %parallel_loop3A_255 : i32 to vector<16xi32>
      %parallel_loop3A_257 = arith.addi %parallel_loop3A_185, %parallel_loop3A_256 : vector<16xi32>
      %parallel_loop3A_258 = arith.constant 6 : i32
      %parallel_loop3A_259 = vector.broadcast %parallel_loop3A_258 : i32 to vector<16xi32>
      %parallel_loop3A_260 = arith.addi %parallel_loop3A_188, %parallel_loop3A_259 : vector<16xi32>
      %parallel_loop3A_261 = tpu.vector_load_idx %arg29[%parallel_loop3A_260] : memref<2704xf32, #tpu.memory_space<vmem>>[vector<16xi32>], vector<16xf32>,
      %parallel_loop3A_262 = tpu.vector_load_idx %arg29[%parallel_loop3A_257] : memref<2704xf32, #tpu.memory_space<vmem>>[vector<16xi32>], vector<16xf32>,
      %parallel_loop3A_263 = arith.mulf %parallel_loop3A_168, %parallel_loop3A_261 : vector<16xf32>
      tpu.vector_store_idx %arg30[%parallel_loop3A_257], %parallel_loop3A_263 {add = true} : memref<2704xf32, #tpu.memory_space<vmem>>[vector<16xi32>], vector<16xf32>,
      %parallel_loop3A_264 = arith.mulf %parallel_loop3A_176, %parallel_loop3A_261 : vector<16xf32>
      tpu.vector_store_idx %arg31[%parallel_loop3A_257], %parallel_loop3A_264 {add = true} : memref<2704xf32, #tpu.memory_space<vmem>>[vector<16xi32>], vector<16xf32>,
      %parallel_loop3A_265 = arith.mulf %parallel_loop3A_182, %parallel_loop3A_262 : vector<16xf32>
      tpu.vector_store_idx %arg32[%parallel_loop3A_260], %parallel_loop3A_265 {add = true} : memref<2704xf32, #tpu.memory_space<vmem>>[vector<16xi32>], vector<16xf32>,
      %parallel_loop3A_266 = arith.constant 7 : i32
      %parallel_loop3A_267 = vector.broadcast %parallel_loop3A_266 : i32 to vector<16xi32>
      %parallel_loop3A_268 = arith.addi %parallel_loop3A_185, %parallel_loop3A_267 : vector<16xi32>
      %parallel_loop3A_269 = arith.constant 7 : i32
      %parallel_loop3A_270 = vector.broadcast %parallel_loop3A_269 : i32 to vector<16xi32>
      %parallel_loop3A_271 = arith.addi %parallel_loop3A_188, %parallel_loop3A_270 : vector<16xi32>
      %parallel_loop3A_272 = tpu.vector_load_idx %arg29[%parallel_loop3A_271] : memref<2704xf32, #tpu.memory_space<vmem>>[vector<16xi32>], vector<16xf32>,
      %parallel_loop3A_273 = tpu.vector_load_idx %arg29[%parallel_loop3A_268] : memref<2704xf32, #tpu.memory_space<vmem>>[vector<16xi32>], vector<16xf32>,
      %parallel_loop3A_274 = arith.mulf %parallel_loop3A_168, %parallel_loop3A_272 : vector<16xf32>
      tpu.vector_store_idx %arg30[%parallel_loop3A_268], %parallel_loop3A_274 {add = true} : memref<2704xf32, #tpu.memory_space<vmem>>[vector<16xi32>], vector<16xf32>,
      %parallel_loop3A_275 = arith.mulf %parallel_loop3A_176, %parallel_loop3A_272 : vector<16xf32>
      tpu.vector_store_idx %arg31[%parallel_loop3A_268], %parallel_loop3A_275 {add = true} : memref<2704xf32, #tpu.memory_space<vmem>>[vector<16xi32>], vector<16xf32>,
      %parallel_loop3A_276 = arith.mulf %parallel_loop3A_182, %parallel_loop3A_273 : vector<16xf32>
      tpu.vector_store_idx %arg32[%parallel_loop3A_271], %parallel_loop3A_276 {add = true} : memref<2704xf32, #tpu.memory_space<vmem>>[vector<16xi32>], vector<16xf32>,
      %parallel_loop3A_277 = arith.constant 8 : i32
      %parallel_loop3A_278 = vector.broadcast %parallel_loop3A_277 : i32 to vector<16xi32>
      %parallel_loop3A_279 = arith.addi %parallel_loop3A_185, %parallel_loop3A_278 : vector<16xi32>
      %parallel_loop3A_280 = arith.constant 8 : i32
      %parallel_loop3A_281 = vector.broadcast %parallel_loop3A_280 : i32 to vector<16xi32>
      %parallel_loop3A_282 = arith.addi %parallel_loop3A_188, %parallel_loop3A_281 : vector<16xi32>
      %parallel_loop3A_283 = tpu.vector_load_idx %arg29[%parallel_loop3A_282] : memref<2704xf32, #tpu.memory_space<vmem>>[vector<16xi32>], vector<16xf32>,
      %parallel_loop3A_284 = tpu.vector_load_idx %arg29[%parallel_loop3A_279] : memref<2704xf32, #tpu.memory_space<vmem>>[vector<16xi32>], vector<16xf32>,
      %parallel_loop3A_285 = arith.mulf %parallel_loop3A_168, %parallel_loop3A_283 : vector<16xf32>
      tpu.vector_store_idx %arg30[%parallel_loop3A_279], %parallel_loop3A_285 {add = true} : memref<2704xf32, #tpu.memory_space<vmem>>[vector<16xi32>], vector<16xf32>,
      %parallel_loop3A_286 = arith.mulf %parallel_loop3A_176, %parallel_loop3A_283 : vector<16xf32>
      tpu.vector_store_idx %arg31[%parallel_loop3A_279], %parallel_loop3A_286 {add = true} : memref<2704xf32, #tpu.memory_space<vmem>>[vector<16xi32>], vector<16xf32>,
      %parallel_loop3A_287 = arith.mulf %parallel_loop3A_182, %parallel_loop3A_284 : vector<16xf32>
      tpu.vector_store_idx %arg32[%parallel_loop3A_282], %parallel_loop3A_287 {add = true} : memref<2704xf32, #tpu.memory_space<vmem>>[vector<16xi32>], vector<16xf32>,
      %parallel_loop3A_288 = arith.constant 9 : i32
      %parallel_loop3A_289 = vector.broadcast %parallel_loop3A_288 : i32 to vector<16xi32>
      %parallel_loop3A_290 = arith.addi %parallel_loop3A_185, %parallel_loop3A_289 : vector<16xi32>
      %parallel_loop3A_291 = arith.constant 9 : i32
      %parallel_loop3A_292 = vector.broadcast %parallel_loop3A_291 : i32 to vector<16xi32>
      %parallel_loop3A_293 = arith.addi %parallel_loop3A_188, %parallel_loop3A_292 : vector<16xi32>
      %parallel_loop3A_294 = tpu.vector_load_idx %arg29[%parallel_loop3A_293] : memref<2704xf32, #tpu.memory_space<vmem>>[vector<16xi32>], vector<16xf32>,
      %parallel_loop3A_295 = tpu.vector_load_idx %arg29[%parallel_loop3A_290] : memref<2704xf32, #tpu.memory_space<vmem>>[vector<16xi32>], vector<16xf32>,
      %parallel_loop3A_296 = arith.mulf %parallel_loop3A_168, %parallel_loop3A_294 : vector<16xf32>
      tpu.vector_store_idx %arg30[%parallel_loop3A_290], %parallel_loop3A_296 {add = true} : memref<2704xf32, #tpu.memory_space<vmem>>[vector<16xi32>], vector<16xf32>,
      %parallel_loop3A_297 = arith.mulf %parallel_loop3A_176, %parallel_loop3A_294 : vector<16xf32>
      tpu.vector_store_idx %arg31[%parallel_loop3A_290], %parallel_loop3A_297 {add = true} : memref<2704xf32, #tpu.memory_space<vmem>>[vector<16xi32>], vector<16xf32>,
      %parallel_loop3A_298 = arith.mulf %parallel_loop3A_182, %parallel_loop3A_295 : vector<16xf32>
      tpu.vector_store_idx %arg32[%parallel_loop3A_293], %parallel_loop3A_298 {add = true} : memref<2704xf32, #tpu.memory_space<vmem>>[vector<16xi32>], vector<16xf32>,
      %parallel_loop3A_299 = arith.constant 10 : i32
      %parallel_loop3A_300 = vector.broadcast %parallel_loop3A_299 : i32 to vector<16xi32>
      %parallel_loop3A_301 = arith.addi %parallel_loop3A_185, %parallel_loop3A_300 : vector<16xi32>
      %parallel_loop3A_302 = arith.constant 10 : i32
      %parallel_loop3A_303 = vector.broadcast %parallel_loop3A_302 : i32 to vector<16xi32>
      %parallel_loop3A_304 = arith.addi %parallel_loop3A_188, %parallel_loop3A_303 : vector<16xi32>
      %parallel_loop3A_305 = tpu.vector_load_idx %arg29[%parallel_loop3A_304] : memref<2704xf32, #tpu.memory_space<vmem>>[vector<16xi32>], vector<16xf32>,
      %parallel_loop3A_306 = tpu.vector_load_idx %arg29[%parallel_loop3A_301] : memref<2704xf32, #tpu.memory_space<vmem>>[vector<16xi32>], vector<16xf32>,
      %parallel_loop3A_307 = arith.mulf %parallel_loop3A_168, %parallel_loop3A_305 : vector<16xf32>
      tpu.vector_store_idx %arg30[%parallel_loop3A_301], %parallel_loop3A_307 {add = true} : memref<2704xf32, #tpu.memory_space<vmem>>[vector<16xi32>], vector<16xf32>,
      %parallel_loop3A_308 = arith.mulf %parallel_loop3A_176, %parallel_loop3A_305 : vector<16xf32>
      tpu.vector_store_idx %arg31[%parallel_loop3A_301], %parallel_loop3A_308 {add = true} : memref<2704xf32, #tpu.memory_space<vmem>>[vector<16xi32>], vector<16xf32>,
      %parallel_loop3A_309 = arith.mulf %parallel_loop3A_182, %parallel_loop3A_306 : vector<16xf32>
      tpu.vector_store_idx %arg32[%parallel_loop3A_304], %parallel_loop3A_309 {add = true} : memref<2704xf32, #tpu.memory_space<vmem>>[vector<16xi32>], vector<16xf32>,
      %parallel_loop3A_310 = arith.constant 11 : i32
      %parallel_loop3A_311 = vector.broadcast %parallel_loop3A_310 : i32 to vector<16xi32>
      %parallel_loop3A_312 = arith.addi %parallel_loop3A_185, %parallel_loop3A_311 : vector<16xi32>
      %parallel_loop3A_313 = arith.constant 11 : i32
      %parallel_loop3A_314 = vector.broadcast %parallel_loop3A_313 : i32 to vector<16xi32>
      %parallel_loop3A_315 = arith.addi %parallel_loop3A_188, %parallel_loop3A_314 : vector<16xi32>
      %parallel_loop3A_316 = tpu.vector_load_idx %arg29[%parallel_loop3A_315] : memref<2704xf32, #tpu.memory_space<vmem>>[vector<16xi32>], vector<16xf32>,
      %parallel_loop3A_317 = tpu.vector_load_idx %arg29[%parallel_loop3A_312] : memref<2704xf32, #tpu.memory_space<vmem>>[vector<16xi32>], vector<16xf32>,
      %parallel_loop3A_318 = arith.mulf %parallel_loop3A_168, %parallel_loop3A_316 : vector<16xf32>
      tpu.vector_store_idx %arg30[%parallel_loop3A_312], %parallel_loop3A_318 {add = true} : memref<2704xf32, #tpu.memory_space<vmem>>[vector<16xi32>], vector<16xf32>,
      %parallel_loop3A_319 = arith.mulf %parallel_loop3A_176, %parallel_loop3A_316 : vector<16xf32>
      tpu.vector_store_idx %arg31[%parallel_loop3A_312], %parallel_loop3A_319 {add = true} : memref<2704xf32, #tpu.memory_space<vmem>>[vector<16xi32>], vector<16xf32>,
      %parallel_loop3A_320 = arith.mulf %parallel_loop3A_182, %parallel_loop3A_317 : vector<16xf32>
      tpu.vector_store_idx %arg32[%parallel_loop3A_315], %parallel_loop3A_320 {add = true} : memref<2704xf32, #tpu.memory_space<vmem>>[vector<16xi32>], vector<16xf32>,
    } {sc.loop_unroll_factor = 2 : i64, sc.parallel_access}
    %dma_wait3A_91 = arith.constant 0 : i32
    %dma_wait3A_92 = tpu.memref_slice %arg16[%dma_wait3A_91] : memref<8xi32, #tpu.memory_space<vmem>> -> memref<2xi32, #tpu.memory_space<vmem>>
    %dma_wait3A_93 = arith.constant 0 : i32
    %dma_wait3A_94 = arith.constant 0 : i32
    %dma_wait3A_95 = tpu.memref_slice %arg11[%dma_wait3A_93, %dma_wait3A_94] : memref<288x256xf32, #tpu.memory_space<hbm>> -> memref<288x256xf32, #tpu.memory_space<hbm>>
    tpu.wait_indirect_dma semaphore(%arg38 : memref<!tpu.dma_semaphore, #tpu.memory_space<semaphore_mem>>) src(%dma_wait3A_95 : memref<288x256xf32, #tpu.memory_space<hbm>>) dst(%arg24 : memref<2x256xf32, #tpu.memory_space<vmem>>)
    %dma_wait3A_96 = arith.constant 0 : i32
    %dma_wait3A_97 = tpu.memref_slice %arg16[%dma_wait3A_96] : memref<8xi32, #tpu.memory_space<vmem>> -> memref<2xi32, #tpu.memory_space<vmem>>
    %dma_wait3A_98 = arith.constant 0 : i32
    %dma_wait3A_99 = arith.constant 0 : i32
    %dma_wait3A_100 = tpu.memref_slice %arg12[%dma_wait3A_98, %dma_wait3A_99] : memref<288x256xf32, #tpu.memory_space<hbm>> -> memref<288x256xf32, #tpu.memory_space<hbm>>
    tpu.wait_indirect_dma semaphore(%arg38 : memref<!tpu.dma_semaphore, #tpu.memory_space<semaphore_mem>>) src(%dma_wait3A_100 : memref<288x256xf32, #tpu.memory_space<hbm>>) dst(%arg25 : memref<2x256xf32, #tpu.memory_space<vmem>>)
    %dma_wait3A_101 = arith.constant 0 : i32
    %dma_wait3A_102 = tpu.memref_slice %arg16[%dma_wait3A_101] : memref<8xi32, #tpu.memory_space<vmem>> -> memref<2xi32, #tpu.memory_space<vmem>>
    %dma_wait3A_103 = arith.constant 0 : i32
    %dma_wait3A_104 = arith.constant 0 : i32
    %dma_wait3A_105 = tpu.memref_slice %arg13[%dma_wait3A_103, %dma_wait3A_104] : memref<288x256xf32, #tpu.memory_space<hbm>> -> memref<288x256xf32, #tpu.memory_space<hbm>>
    tpu.wait_indirect_dma semaphore(%arg38 : memref<!tpu.dma_semaphore, #tpu.memory_space<semaphore_mem>>) src(%dma_wait3A_105 : memref<288x256xf32, #tpu.memory_space<hbm>>) dst(%arg26 : memref<2x256xf32, #tpu.memory_space<vmem>>)
    %dma_wait3A_106 = arith.constant 0 : i32
    %dma_wait3A_107 = tpu.memref_slice %arg16[%dma_wait3A_106] : memref<8xi32, #tpu.memory_space<vmem>> -> memref<2xi32, #tpu.memory_space<vmem>>
    %dma_wait3A_108 = arith.constant 0 : i32
    %dma_wait3A_109 = arith.constant 0 : i32
    %dma_wait3A_110 = tpu.memref_slice %arg14[%dma_wait3A_108, %dma_wait3A_109] : memref<288x256xf32, #tpu.memory_space<hbm>> -> memref<288x256xf32, #tpu.memory_space<hbm>>
    tpu.wait_indirect_dma semaphore(%arg38 : memref<!tpu.dma_semaphore, #tpu.memory_space<semaphore_mem>>) src(%dma_wait3A_110 : memref<288x256xf32, #tpu.memory_space<hbm>>) dst(%arg27 : memref<2x256xf32, #tpu.memory_space<vmem>>)
    %parallel_loop3A_111 = arith.constant 0 : i32
    %parallel_loop3A_112 = arith.constant 13 : i32
    %parallel_loop3A_113 = arith.constant 1 : i32
    scf.for %parallel_loop3A_158 = %parallel_loop3A_111 to %parallel_loop3A_112 step %parallel_loop3A_113  : i32 {
      %parallel_loop3A_159 = arith.constant 16 : i32
      %parallel_loop3A_160 = arith.muli %parallel_loop3A_158, %parallel_loop3A_159 : i32
      %parallel_loop3A_161 = arith.constant 0 : i32
      %parallel_loop3A_162 = arith.index_cast %parallel_loop3A_161 : i32 to index
      %parallel_loop3A_163 = arith.index_cast %parallel_loop3A_160 : i32 to index
      %parallel_loop3A_164 = tpu.vector_load %arg25[%parallel_loop3A_162, %parallel_loop3A_163] {strides = array<i32>} : memref<2x256xf32, #tpu.memory_space<vmem>>, vector<16xf32>,
      %parallel_loop3A_165 = arith.constant 16 : i32
      %parallel_loop3A_166 = arith.muli %parallel_loop3A_158, %parallel_loop3A_165 : i32
      %parallel_loop3A_167 = arith.constant 0 : i32
      %parallel_loop3A_168 = arith.index_cast %parallel_loop3A_167 : i32 to index
      %parallel_loop3A_169 = arith.index_cast %parallel_loop3A_166 : i32 to index
      %parallel_loop3A_170 = tpu.vector_load %arg27[%parallel_loop3A_168, %parallel_loop3A_169] {strides = array<i32>} : memref<2x256xf32, #tpu.memory_space<vmem>>, vector<16xf32>,
      %parallel_loop3A_171 = arith.addf %parallel_loop3A_164, %parallel_loop3A_170 : vector<16xf32>
      %parallel_loop3A_172 = arith.constant 16 : i32
      %parallel_loop3A_173 = arith.muli %parallel_loop3A_158, %parallel_loop3A_172 : i32
      %parallel_loop3A_174 = arith.constant 0 : i32
      %parallel_loop3A_175 = arith.index_cast %parallel_loop3A_174 : i32 to index
      %parallel_loop3A_176 = arith.index_cast %parallel_loop3A_173 : i32 to index
      %parallel_loop3A_177 = tpu.vector_load %arg25[%parallel_loop3A_175, %parallel_loop3A_176] {strides = array<i32>} : memref<2x256xf32, #tpu.memory_space<vmem>>, vector<16xf32>,
      tpu.vector_store %arg25[%parallel_loop3A_175, %parallel_loop3A_176], %parallel_loop3A_171 {strides = array<i32>} : memref<2x256xf32, #tpu.memory_space<vmem>>, vector<16xf32>,
    } {sc.loop_unroll_factor = 4 : i64, sc.parallel_access}
    %parallel_loop3A_114 = arith.constant 0 : i32
    %parallel_loop3A_115 = arith.constant 13 : i32
    %parallel_loop3A_116 = arith.constant 1 : i32
    scf.for %parallel_loop3A_158 = %parallel_loop3A_114 to %parallel_loop3A_115 step %parallel_loop3A_116  : i32 {
      %parallel_loop3A_159 = arith.constant 16 : i32
      %parallel_loop3A_160 = arith.muli %parallel_loop3A_158, %parallel_loop3A_159 : i32
      %parallel_loop3A_161 = arith.constant 1 : i32
      %parallel_loop3A_162 = arith.index_cast %parallel_loop3A_161 : i32 to index
      %parallel_loop3A_163 = arith.index_cast %parallel_loop3A_160 : i32 to index
      %parallel_loop3A_164 = tpu.vector_load %arg25[%parallel_loop3A_162, %parallel_loop3A_163] {strides = array<i32>} : memref<2x256xf32, #tpu.memory_space<vmem>>, vector<16xf32>,
      %parallel_loop3A_165 = arith.constant 16 : i32
      %parallel_loop3A_166 = arith.muli %parallel_loop3A_158, %parallel_loop3A_165 : i32
      %parallel_loop3A_167 = arith.constant 1 : i32
      %parallel_loop3A_168 = arith.index_cast %parallel_loop3A_167 : i32 to index
      %parallel_loop3A_169 = arith.index_cast %parallel_loop3A_166 : i32 to index
      %parallel_loop3A_170 = tpu.vector_load %arg27[%parallel_loop3A_168, %parallel_loop3A_169] {strides = array<i32>} : memref<2x256xf32, #tpu.memory_space<vmem>>, vector<16xf32>,
      %parallel_loop3A_171 = arith.addf %parallel_loop3A_164, %parallel_loop3A_170 : vector<16xf32>
      %parallel_loop3A_172 = arith.constant 16 : i32
      %parallel_loop3A_173 = arith.muli %parallel_loop3A_158, %parallel_loop3A_172 : i32
      %parallel_loop3A_174 = arith.constant 1 : i32
      %parallel_loop3A_175 = arith.index_cast %parallel_loop3A_174 : i32 to index
      %parallel_loop3A_176 = arith.index_cast %parallel_loop3A_173 : i32 to index
      %parallel_loop3A_177 = tpu.vector_load %arg25[%parallel_loop3A_175, %parallel_loop3A_176] {strides = array<i32>} : memref<2x256xf32, #tpu.memory_space<vmem>>, vector<16xf32>,
      tpu.vector_store %arg25[%parallel_loop3A_175, %parallel_loop3A_176], %parallel_loop3A_171 {strides = array<i32>} : memref<2x256xf32, #tpu.memory_space<vmem>>, vector<16xf32>,
    } {sc.loop_unroll_factor = 4 : i64, sc.parallel_access}
    %broadcast_in_dim3A_117 = vector.broadcast %add3A_84 : i32 to vector<16xi32>
    %eq3A = arith.constant 0 : i32
    %eq3A_118 = vector.broadcast %eq3A : i32 to vector<16xi32>
    %eq3A_119 = arith.cmpi eq, %broadcast_in_dim3A_117, %eq3A_118 : vector<16xi32>
    %jit3A = arith.constant 0.000000e+00 : f32
    %jit3A_120 = arith.constant 1.000000e+00 : f32
    %broadcast_in_dim3A_121 = vector.broadcast %jit3A : f32 to vector<16xf32>
    %broadcast_in_dim3A_122 = vector.broadcast %jit3A_120 : f32 to vector<16xf32>
    %select_n3A = arith.select %eq3A_119, %broadcast_in_dim3A_121, %broadcast_in_dim3A_122 : vector<16xi1>, vector<16xf32>
    %broadcast_in_dim3A_123 = arith.constant 0 : i32
    %broadcast_in_dim3A_124 = vector.broadcast %broadcast_in_dim3A_123 : i32 to vector<16xi32>
    %parallel_loop3A_125 = arith.constant 0 : i32
    %parallel_loop3A_126 = arith.constant 156 : i32
    %parallel_loop3A_127 = arith.constant 1 : i32
    scf.for %parallel_loop3A_158 = %parallel_loop3A_125 to %parallel_loop3A_126 step %parallel_loop3A_127  : i32 {
      %parallel_loop3A_159 = arith.constant 16 : i32
      %parallel_loop3A_160 = arith.muli %parallel_loop3A_158, %parallel_loop3A_159 : i32
      %parallel_loop3A_161 = arith.index_cast %parallel_loop3A_160 : i32 to index
      %parallel_loop3A_162 = tpu.vector_load %arg19[%parallel_loop3A_161] {strides = array<i32>} : memref<2496xi32, #tpu.memory_space<vmem>>, vector<16xi32>,
      %parallel_loop3A_163 = arith.constant 16 : i32
      %parallel_loop3A_164 = arith.muli %parallel_loop3A_158, %parallel_loop3A_163 : i32
      %parallel_loop3A_165 = vector.broadcast %parallel_loop3A_164 : i32 to vector<16xi32>
      %parallel_loop3A_166 = arith.addi %parallel_loop3A_165, %iota3A : vector<16xi32>
      %parallel_loop3A_167 = arith.addi %parallel_loop3A_166, %parallel_loop3A_162 : vector<16xi32>
      %parallel_loop3A_168 = tpu.vector_load_idx %arg29[%parallel_loop3A_167] : memref<2704xf32, #tpu.memory_space<vmem>>[vector<16xi32>], vector<16xf32>,
      %parallel_loop3A_169 = tpu.vector_load_idx %arg33[%parallel_loop3A_162] : memref<208xf32, #tpu.memory_space<vmem>>[vector<16xi32>], vector<16xf32>,
      %parallel_loop3A_170 = arith.mulf %parallel_loop3A_169, %parallel_loop3A_168 : vector<16xf32>
      %parallel_loop3A_171 = tpu.vector_load_idx %arg30[%parallel_loop3A_167] : memref<2704xf32, #tpu.memory_space<vmem>>[vector<16xi32>], vector<16xf32>,
      %parallel_loop3A_172 = arith.subf %parallel_loop3A_170, %parallel_loop3A_171 : vector<16xf32>
      %parallel_loop3A_173 = tpu.vector_load_idx %arg24[%broadcast_in_dim3A_124, %parallel_loop3A_162] : memref<2x256xf32, #tpu.memory_space<vmem>>[vector<16xi32>, vector<16xi32>], vector<16xf32>,
      %parallel_loop3A_174 = arith.addf %parallel_loop3A_172, %parallel_loop3A_173 : vector<16xf32>
      %parallel_loop3A_175 = tpu.vector_load_idx %arg34[%parallel_loop3A_162] : memref<208xf32, #tpu.memory_space<vmem>>[vector<16xi32>], vector<16xf32>,
      %parallel_loop3A_176 = arith.mulf %parallel_loop3A_175, %select_n3A : vector<16xf32>
      %parallel_loop3A_177 = arith.mulf %parallel_loop3A_176, %parallel_loop3A_168 : vector<16xf32>
      %parallel_loop3A_178 = tpu.vector_load_idx %arg31[%parallel_loop3A_167] : memref<2704xf32, #tpu.memory_space<vmem>>[vector<16xi32>], vector<16xf32>,
      %parallel_loop3A_179 = arith.addf %parallel_loop3A_177, %parallel_loop3A_178 : vector<16xf32>
      %parallel_loop3A_180 = tpu.vector_load_idx %arg26[%broadcast_in_dim3A_124, %parallel_loop3A_162] : memref<2x256xf32, #tpu.memory_space<vmem>>[vector<16xi32>, vector<16xi32>], vector<16xf32>,
      %parallel_loop3A_181 = arith.addf %parallel_loop3A_179, %parallel_loop3A_180 : vector<16xf32>
      %parallel_loop3A_182 = tpu.vector_load_idx %arg35[%parallel_loop3A_162] : memref<208xf32, #tpu.memory_space<vmem>>[vector<16xi32>], vector<16xf32>,
      %parallel_loop3A_183 = arith.mulf %parallel_loop3A_182, %parallel_loop3A_168 : vector<16xf32>
      %parallel_loop3A_184 = tpu.vector_load_idx %arg32[%parallel_loop3A_167] : memref<2704xf32, #tpu.memory_space<vmem>>[vector<16xi32>], vector<16xf32>,
      %parallel_loop3A_185 = arith.addf %parallel_loop3A_183, %parallel_loop3A_184 : vector<16xf32>
      %parallel_loop3A_186 = tpu.vector_load_idx %arg25[%broadcast_in_dim3A_124, %parallel_loop3A_162] : memref<2x256xf32, #tpu.memory_space<vmem>>[vector<16xi32>, vector<16xi32>], vector<16xf32>,
      %parallel_loop3A_187 = arith.addf %parallel_loop3A_185, %parallel_loop3A_186 : vector<16xf32>
      %parallel_loop3A_188 = math.absf %parallel_loop3A_174 : vector<16xf32>
      %parallel_loop3A_189 = arith.constant 2.000000e+00 : f32
      %parallel_loop3A_190 = vector.broadcast %parallel_loop3A_189 : f32 to vector<16xf32>
      %parallel_loop3A_191 = arith.mulf %parallel_loop3A_188, %parallel_loop3A_190 : vector<16xf32>
      %parallel_loop3A_192 = math.exp %parallel_loop3A_191 : vector<16xf32>
      %parallel_loop3A_193 = tpu.bitcast %parallel_loop3A_174 : vector<16xf32> -> vector<16xi32>
      %parallel_loop3A_194 = arith.constant -2147483648 : i32
      %parallel_loop3A_195 = vector.broadcast %parallel_loop3A_194 : i32 to vector<16xi32>
      %parallel_loop3A_196 = arith.andi %parallel_loop3A_193, %parallel_loop3A_195 : vector<16xi32>
      %parallel_loop3A_197 = arith.constant 1065353216 : i32
      %parallel_loop3A_198 = vector.broadcast %parallel_loop3A_197 : i32 to vector<16xi32>
      %parallel_loop3A_199 = arith.ori %parallel_loop3A_198, %parallel_loop3A_196 : vector<16xi32>
      %parallel_loop3A_200 = tpu.bitcast %parallel_loop3A_199 : vector<16xi32> -> vector<16xf32>
      %parallel_loop3A_201 = math.absf %parallel_loop3A_174 : vector<16xf32>
      %parallel_loop3A_202 = arith.constant 0.000000e+00 : f32
      %parallel_loop3A_203 = vector.broadcast %parallel_loop3A_202 : f32 to vector<16xf32>
      %parallel_loop3A_204 = arith.cmpf ogt, %parallel_loop3A_201, %parallel_loop3A_203 : vector<16xf32>
      %parallel_loop3A_205 = arith.select %parallel_loop3A_204, %parallel_loop3A_200, %parallel_loop3A_174 : vector<16xi1>, vector<16xf32>
      %parallel_loop3A_206 = arith.constant 1.000000e+00 : f32
      %parallel_loop3A_207 = vector.broadcast %parallel_loop3A_206 : f32 to vector<16xf32>
      %parallel_loop3A_208 = arith.addf %parallel_loop3A_192, %parallel_loop3A_207 : vector<16xf32>
      %parallel_loop3A_209 = arith.constant 2.000000e+00 : f32
      %parallel_loop3A_210 = vector.broadcast %parallel_loop3A_209 : f32 to vector<16xf32>
      %parallel_loop3A_211 = arith.divf %parallel_loop3A_210, %parallel_loop3A_208 : vector<16xf32>
      %parallel_loop3A_212 = arith.constant 1.000000e+00 : f32
      %parallel_loop3A_213 = vector.broadcast %parallel_loop3A_212 : f32 to vector<16xf32>
      %parallel_loop3A_214 = arith.subf %parallel_loop3A_213, %parallel_loop3A_211 : vector<16xf32>
      %parallel_loop3A_215 = arith.mulf %parallel_loop3A_205, %parallel_loop3A_214 : vector<16xf32>
      %parallel_loop3A_216 = math.absf %parallel_loop3A_181 : vector<16xf32>
      %parallel_loop3A_217 = arith.constant 2.000000e+00 : f32
      %parallel_loop3A_218 = vector.broadcast %parallel_loop3A_217 : f32 to vector<16xf32>
      %parallel_loop3A_219 = arith.mulf %parallel_loop3A_216, %parallel_loop3A_218 : vector<16xf32>
      %parallel_loop3A_220 = math.exp %parallel_loop3A_219 : vector<16xf32>
      %parallel_loop3A_221 = tpu.bitcast %parallel_loop3A_181 : vector<16xf32> -> vector<16xi32>
      %parallel_loop3A_222 = arith.constant -2147483648 : i32
      %parallel_loop3A_223 = vector.broadcast %parallel_loop3A_222 : i32 to vector<16xi32>
      %parallel_loop3A_224 = arith.andi %parallel_loop3A_221, %parallel_loop3A_223 : vector<16xi32>
      %parallel_loop3A_225 = arith.constant 1065353216 : i32
      %parallel_loop3A_226 = vector.broadcast %parallel_loop3A_225 : i32 to vector<16xi32>
      %parallel_loop3A_227 = arith.ori %parallel_loop3A_226, %parallel_loop3A_224 : vector<16xi32>
      %parallel_loop3A_228 = tpu.bitcast %parallel_loop3A_227 : vector<16xi32> -> vector<16xf32>
      %parallel_loop3A_229 = math.absf %parallel_loop3A_181 : vector<16xf32>
      %parallel_loop3A_230 = arith.constant 0.000000e+00 : f32
      %parallel_loop3A_231 = vector.broadcast %parallel_loop3A_230 : f32 to vector<16xf32>
      %parallel_loop3A_232 = arith.cmpf ogt, %parallel_loop3A_229, %parallel_loop3A_231 : vector<16xf32>
      %parallel_loop3A_233 = arith.select %parallel_loop3A_232, %parallel_loop3A_228, %parallel_loop3A_181 : vector<16xi1>, vector<16xf32>
      %parallel_loop3A_234 = arith.constant 1.000000e+00 : f32
      %parallel_loop3A_235 = vector.broadcast %parallel_loop3A_234 : f32 to vector<16xf32>
      %parallel_loop3A_236 = arith.addf %parallel_loop3A_220, %parallel_loop3A_235 : vector<16xf32>
      %parallel_loop3A_237 = arith.constant 2.000000e+00 : f32
      %parallel_loop3A_238 = vector.broadcast %parallel_loop3A_237 : f32 to vector<16xf32>
      %parallel_loop3A_239 = arith.divf %parallel_loop3A_238, %parallel_loop3A_236 : vector<16xf32>
      %parallel_loop3A_240 = arith.constant 1.000000e+00 : f32
      %parallel_loop3A_241 = vector.broadcast %parallel_loop3A_240 : f32 to vector<16xf32>
      %parallel_loop3A_242 = arith.subf %parallel_loop3A_241, %parallel_loop3A_239 : vector<16xf32>
      %parallel_loop3A_243 = arith.mulf %parallel_loop3A_233, %parallel_loop3A_242 : vector<16xf32>
      %parallel_loop3A_244 = arith.addf %parallel_loop3A_215, %parallel_loop3A_243 : vector<16xf32>
      %parallel_loop3A_245 = arith.addf %parallel_loop3A_244, %parallel_loop3A_187 : vector<16xf32>
      %parallel_loop3A_246 = arith.addf %parallel_loop3A_245, %parallel_loop3A_168 : vector<16xf32>
      %parallel_loop3A_247 = arith.constant 16 : i32
      %parallel_loop3A_248 = arith.muli %parallel_loop3A_158, %parallel_loop3A_247 : i32
      %parallel_loop3A_249 = arith.constant 0 : i32
      %parallel_loop3A_250 = arith.addi %parallel_loop3A_249, %parallel_loop3A_248 : i32
      %parallel_loop3A_251 = arith.index_cast %parallel_loop3A_250 : i32 to index
      %parallel_loop3A_252 = tpu.vector_load %arg36[%parallel_loop3A_251] {strides = array<i32>} : memref<4980xf32, #tpu.memory_space<vmem>>, vector<16xf32>,
      tpu.vector_store %arg36[%parallel_loop3A_251], %parallel_loop3A_246 {strides = array<i32>} : memref<4980xf32, #tpu.memory_space<vmem>>, vector<16xf32>,
    } {sc.loop_unroll_factor = 2 : i64, sc.parallel_access}
    %parallel_loop3A_128 = arith.constant 0 : i32
    %parallel_loop3A_129 = arith.constant 169 : i32
    %parallel_loop3A_130 = arith.constant 1 : i32
    scf.for %parallel_loop3A_158 = %parallel_loop3A_128 to %parallel_loop3A_129 step %parallel_loop3A_130  : i32 {
      %parallel_loop3A_159 = arith.constant 16 : i32
      %parallel_loop3A_160 = arith.muli %parallel_loop3A_158, %parallel_loop3A_159 : i32
      %parallel_loop3A_161 = arith.index_cast %parallel_loop3A_160 : i32 to index
      %parallel_loop3A_162 = tpu.vector_load %arg30[%parallel_loop3A_161] {strides = array<i32>} : memref<2704xf32, #tpu.memory_space<vmem>>, vector<16xf32>,
      tpu.vector_store %arg30[%parallel_loop3A_161], %broadcast_in_dim3A_52 {strides = array<i32>} : memref<2704xf32, #tpu.memory_space<vmem>>, vector<16xf32>,
      %parallel_loop3A_163 = arith.constant 16 : i32
      %parallel_loop3A_164 = arith.muli %parallel_loop3A_158, %parallel_loop3A_163 : i32
      %parallel_loop3A_165 = arith.index_cast %parallel_loop3A_164 : i32 to index
      %parallel_loop3A_166 = tpu.vector_load %arg31[%parallel_loop3A_165] {strides = array<i32>} : memref<2704xf32, #tpu.memory_space<vmem>>, vector<16xf32>,
      tpu.vector_store %arg31[%parallel_loop3A_165], %broadcast_in_dim3A_52 {strides = array<i32>} : memref<2704xf32, #tpu.memory_space<vmem>>, vector<16xf32>,
      %parallel_loop3A_167 = arith.constant 16 : i32
      %parallel_loop3A_168 = arith.muli %parallel_loop3A_158, %parallel_loop3A_167 : i32
      %parallel_loop3A_169 = arith.index_cast %parallel_loop3A_168 : i32 to index
      %parallel_loop3A_170 = tpu.vector_load %arg32[%parallel_loop3A_169] {strides = array<i32>} : memref<2704xf32, #tpu.memory_space<vmem>>, vector<16xf32>,
      tpu.vector_store %arg32[%parallel_loop3A_169], %broadcast_in_dim3A_52 {strides = array<i32>} : memref<2704xf32, #tpu.memory_space<vmem>>, vector<16xf32>,
    } {sc.loop_unroll_factor = 8 : i64, sc.parallel_access}
    %parallel_loop3A_131 = arith.constant 0 : i32
    %parallel_loop3A_132 = arith.constant 13 : i32
    %parallel_loop3A_133 = arith.constant 1 : i32
    scf.for %parallel_loop3A_158 = %parallel_loop3A_131 to %parallel_loop3A_132 step %parallel_loop3A_133  : i32 {
      %parallel_loop3A_159 = arith.constant 16 : i32
      %parallel_loop3A_160 = arith.muli %parallel_loop3A_158, %parallel_loop3A_159 : i32
      %parallel_loop3A_161 = arith.index_cast %parallel_loop3A_160 : i32 to index
      %parallel_loop3A_162 = tpu.vector_load %arg33[%parallel_loop3A_161] {strides = array<i32>} : memref<208xf32, #tpu.memory_space<vmem>>, vector<16xf32>,
      tpu.vector_store %arg33[%parallel_loop3A_161], %broadcast_in_dim3A_52 {strides = array<i32>} : memref<208xf32, #tpu.memory_space<vmem>>, vector<16xf32>,
      %parallel_loop3A_163 = arith.constant 16 : i32
      %parallel_loop3A_164 = arith.muli %parallel_loop3A_158, %parallel_loop3A_163 : i32
      %parallel_loop3A_165 = arith.index_cast %parallel_loop3A_164 : i32 to index
      %parallel_loop3A_166 = tpu.vector_load %arg34[%parallel_loop3A_165] {strides = array<i32>} : memref<208xf32, #tpu.memory_space<vmem>>, vector<16xf32>,
      tpu.vector_store %arg34[%parallel_loop3A_165], %broadcast_in_dim3A_52 {strides = array<i32>} : memref<208xf32, #tpu.memory_space<vmem>>, vector<16xf32>,
      %parallel_loop3A_167 = arith.constant 16 : i32
      %parallel_loop3A_168 = arith.muli %parallel_loop3A_158, %parallel_loop3A_167 : i32
      %parallel_loop3A_169 = arith.index_cast %parallel_loop3A_168 : i32 to index
      %parallel_loop3A_170 = tpu.vector_load %arg35[%parallel_loop3A_169] {strides = array<i32>} : memref<208xf32, #tpu.memory_space<vmem>>, vector<16xf32>,
      tpu.vector_store %arg35[%parallel_loop3A_169], %broadcast_in_dim3A_52 {strides = array<i32>} : memref<208xf32, #tpu.memory_space<vmem>>, vector<16xf32>,
    } {sc.loop_unroll_factor = 4 : i64, sc.parallel_access}
    %add3A_134 = arith.constant 1 : i32
    %add3A_135 = arith.addi %mul3A_2, %add3A_134 : i32
    %parallel_loop3A_136 = arith.constant 0 : i32
    %parallel_loop3A_137 = arith.constant 156 : i32
    %parallel_loop3A_138 = arith.constant 1 : i32
    scf.for %parallel_loop3A_158 = %parallel_loop3A_136 to %parallel_loop3A_137 step %parallel_loop3A_138  : i32 {
      %parallel_loop3A_159 = arith.constant 16 : i32
      %parallel_loop3A_160 = arith.muli %parallel_loop3A_158, %parallel_loop3A_159 : i32
      %parallel_loop3A_161 = vector.broadcast %parallel_loop3A_160 : i32 to vector<16xi32>
      %parallel_loop3A_162 = arith.addi %parallel_loop3A_161, %iota3A : vector<16xi32>
      %parallel_loop3A_163 = arith.constant 16 : i32
      %parallel_loop3A_164 = arith.muli %parallel_loop3A_158, %parallel_loop3A_163 : i32
      %parallel_loop3A_165 = arith.index_cast %parallel_loop3A_164 : i32 to index
      %parallel_loop3A_166 = tpu.vector_load %arg19[%parallel_loop3A_165] {strides = array<i32>} : memref<2496xi32, #tpu.memory_space<vmem>>, vector<16xi32>,
      %parallel_loop3A_167 = arith.constant 16 : i32
      %parallel_loop3A_168 = arith.muli %parallel_loop3A_158, %parallel_loop3A_167 : i32
      %parallel_loop3A_169 = arith.constant 2484 : i32
      %parallel_loop3A_170 = arith.addi %parallel_loop3A_169, %parallel_loop3A_168 : i32
      %parallel_loop3A_171 = arith.index_cast %parallel_loop3A_170 : i32 to index
      %parallel_loop3A_172 = tpu.vector_load %arg28[%parallel_loop3A_171] {strides = array<i32>} : memref<4992xf32, #tpu.memory_space<vmem>>, vector<16xf32>,
      %parallel_loop3A_173 = arith.addi %parallel_loop3A_162, %parallel_loop3A_166 : vector<16xi32>
      tpu.vector_store_idx %arg29[%parallel_loop3A_173], %parallel_loop3A_172 : memref<2704xf32, #tpu.memory_space<vmem>>[vector<16xi32>], vector<16xf32>,
    } {sc.loop_unroll_factor = 4 : i64, sc.parallel_access}
    %parallel_loop3A_139 = arith.constant 0 : i32
    %parallel_loop3A_140 = arith.constant 112 : i32
    %parallel_loop3A_141 = arith.constant 1 : i32
    scf.for %parallel_loop3A_158 = %parallel_loop3A_139 to %parallel_loop3A_140 step %parallel_loop3A_141  : i32 {
      %parallel_loop3A_159 = arith.constant 16 : i32
      %parallel_loop3A_160 = arith.muli %parallel_loop3A_158, %parallel_loop3A_159 : i32
      %parallel_loop3A_161 = arith.index_cast %parallel_loop3A_160 : i32 to index
      %parallel_loop3A_162 = tpu.vector_load %arg17[%parallel_loop3A_161] {strides = array<i32>} : memref<1792xi32, #tpu.memory_space<vmem>>, vector<16xi32>,
      %parallel_loop3A_163 = arith.index_cast %parallel_loop3A_160 : i32 to index
      %parallel_loop3A_164 = tpu.vector_load %arg18[%parallel_loop3A_163] {strides = array<i32>} : memref<1792xi32, #tpu.memory_space<vmem>>, vector<16xi32>,
      %parallel_loop3A_165 = arith.constant 1 : i32
      %parallel_loop3A_166 = arith.index_cast %parallel_loop3A_165 : i32 to index
      %parallel_loop3A_167 = arith.index_cast %parallel_loop3A_160 : i32 to index
      %parallel_loop3A_168 = tpu.vector_load %arg20[%parallel_loop3A_166, %parallel_loop3A_167] {strides = array<i32>} : memref<2x1792xf32, #tpu.memory_space<vmem>>, vector<16xf32>,
      %parallel_loop3A_169 = arith.constant 1 : i32
      %parallel_loop3A_170 = arith.index_cast %parallel_loop3A_169 : i32 to index
      %parallel_loop3A_171 = arith.index_cast %parallel_loop3A_160 : i32 to index
      %parallel_loop3A_172 = tpu.vector_load %arg21[%parallel_loop3A_170, %parallel_loop3A_171] {strides = array<i32>} : memref<2x1792xf32, #tpu.memory_space<vmem>>, vector<16xf32>,
      %parallel_loop3A_173 = arith.constant 1 : i32
      %parallel_loop3A_174 = arith.index_cast %parallel_loop3A_173 : i32 to index
      %parallel_loop3A_175 = arith.index_cast %parallel_loop3A_160 : i32 to index
      %parallel_loop3A_176 = tpu.vector_load %arg22[%parallel_loop3A_174, %parallel_loop3A_175] {strides = array<i32>} : memref<2x1792xf32, #tpu.memory_space<vmem>>, vector<16xf32>,
      %parallel_loop3A_177 = arith.constant 1 : i32
      %parallel_loop3A_178 = arith.index_cast %parallel_loop3A_177 : i32 to index
      %parallel_loop3A_179 = arith.index_cast %parallel_loop3A_160 : i32 to index
      %parallel_loop3A_180 = tpu.vector_load %arg23[%parallel_loop3A_178, %parallel_loop3A_179] {strides = array<i32>} : memref<2x1792xf32, #tpu.memory_space<vmem>>, vector<16xf32>,
      tpu.vector_store_idx %arg33[%parallel_loop3A_164], %parallel_loop3A_168 {add = true} : memref<208xf32, #tpu.memory_space<vmem>>[vector<16xi32>], vector<16xf32>,
      tpu.vector_store_idx %arg34[%parallel_loop3A_164], %parallel_loop3A_176 {add = true} : memref<208xf32, #tpu.memory_space<vmem>>[vector<16xi32>], vector<16xf32>,
      %parallel_loop3A_181 = arith.addf %parallel_loop3A_172, %parallel_loop3A_180 : vector<16xf32>
      tpu.vector_store_idx %arg35[%parallel_loop3A_162], %parallel_loop3A_181 {add = true} : memref<208xf32, #tpu.memory_space<vmem>>[vector<16xi32>], vector<16xf32>,
      %parallel_loop3A_182 = arith.subf %parallel_loop3A_180, %parallel_loop3A_172 : vector<16xf32>
      %parallel_loop3A_183 = arith.constant 13 : i32
      %parallel_loop3A_184 = vector.broadcast %parallel_loop3A_183 : i32 to vector<16xi32>
      %parallel_loop3A_185 = arith.muli %parallel_loop3A_162, %parallel_loop3A_184 : vector<16xi32>
      %parallel_loop3A_186 = arith.constant 13 : i32
      %parallel_loop3A_187 = vector.broadcast %parallel_loop3A_186 : i32 to vector<16xi32>
      %parallel_loop3A_188 = arith.muli %parallel_loop3A_164, %parallel_loop3A_187 : vector<16xi32>
      %parallel_loop3A_189 = arith.constant 0 : i32
      %parallel_loop3A_190 = vector.broadcast %parallel_loop3A_189 : i32 to vector<16xi32>
      %parallel_loop3A_191 = arith.addi %parallel_loop3A_185, %parallel_loop3A_190 : vector<16xi32>
      %parallel_loop3A_192 = arith.constant 0 : i32
      %parallel_loop3A_193 = vector.broadcast %parallel_loop3A_192 : i32 to vector<16xi32>
      %parallel_loop3A_194 = arith.addi %parallel_loop3A_188, %parallel_loop3A_193 : vector<16xi32>
      %parallel_loop3A_195 = tpu.vector_load_idx %arg29[%parallel_loop3A_194] : memref<2704xf32, #tpu.memory_space<vmem>>[vector<16xi32>], vector<16xf32>,
      %parallel_loop3A_196 = tpu.vector_load_idx %arg29[%parallel_loop3A_191] : memref<2704xf32, #tpu.memory_space<vmem>>[vector<16xi32>], vector<16xf32>,
      %parallel_loop3A_197 = arith.mulf %parallel_loop3A_168, %parallel_loop3A_195 : vector<16xf32>
      tpu.vector_store_idx %arg30[%parallel_loop3A_191], %parallel_loop3A_197 {add = true} : memref<2704xf32, #tpu.memory_space<vmem>>[vector<16xi32>], vector<16xf32>,
      %parallel_loop3A_198 = arith.mulf %parallel_loop3A_176, %parallel_loop3A_195 : vector<16xf32>
      tpu.vector_store_idx %arg31[%parallel_loop3A_191], %parallel_loop3A_198 {add = true} : memref<2704xf32, #tpu.memory_space<vmem>>[vector<16xi32>], vector<16xf32>,
      %parallel_loop3A_199 = arith.mulf %parallel_loop3A_182, %parallel_loop3A_196 : vector<16xf32>
      tpu.vector_store_idx %arg32[%parallel_loop3A_194], %parallel_loop3A_199 {add = true} : memref<2704xf32, #tpu.memory_space<vmem>>[vector<16xi32>], vector<16xf32>,
      %parallel_loop3A_200 = arith.constant 1 : i32
      %parallel_loop3A_201 = vector.broadcast %parallel_loop3A_200 : i32 to vector<16xi32>
      %parallel_loop3A_202 = arith.addi %parallel_loop3A_185, %parallel_loop3A_201 : vector<16xi32>
      %parallel_loop3A_203 = arith.constant 1 : i32
      %parallel_loop3A_204 = vector.broadcast %parallel_loop3A_203 : i32 to vector<16xi32>
      %parallel_loop3A_205 = arith.addi %parallel_loop3A_188, %parallel_loop3A_204 : vector<16xi32>
      %parallel_loop3A_206 = tpu.vector_load_idx %arg29[%parallel_loop3A_205] : memref<2704xf32, #tpu.memory_space<vmem>>[vector<16xi32>], vector<16xf32>,
      %parallel_loop3A_207 = tpu.vector_load_idx %arg29[%parallel_loop3A_202] : memref<2704xf32, #tpu.memory_space<vmem>>[vector<16xi32>], vector<16xf32>,
      %parallel_loop3A_208 = arith.mulf %parallel_loop3A_168, %parallel_loop3A_206 : vector<16xf32>
      tpu.vector_store_idx %arg30[%parallel_loop3A_202], %parallel_loop3A_208 {add = true} : memref<2704xf32, #tpu.memory_space<vmem>>[vector<16xi32>], vector<16xf32>,
      %parallel_loop3A_209 = arith.mulf %parallel_loop3A_176, %parallel_loop3A_206 : vector<16xf32>
      tpu.vector_store_idx %arg31[%parallel_loop3A_202], %parallel_loop3A_209 {add = true} : memref<2704xf32, #tpu.memory_space<vmem>>[vector<16xi32>], vector<16xf32>,
      %parallel_loop3A_210 = arith.mulf %parallel_loop3A_182, %parallel_loop3A_207 : vector<16xf32>
      tpu.vector_store_idx %arg32[%parallel_loop3A_205], %parallel_loop3A_210 {add = true} : memref<2704xf32, #tpu.memory_space<vmem>>[vector<16xi32>], vector<16xf32>,
      %parallel_loop3A_211 = arith.constant 2 : i32
      %parallel_loop3A_212 = vector.broadcast %parallel_loop3A_211 : i32 to vector<16xi32>
      %parallel_loop3A_213 = arith.addi %parallel_loop3A_185, %parallel_loop3A_212 : vector<16xi32>
      %parallel_loop3A_214 = arith.constant 2 : i32
      %parallel_loop3A_215 = vector.broadcast %parallel_loop3A_214 : i32 to vector<16xi32>
      %parallel_loop3A_216 = arith.addi %parallel_loop3A_188, %parallel_loop3A_215 : vector<16xi32>
      %parallel_loop3A_217 = tpu.vector_load_idx %arg29[%parallel_loop3A_216] : memref<2704xf32, #tpu.memory_space<vmem>>[vector<16xi32>], vector<16xf32>,
      %parallel_loop3A_218 = tpu.vector_load_idx %arg29[%parallel_loop3A_213] : memref<2704xf32, #tpu.memory_space<vmem>>[vector<16xi32>], vector<16xf32>,
      %parallel_loop3A_219 = arith.mulf %parallel_loop3A_168, %parallel_loop3A_217 : vector<16xf32>
      tpu.vector_store_idx %arg30[%parallel_loop3A_213], %parallel_loop3A_219 {add = true} : memref<2704xf32, #tpu.memory_space<vmem>>[vector<16xi32>], vector<16xf32>,
      %parallel_loop3A_220 = arith.mulf %parallel_loop3A_176, %parallel_loop3A_217 : vector<16xf32>
      tpu.vector_store_idx %arg31[%parallel_loop3A_213], %parallel_loop3A_220 {add = true} : memref<2704xf32, #tpu.memory_space<vmem>>[vector<16xi32>], vector<16xf32>,
      %parallel_loop3A_221 = arith.mulf %parallel_loop3A_182, %parallel_loop3A_218 : vector<16xf32>
      tpu.vector_store_idx %arg32[%parallel_loop3A_216], %parallel_loop3A_221 {add = true} : memref<2704xf32, #tpu.memory_space<vmem>>[vector<16xi32>], vector<16xf32>,
      %parallel_loop3A_222 = arith.constant 3 : i32
      %parallel_loop3A_223 = vector.broadcast %parallel_loop3A_222 : i32 to vector<16xi32>
      %parallel_loop3A_224 = arith.addi %parallel_loop3A_185, %parallel_loop3A_223 : vector<16xi32>
      %parallel_loop3A_225 = arith.constant 3 : i32
      %parallel_loop3A_226 = vector.broadcast %parallel_loop3A_225 : i32 to vector<16xi32>
      %parallel_loop3A_227 = arith.addi %parallel_loop3A_188, %parallel_loop3A_226 : vector<16xi32>
      %parallel_loop3A_228 = tpu.vector_load_idx %arg29[%parallel_loop3A_227] : memref<2704xf32, #tpu.memory_space<vmem>>[vector<16xi32>], vector<16xf32>,
      %parallel_loop3A_229 = tpu.vector_load_idx %arg29[%parallel_loop3A_224] : memref<2704xf32, #tpu.memory_space<vmem>>[vector<16xi32>], vector<16xf32>,
      %parallel_loop3A_230 = arith.mulf %parallel_loop3A_168, %parallel_loop3A_228 : vector<16xf32>
      tpu.vector_store_idx %arg30[%parallel_loop3A_224], %parallel_loop3A_230 {add = true} : memref<2704xf32, #tpu.memory_space<vmem>>[vector<16xi32>], vector<16xf32>,
      %parallel_loop3A_231 = arith.mulf %parallel_loop3A_176, %parallel_loop3A_228 : vector<16xf32>
      tpu.vector_store_idx %arg31[%parallel_loop3A_224], %parallel_loop3A_231 {add = true} : memref<2704xf32, #tpu.memory_space<vmem>>[vector<16xi32>], vector<16xf32>,
      %parallel_loop3A_232 = arith.mulf %parallel_loop3A_182, %parallel_loop3A_229 : vector<16xf32>
      tpu.vector_store_idx %arg32[%parallel_loop3A_227], %parallel_loop3A_232 {add = true} : memref<2704xf32, #tpu.memory_space<vmem>>[vector<16xi32>], vector<16xf32>,
      %parallel_loop3A_233 = arith.constant 4 : i32
      %parallel_loop3A_234 = vector.broadcast %parallel_loop3A_233 : i32 to vector<16xi32>
      %parallel_loop3A_235 = arith.addi %parallel_loop3A_185, %parallel_loop3A_234 : vector<16xi32>
      %parallel_loop3A_236 = arith.constant 4 : i32
      %parallel_loop3A_237 = vector.broadcast %parallel_loop3A_236 : i32 to vector<16xi32>
      %parallel_loop3A_238 = arith.addi %parallel_loop3A_188, %parallel_loop3A_237 : vector<16xi32>
      %parallel_loop3A_239 = tpu.vector_load_idx %arg29[%parallel_loop3A_238] : memref<2704xf32, #tpu.memory_space<vmem>>[vector<16xi32>], vector<16xf32>,
      %parallel_loop3A_240 = tpu.vector_load_idx %arg29[%parallel_loop3A_235] : memref<2704xf32, #tpu.memory_space<vmem>>[vector<16xi32>], vector<16xf32>,
      %parallel_loop3A_241 = arith.mulf %parallel_loop3A_168, %parallel_loop3A_239 : vector<16xf32>
      tpu.vector_store_idx %arg30[%parallel_loop3A_235], %parallel_loop3A_241 {add = true} : memref<2704xf32, #tpu.memory_space<vmem>>[vector<16xi32>], vector<16xf32>,
      %parallel_loop3A_242 = arith.mulf %parallel_loop3A_176, %parallel_loop3A_239 : vector<16xf32>
      tpu.vector_store_idx %arg31[%parallel_loop3A_235], %parallel_loop3A_242 {add = true} : memref<2704xf32, #tpu.memory_space<vmem>>[vector<16xi32>], vector<16xf32>,
      %parallel_loop3A_243 = arith.mulf %parallel_loop3A_182, %parallel_loop3A_240 : vector<16xf32>
      tpu.vector_store_idx %arg32[%parallel_loop3A_238], %parallel_loop3A_243 {add = true} : memref<2704xf32, #tpu.memory_space<vmem>>[vector<16xi32>], vector<16xf32>,
      %parallel_loop3A_244 = arith.constant 5 : i32
      %parallel_loop3A_245 = vector.broadcast %parallel_loop3A_244 : i32 to vector<16xi32>
      %parallel_loop3A_246 = arith.addi %parallel_loop3A_185, %parallel_loop3A_245 : vector<16xi32>
      %parallel_loop3A_247 = arith.constant 5 : i32
      %parallel_loop3A_248 = vector.broadcast %parallel_loop3A_247 : i32 to vector<16xi32>
      %parallel_loop3A_249 = arith.addi %parallel_loop3A_188, %parallel_loop3A_248 : vector<16xi32>
      %parallel_loop3A_250 = tpu.vector_load_idx %arg29[%parallel_loop3A_249] : memref<2704xf32, #tpu.memory_space<vmem>>[vector<16xi32>], vector<16xf32>,
      %parallel_loop3A_251 = tpu.vector_load_idx %arg29[%parallel_loop3A_246] : memref<2704xf32, #tpu.memory_space<vmem>>[vector<16xi32>], vector<16xf32>,
      %parallel_loop3A_252 = arith.mulf %parallel_loop3A_168, %parallel_loop3A_250 : vector<16xf32>
      tpu.vector_store_idx %arg30[%parallel_loop3A_246], %parallel_loop3A_252 {add = true} : memref<2704xf32, #tpu.memory_space<vmem>>[vector<16xi32>], vector<16xf32>,
      %parallel_loop3A_253 = arith.mulf %parallel_loop3A_176, %parallel_loop3A_250 : vector<16xf32>
      tpu.vector_store_idx %arg31[%parallel_loop3A_246], %parallel_loop3A_253 {add = true} : memref<2704xf32, #tpu.memory_space<vmem>>[vector<16xi32>], vector<16xf32>,
      %parallel_loop3A_254 = arith.mulf %parallel_loop3A_182, %parallel_loop3A_251 : vector<16xf32>
      tpu.vector_store_idx %arg32[%parallel_loop3A_249], %parallel_loop3A_254 {add = true} : memref<2704xf32, #tpu.memory_space<vmem>>[vector<16xi32>], vector<16xf32>,
      %parallel_loop3A_255 = arith.constant 6 : i32
      %parallel_loop3A_256 = vector.broadcast %parallel_loop3A_255 : i32 to vector<16xi32>
      %parallel_loop3A_257 = arith.addi %parallel_loop3A_185, %parallel_loop3A_256 : vector<16xi32>
      %parallel_loop3A_258 = arith.constant 6 : i32
      %parallel_loop3A_259 = vector.broadcast %parallel_loop3A_258 : i32 to vector<16xi32>
      %parallel_loop3A_260 = arith.addi %parallel_loop3A_188, %parallel_loop3A_259 : vector<16xi32>
      %parallel_loop3A_261 = tpu.vector_load_idx %arg29[%parallel_loop3A_260] : memref<2704xf32, #tpu.memory_space<vmem>>[vector<16xi32>], vector<16xf32>,
      %parallel_loop3A_262 = tpu.vector_load_idx %arg29[%parallel_loop3A_257] : memref<2704xf32, #tpu.memory_space<vmem>>[vector<16xi32>], vector<16xf32>,
      %parallel_loop3A_263 = arith.mulf %parallel_loop3A_168, %parallel_loop3A_261 : vector<16xf32>
      tpu.vector_store_idx %arg30[%parallel_loop3A_257], %parallel_loop3A_263 {add = true} : memref<2704xf32, #tpu.memory_space<vmem>>[vector<16xi32>], vector<16xf32>,
      %parallel_loop3A_264 = arith.mulf %parallel_loop3A_176, %parallel_loop3A_261 : vector<16xf32>
      tpu.vector_store_idx %arg31[%parallel_loop3A_257], %parallel_loop3A_264 {add = true} : memref<2704xf32, #tpu.memory_space<vmem>>[vector<16xi32>], vector<16xf32>,
      %parallel_loop3A_265 = arith.mulf %parallel_loop3A_182, %parallel_loop3A_262 : vector<16xf32>
      tpu.vector_store_idx %arg32[%parallel_loop3A_260], %parallel_loop3A_265 {add = true} : memref<2704xf32, #tpu.memory_space<vmem>>[vector<16xi32>], vector<16xf32>,
      %parallel_loop3A_266 = arith.constant 7 : i32
      %parallel_loop3A_267 = vector.broadcast %parallel_loop3A_266 : i32 to vector<16xi32>
      %parallel_loop3A_268 = arith.addi %parallel_loop3A_185, %parallel_loop3A_267 : vector<16xi32>
      %parallel_loop3A_269 = arith.constant 7 : i32
      %parallel_loop3A_270 = vector.broadcast %parallel_loop3A_269 : i32 to vector<16xi32>
      %parallel_loop3A_271 = arith.addi %parallel_loop3A_188, %parallel_loop3A_270 : vector<16xi32>
      %parallel_loop3A_272 = tpu.vector_load_idx %arg29[%parallel_loop3A_271] : memref<2704xf32, #tpu.memory_space<vmem>>[vector<16xi32>], vector<16xf32>,
      %parallel_loop3A_273 = tpu.vector_load_idx %arg29[%parallel_loop3A_268] : memref<2704xf32, #tpu.memory_space<vmem>>[vector<16xi32>], vector<16xf32>,
      %parallel_loop3A_274 = arith.mulf %parallel_loop3A_168, %parallel_loop3A_272 : vector<16xf32>
      tpu.vector_store_idx %arg30[%parallel_loop3A_268], %parallel_loop3A_274 {add = true} : memref<2704xf32, #tpu.memory_space<vmem>>[vector<16xi32>], vector<16xf32>,
      %parallel_loop3A_275 = arith.mulf %parallel_loop3A_176, %parallel_loop3A_272 : vector<16xf32>
      tpu.vector_store_idx %arg31[%parallel_loop3A_268], %parallel_loop3A_275 {add = true} : memref<2704xf32, #tpu.memory_space<vmem>>[vector<16xi32>], vector<16xf32>,
      %parallel_loop3A_276 = arith.mulf %parallel_loop3A_182, %parallel_loop3A_273 : vector<16xf32>
      tpu.vector_store_idx %arg32[%parallel_loop3A_271], %parallel_loop3A_276 {add = true} : memref<2704xf32, #tpu.memory_space<vmem>>[vector<16xi32>], vector<16xf32>,
      %parallel_loop3A_277 = arith.constant 8 : i32
      %parallel_loop3A_278 = vector.broadcast %parallel_loop3A_277 : i32 to vector<16xi32>
      %parallel_loop3A_279 = arith.addi %parallel_loop3A_185, %parallel_loop3A_278 : vector<16xi32>
      %parallel_loop3A_280 = arith.constant 8 : i32
      %parallel_loop3A_281 = vector.broadcast %parallel_loop3A_280 : i32 to vector<16xi32>
      %parallel_loop3A_282 = arith.addi %parallel_loop3A_188, %parallel_loop3A_281 : vector<16xi32>
      %parallel_loop3A_283 = tpu.vector_load_idx %arg29[%parallel_loop3A_282] : memref<2704xf32, #tpu.memory_space<vmem>>[vector<16xi32>], vector<16xf32>,
      %parallel_loop3A_284 = tpu.vector_load_idx %arg29[%parallel_loop3A_279] : memref<2704xf32, #tpu.memory_space<vmem>>[vector<16xi32>], vector<16xf32>,
      %parallel_loop3A_285 = arith.mulf %parallel_loop3A_168, %parallel_loop3A_283 : vector<16xf32>
      tpu.vector_store_idx %arg30[%parallel_loop3A_279], %parallel_loop3A_285 {add = true} : memref<2704xf32, #tpu.memory_space<vmem>>[vector<16xi32>], vector<16xf32>,
      %parallel_loop3A_286 = arith.mulf %parallel_loop3A_176, %parallel_loop3A_283 : vector<16xf32>
      tpu.vector_store_idx %arg31[%parallel_loop3A_279], %parallel_loop3A_286 {add = true} : memref<2704xf32, #tpu.memory_space<vmem>>[vector<16xi32>], vector<16xf32>,
      %parallel_loop3A_287 = arith.mulf %parallel_loop3A_182, %parallel_loop3A_284 : vector<16xf32>
      tpu.vector_store_idx %arg32[%parallel_loop3A_282], %parallel_loop3A_287 {add = true} : memref<2704xf32, #tpu.memory_space<vmem>>[vector<16xi32>], vector<16xf32>,
      %parallel_loop3A_288 = arith.constant 9 : i32
      %parallel_loop3A_289 = vector.broadcast %parallel_loop3A_288 : i32 to vector<16xi32>
      %parallel_loop3A_290 = arith.addi %parallel_loop3A_185, %parallel_loop3A_289 : vector<16xi32>
      %parallel_loop3A_291 = arith.constant 9 : i32
      %parallel_loop3A_292 = vector.broadcast %parallel_loop3A_291 : i32 to vector<16xi32>
      %parallel_loop3A_293 = arith.addi %parallel_loop3A_188, %parallel_loop3A_292 : vector<16xi32>
      %parallel_loop3A_294 = tpu.vector_load_idx %arg29[%parallel_loop3A_293] : memref<2704xf32, #tpu.memory_space<vmem>>[vector<16xi32>], vector<16xf32>,
      %parallel_loop3A_295 = tpu.vector_load_idx %arg29[%parallel_loop3A_290] : memref<2704xf32, #tpu.memory_space<vmem>>[vector<16xi32>], vector<16xf32>,
      %parallel_loop3A_296 = arith.mulf %parallel_loop3A_168, %parallel_loop3A_294 : vector<16xf32>
      tpu.vector_store_idx %arg30[%parallel_loop3A_290], %parallel_loop3A_296 {add = true} : memref<2704xf32, #tpu.memory_space<vmem>>[vector<16xi32>], vector<16xf32>,
      %parallel_loop3A_297 = arith.mulf %parallel_loop3A_176, %parallel_loop3A_294 : vector<16xf32>
      tpu.vector_store_idx %arg31[%parallel_loop3A_290], %parallel_loop3A_297 {add = true} : memref<2704xf32, #tpu.memory_space<vmem>>[vector<16xi32>], vector<16xf32>,
      %parallel_loop3A_298 = arith.mulf %parallel_loop3A_182, %parallel_loop3A_295 : vector<16xf32>
      tpu.vector_store_idx %arg32[%parallel_loop3A_293], %parallel_loop3A_298 {add = true} : memref<2704xf32, #tpu.memory_space<vmem>>[vector<16xi32>], vector<16xf32>,
      %parallel_loop3A_299 = arith.constant 10 : i32
      %parallel_loop3A_300 = vector.broadcast %parallel_loop3A_299 : i32 to vector<16xi32>
      %parallel_loop3A_301 = arith.addi %parallel_loop3A_185, %parallel_loop3A_300 : vector<16xi32>
      %parallel_loop3A_302 = arith.constant 10 : i32
      %parallel_loop3A_303 = vector.broadcast %parallel_loop3A_302 : i32 to vector<16xi32>
      %parallel_loop3A_304 = arith.addi %parallel_loop3A_188, %parallel_loop3A_303 : vector<16xi32>
      %parallel_loop3A_305 = tpu.vector_load_idx %arg29[%parallel_loop3A_304] : memref<2704xf32, #tpu.memory_space<vmem>>[vector<16xi32>], vector<16xf32>,
      %parallel_loop3A_306 = tpu.vector_load_idx %arg29[%parallel_loop3A_301] : memref<2704xf32, #tpu.memory_space<vmem>>[vector<16xi32>], vector<16xf32>,
      %parallel_loop3A_307 = arith.mulf %parallel_loop3A_168, %parallel_loop3A_305 : vector<16xf32>
      tpu.vector_store_idx %arg30[%parallel_loop3A_301], %parallel_loop3A_307 {add = true} : memref<2704xf32, #tpu.memory_space<vmem>>[vector<16xi32>], vector<16xf32>,
      %parallel_loop3A_308 = arith.mulf %parallel_loop3A_176, %parallel_loop3A_305 : vector<16xf32>
      tpu.vector_store_idx %arg31[%parallel_loop3A_301], %parallel_loop3A_308 {add = true} : memref<2704xf32, #tpu.memory_space<vmem>>[vector<16xi32>], vector<16xf32>,
      %parallel_loop3A_309 = arith.mulf %parallel_loop3A_182, %parallel_loop3A_306 : vector<16xf32>
      tpu.vector_store_idx %arg32[%parallel_loop3A_304], %parallel_loop3A_309 {add = true} : memref<2704xf32, #tpu.memory_space<vmem>>[vector<16xi32>], vector<16xf32>,
      %parallel_loop3A_310 = arith.constant 11 : i32
      %parallel_loop3A_311 = vector.broadcast %parallel_loop3A_310 : i32 to vector<16xi32>
      %parallel_loop3A_312 = arith.addi %parallel_loop3A_185, %parallel_loop3A_311 : vector<16xi32>
      %parallel_loop3A_313 = arith.constant 11 : i32
      %parallel_loop3A_314 = vector.broadcast %parallel_loop3A_313 : i32 to vector<16xi32>
      %parallel_loop3A_315 = arith.addi %parallel_loop3A_188, %parallel_loop3A_314 : vector<16xi32>
      %parallel_loop3A_316 = tpu.vector_load_idx %arg29[%parallel_loop3A_315] : memref<2704xf32, #tpu.memory_space<vmem>>[vector<16xi32>], vector<16xf32>,
      %parallel_loop3A_317 = tpu.vector_load_idx %arg29[%parallel_loop3A_312] : memref<2704xf32, #tpu.memory_space<vmem>>[vector<16xi32>], vector<16xf32>,
      %parallel_loop3A_318 = arith.mulf %parallel_loop3A_168, %parallel_loop3A_316 : vector<16xf32>
      tpu.vector_store_idx %arg30[%parallel_loop3A_312], %parallel_loop3A_318 {add = true} : memref<2704xf32, #tpu.memory_space<vmem>>[vector<16xi32>], vector<16xf32>,
      %parallel_loop3A_319 = arith.mulf %parallel_loop3A_176, %parallel_loop3A_316 : vector<16xf32>
      tpu.vector_store_idx %arg31[%parallel_loop3A_312], %parallel_loop3A_319 {add = true} : memref<2704xf32, #tpu.memory_space<vmem>>[vector<16xi32>], vector<16xf32>,
      %parallel_loop3A_320 = arith.mulf %parallel_loop3A_182, %parallel_loop3A_317 : vector<16xf32>
      tpu.vector_store_idx %arg32[%parallel_loop3A_315], %parallel_loop3A_320 {add = true} : memref<2704xf32, #tpu.memory_space<vmem>>[vector<16xi32>], vector<16xf32>,
    } {sc.loop_unroll_factor = 2 : i64, sc.parallel_access}
    %broadcast_in_dim3A_142 = vector.broadcast %add3A_135 : i32 to vector<16xi32>
    %eq3A_143 = arith.constant 0 : i32
    %eq3A_144 = vector.broadcast %eq3A_143 : i32 to vector<16xi32>
    %eq3A_145 = arith.cmpi eq, %broadcast_in_dim3A_142, %eq3A_144 : vector<16xi32>
    %jit3A_146 = arith.constant 0.000000e+00 : f32
    %jit3A_147 = arith.constant 1.000000e+00 : f32
    %broadcast_in_dim3A_148 = vector.broadcast %jit3A_146 : f32 to vector<16xf32>
    %broadcast_in_dim3A_149 = vector.broadcast %jit3A_147 : f32 to vector<16xf32>
    %select_n3A_150 = arith.select %eq3A_145, %broadcast_in_dim3A_148, %broadcast_in_dim3A_149 : vector<16xi1>, vector<16xf32>
    %broadcast_in_dim3A_151 = arith.constant 1 : i32
    %broadcast_in_dim3A_152 = vector.broadcast %broadcast_in_dim3A_151 : i32 to vector<16xi32>
    %parallel_loop3A_153 = arith.constant 0 : i32
    %parallel_loop3A_154 = arith.constant 156 : i32
    %parallel_loop3A_155 = arith.constant 1 : i32
    scf.for %parallel_loop3A_158 = %parallel_loop3A_153 to %parallel_loop3A_154 step %parallel_loop3A_155  : i32 {
      %parallel_loop3A_159 = arith.constant 16 : i32
      %parallel_loop3A_160 = arith.muli %parallel_loop3A_158, %parallel_loop3A_159 : i32
      %parallel_loop3A_161 = arith.index_cast %parallel_loop3A_160 : i32 to index
      %parallel_loop3A_162 = tpu.vector_load %arg19[%parallel_loop3A_161] {strides = array<i32>} : memref<2496xi32, #tpu.memory_space<vmem>>, vector<16xi32>,
      %parallel_loop3A_163 = arith.constant 16 : i32
      %parallel_loop3A_164 = arith.muli %parallel_loop3A_158, %parallel_loop3A_163 : i32
      %parallel_loop3A_165 = vector.broadcast %parallel_loop3A_164 : i32 to vector<16xi32>
      %parallel_loop3A_166 = arith.addi %parallel_loop3A_165, %iota3A : vector<16xi32>
      %parallel_loop3A_167 = arith.addi %parallel_loop3A_166, %parallel_loop3A_162 : vector<16xi32>
      %parallel_loop3A_168 = tpu.vector_load_idx %arg29[%parallel_loop3A_167] : memref<2704xf32, #tpu.memory_space<vmem>>[vector<16xi32>], vector<16xf32>,
      %parallel_loop3A_169 = tpu.vector_load_idx %arg33[%parallel_loop3A_162] : memref<208xf32, #tpu.memory_space<vmem>>[vector<16xi32>], vector<16xf32>,
      %parallel_loop3A_170 = arith.mulf %parallel_loop3A_169, %parallel_loop3A_168 : vector<16xf32>
      %parallel_loop3A_171 = tpu.vector_load_idx %arg30[%parallel_loop3A_167] : memref<2704xf32, #tpu.memory_space<vmem>>[vector<16xi32>], vector<16xf32>,
      %parallel_loop3A_172 = arith.subf %parallel_loop3A_170, %parallel_loop3A_171 : vector<16xf32>
      %parallel_loop3A_173 = tpu.vector_load_idx %arg24[%broadcast_in_dim3A_152, %parallel_loop3A_162] : memref<2x256xf32, #tpu.memory_space<vmem>>[vector<16xi32>, vector<16xi32>], vector<16xf32>,
      %parallel_loop3A_174 = arith.addf %parallel_loop3A_172, %parallel_loop3A_173 : vector<16xf32>
      %parallel_loop3A_175 = tpu.vector_load_idx %arg34[%parallel_loop3A_162] : memref<208xf32, #tpu.memory_space<vmem>>[vector<16xi32>], vector<16xf32>,
      %parallel_loop3A_176 = arith.mulf %parallel_loop3A_175, %select_n3A_150 : vector<16xf32>
      %parallel_loop3A_177 = arith.mulf %parallel_loop3A_176, %parallel_loop3A_168 : vector<16xf32>
      %parallel_loop3A_178 = tpu.vector_load_idx %arg31[%parallel_loop3A_167] : memref<2704xf32, #tpu.memory_space<vmem>>[vector<16xi32>], vector<16xf32>,
      %parallel_loop3A_179 = arith.addf %parallel_loop3A_177, %parallel_loop3A_178 : vector<16xf32>
      %parallel_loop3A_180 = tpu.vector_load_idx %arg26[%broadcast_in_dim3A_152, %parallel_loop3A_162] : memref<2x256xf32, #tpu.memory_space<vmem>>[vector<16xi32>, vector<16xi32>], vector<16xf32>,
      %parallel_loop3A_181 = arith.addf %parallel_loop3A_179, %parallel_loop3A_180 : vector<16xf32>
      %parallel_loop3A_182 = tpu.vector_load_idx %arg35[%parallel_loop3A_162] : memref<208xf32, #tpu.memory_space<vmem>>[vector<16xi32>], vector<16xf32>,
      %parallel_loop3A_183 = arith.mulf %parallel_loop3A_182, %parallel_loop3A_168 : vector<16xf32>
      %parallel_loop3A_184 = tpu.vector_load_idx %arg32[%parallel_loop3A_167] : memref<2704xf32, #tpu.memory_space<vmem>>[vector<16xi32>], vector<16xf32>,
      %parallel_loop3A_185 = arith.addf %parallel_loop3A_183, %parallel_loop3A_184 : vector<16xf32>
      %parallel_loop3A_186 = tpu.vector_load_idx %arg25[%broadcast_in_dim3A_152, %parallel_loop3A_162] : memref<2x256xf32, #tpu.memory_space<vmem>>[vector<16xi32>, vector<16xi32>], vector<16xf32>,
      %parallel_loop3A_187 = arith.addf %parallel_loop3A_185, %parallel_loop3A_186 : vector<16xf32>
      %parallel_loop3A_188 = math.absf %parallel_loop3A_174 : vector<16xf32>
      %parallel_loop3A_189 = arith.constant 2.000000e+00 : f32
      %parallel_loop3A_190 = vector.broadcast %parallel_loop3A_189 : f32 to vector<16xf32>
      %parallel_loop3A_191 = arith.mulf %parallel_loop3A_188, %parallel_loop3A_190 : vector<16xf32>
      %parallel_loop3A_192 = math.exp %parallel_loop3A_191 : vector<16xf32>
      %parallel_loop3A_193 = tpu.bitcast %parallel_loop3A_174 : vector<16xf32> -> vector<16xi32>
      %parallel_loop3A_194 = arith.constant -2147483648 : i32
      %parallel_loop3A_195 = vector.broadcast %parallel_loop3A_194 : i32 to vector<16xi32>
      %parallel_loop3A_196 = arith.andi %parallel_loop3A_193, %parallel_loop3A_195 : vector<16xi32>
      %parallel_loop3A_197 = arith.constant 1065353216 : i32
      %parallel_loop3A_198 = vector.broadcast %parallel_loop3A_197 : i32 to vector<16xi32>
      %parallel_loop3A_199 = arith.ori %parallel_loop3A_198, %parallel_loop3A_196 : vector<16xi32>
      %parallel_loop3A_200 = tpu.bitcast %parallel_loop3A_199 : vector<16xi32> -> vector<16xf32>
      %parallel_loop3A_201 = math.absf %parallel_loop3A_174 : vector<16xf32>
      %parallel_loop3A_202 = arith.constant 0.000000e+00 : f32
      %parallel_loop3A_203 = vector.broadcast %parallel_loop3A_202 : f32 to vector<16xf32>
      %parallel_loop3A_204 = arith.cmpf ogt, %parallel_loop3A_201, %parallel_loop3A_203 : vector<16xf32>
      %parallel_loop3A_205 = arith.select %parallel_loop3A_204, %parallel_loop3A_200, %parallel_loop3A_174 : vector<16xi1>, vector<16xf32>
      %parallel_loop3A_206 = arith.constant 1.000000e+00 : f32
      %parallel_loop3A_207 = vector.broadcast %parallel_loop3A_206 : f32 to vector<16xf32>
      %parallel_loop3A_208 = arith.addf %parallel_loop3A_192, %parallel_loop3A_207 : vector<16xf32>
      %parallel_loop3A_209 = arith.constant 2.000000e+00 : f32
      %parallel_loop3A_210 = vector.broadcast %parallel_loop3A_209 : f32 to vector<16xf32>
      %parallel_loop3A_211 = arith.divf %parallel_loop3A_210, %parallel_loop3A_208 : vector<16xf32>
      %parallel_loop3A_212 = arith.constant 1.000000e+00 : f32
      %parallel_loop3A_213 = vector.broadcast %parallel_loop3A_212 : f32 to vector<16xf32>
      %parallel_loop3A_214 = arith.subf %parallel_loop3A_213, %parallel_loop3A_211 : vector<16xf32>
      %parallel_loop3A_215 = arith.mulf %parallel_loop3A_205, %parallel_loop3A_214 : vector<16xf32>
      %parallel_loop3A_216 = math.absf %parallel_loop3A_181 : vector<16xf32>
      %parallel_loop3A_217 = arith.constant 2.000000e+00 : f32
      %parallel_loop3A_218 = vector.broadcast %parallel_loop3A_217 : f32 to vector<16xf32>
      %parallel_loop3A_219 = arith.mulf %parallel_loop3A_216, %parallel_loop3A_218 : vector<16xf32>
      %parallel_loop3A_220 = math.exp %parallel_loop3A_219 : vector<16xf32>
      %parallel_loop3A_221 = tpu.bitcast %parallel_loop3A_181 : vector<16xf32> -> vector<16xi32>
      %parallel_loop3A_222 = arith.constant -2147483648 : i32
      %parallel_loop3A_223 = vector.broadcast %parallel_loop3A_222 : i32 to vector<16xi32>
      %parallel_loop3A_224 = arith.andi %parallel_loop3A_221, %parallel_loop3A_223 : vector<16xi32>
      %parallel_loop3A_225 = arith.constant 1065353216 : i32
      %parallel_loop3A_226 = vector.broadcast %parallel_loop3A_225 : i32 to vector<16xi32>
      %parallel_loop3A_227 = arith.ori %parallel_loop3A_226, %parallel_loop3A_224 : vector<16xi32>
      %parallel_loop3A_228 = tpu.bitcast %parallel_loop3A_227 : vector<16xi32> -> vector<16xf32>
      %parallel_loop3A_229 = math.absf %parallel_loop3A_181 : vector<16xf32>
      %parallel_loop3A_230 = arith.constant 0.000000e+00 : f32
      %parallel_loop3A_231 = vector.broadcast %parallel_loop3A_230 : f32 to vector<16xf32>
      %parallel_loop3A_232 = arith.cmpf ogt, %parallel_loop3A_229, %parallel_loop3A_231 : vector<16xf32>
      %parallel_loop3A_233 = arith.select %parallel_loop3A_232, %parallel_loop3A_228, %parallel_loop3A_181 : vector<16xi1>, vector<16xf32>
      %parallel_loop3A_234 = arith.constant 1.000000e+00 : f32
      %parallel_loop3A_235 = vector.broadcast %parallel_loop3A_234 : f32 to vector<16xf32>
      %parallel_loop3A_236 = arith.addf %parallel_loop3A_220, %parallel_loop3A_235 : vector<16xf32>
      %parallel_loop3A_237 = arith.constant 2.000000e+00 : f32
      %parallel_loop3A_238 = vector.broadcast %parallel_loop3A_237 : f32 to vector<16xf32>
      %parallel_loop3A_239 = arith.divf %parallel_loop3A_238, %parallel_loop3A_236 : vector<16xf32>
      %parallel_loop3A_240 = arith.constant 1.000000e+00 : f32
      %parallel_loop3A_241 = vector.broadcast %parallel_loop3A_240 : f32 to vector<16xf32>
      %parallel_loop3A_242 = arith.subf %parallel_loop3A_241, %parallel_loop3A_239 : vector<16xf32>
      %parallel_loop3A_243 = arith.mulf %parallel_loop3A_233, %parallel_loop3A_242 : vector<16xf32>
      %parallel_loop3A_244 = arith.addf %parallel_loop3A_215, %parallel_loop3A_243 : vector<16xf32>
      %parallel_loop3A_245 = arith.addf %parallel_loop3A_244, %parallel_loop3A_187 : vector<16xf32>
      %parallel_loop3A_246 = arith.addf %parallel_loop3A_245, %parallel_loop3A_168 : vector<16xf32>
      %parallel_loop3A_247 = arith.constant 16 : i32
      %parallel_loop3A_248 = arith.muli %parallel_loop3A_158, %parallel_loop3A_247 : i32
      %parallel_loop3A_249 = arith.constant 2484 : i32
      %parallel_loop3A_250 = arith.addi %parallel_loop3A_249, %parallel_loop3A_248 : i32
      %parallel_loop3A_251 = arith.index_cast %parallel_loop3A_250 : i32 to index
      %parallel_loop3A_252 = tpu.vector_load %arg36[%parallel_loop3A_251] {strides = array<i32>} : memref<4980xf32, #tpu.memory_space<vmem>>, vector<16xf32>,
      tpu.vector_store %arg36[%parallel_loop3A_251], %parallel_loop3A_246 {strides = array<i32>} : memref<4980xf32, #tpu.memory_space<vmem>>, vector<16xf32>,
    } {sc.loop_unroll_factor = 2 : i64, sc.parallel_access}
    %mul3A_156 = arith.constant 2484 : i32
    %mul3A_157 = arith.muli %mul3A_2, %mul3A_156 : i32
    "tpu.region"() ({
      %run_scoped3A = tpu.sem_alloc : memref<!tpu.dma_semaphore, #tpu.memory_space<semaphore_mem>>
      %dma_start3A_158 = arith.constant 0 : i32
      %dma_start3A_159 = tpu.memref_slice %arg36[%dma_start3A_158] : memref<4980xf32, #tpu.memory_space<vmem>> -> memref<4968xf32, #tpu.memory_space<vmem>>
      %dma_start3A_160 = tpu.memref_slice %arg15[%mul3A_157] : memref<158976xf32, #tpu.memory_space<hbm>> -> memref<4968xf32, #tpu.memory_space<hbm>>
      %dma_start3A_161 = tpu.memref_slice %arg15[%mul3A_157] : memref<158976xf32, #tpu.memory_space<hbm>> -> memref<4968xf32, #tpu.memory_space<hbm>>
      %dma_start3A_162 = arith.constant 0 : i32
      %dma_start3A_163 = tpu.memref_slice %arg36[%dma_start3A_162] : memref<4980xf32, #tpu.memory_space<vmem>> -> memref<4968xf32, #tpu.memory_space<vmem>>
      tpu.enqueue_dma source(%dma_start3A_163 : memref<4968xf32, #tpu.memory_space<vmem>>) target(%dma_start3A_161 : memref<4968xf32, #tpu.memory_space<hbm>>) target_semaphore(%run_scoped3A : memref<!tpu.dma_semaphore, #tpu.memory_space<semaphore_mem>>)
      %dma_wait3A_164 = arith.constant 0 : i32
      %dma_wait3A_165 = tpu.memref_slice %arg36[%dma_wait3A_164] : memref<4980xf32, #tpu.memory_space<vmem>> -> memref<4968xf32, #tpu.memory_space<vmem>>
      %dma_wait3A_166 = tpu.memref_slice %arg15[%mul3A_157] : memref<158976xf32, #tpu.memory_space<hbm>> -> memref<4968xf32, #tpu.memory_space<hbm>>
      %dma_wait3A_167 = tpu.memref_slice %arg15[%mul3A_157] : memref<158976xf32, #tpu.memory_space<hbm>> -> memref<4968xf32, #tpu.memory_space<hbm>>
      %dma_wait3A_168 = arith.constant 0 : i32
      %dma_wait3A_169 = tpu.memref_slice %arg36[%dma_wait3A_168] : memref<4980xf32, #tpu.memory_space<vmem>> -> memref<4968xf32, #tpu.memory_space<vmem>>
      tpu.wait_dma2 semaphore(%run_scoped3A : memref<!tpu.dma_semaphore, #tpu.memory_space<semaphore_mem>>) src(%dma_wait3A_169 : memref<4968xf32, #tpu.memory_space<vmem>>) dst(%dma_wait3A_167 : memref<4968xf32, #tpu.memory_space<hbm>>)
      tpu.yield
    }) : () -> ()
    return
  }
}

</mosaic_0001>

<sc_bundles>
// kernel: _run.3.cloned.1.call-start
scs
__scs_entry_jumppad:
0x0: {  	(pc) =	sbr.rel $0x88, $3  }
0x1: {  	(tag) =	ssettag $0x0;
	lr =	simm.s32 $0x1  }
0x2: {  	[smem:$0x3F94] =	sst lr;
	_ =	strace $0xD0000000  }
0x3: {  	_ = 	snop  }
0x4: {  	_ = 	snop  }
0x5: {  	_ = 	snop  }
0x6: {  	_ = 	snop  }
0x7: {  	_ = 	snop  }
__scs_overlays_trampoline_lowered:
0x8: {  	[smem:$0x3FA3] =	sst s0  }
0x9: {  	[smem:$0x3FA4] =	sst s1  }
0xa: {  	[smem:$0x3FA5] =	sst s2  }
0xb: {  	[smem:$0x3FA6] =	sst s3  }
0xc: {  	[smem:$0x3FA7] =	sst s4  }
0xd: {  	[smem:$0x3FA8] =	sst s5  }
0xe: {  	[smem:$0x3FA9] =	sst s6  }
0xf: {  	[smem:$0x3FAA] =	sst s7  }
0x10: {  	[smem:$0x3FAB] =	sst s8  }
0x11: {  	[smem:$0x3FAC] =	sst s9;
	s0 =	simm.s32 @!p0 $0x0  }
0x12: {  	s1 =	sld [smem:$0x3F92];
	s0 =	simm.s32 @p0 $0x1  }
0x13: {  	[smem:$0x3FAD] =	sst s0;
	s0 =	simm.s32 @!p1 $0x0  }
0x14: {  	s2 =	sld [smem:$0x3F91];
	s0 =	simm.s32 @p1 $0x1  }
0x15: {  	[smem:$0x3FAE] =	sst s0;
	s0 =	simm.s32 @!p2 $0x0  }
0x16: {  	s3 =	sld [smem:$0x3FDB];
	s0 =	simm.s32 @p2 $0x1  }
0x17: {  	s4 =	simm.s32 $0x1BF5;
	[smem:$0x3FB0] =	sst s0  }
0x18: {  	s0 =	sld [smem:$0x3F93];
	_ =	swait.ge [sflag:s4], $0x0  }
0x19: {  	s7 =	sld [smem:$0x3F94]  }
0x1a: {  	s8 =	sadd.s32 $0xFFFFE003, lr  }
0x1b: {  	s9 =	sadd.s32 $0xFFFFFEF7, lr;
	s5 =	simm.s32 $0xFFFFFFFF;
	p2 =	slt.u32 s8, $0xFFFFF086  }
0x1c: {  	p1 =	slt.u32 s9, $0xF7A;
	s5 =	simm.s32 @!p2 $0x0  }
0x1d: {  	s5 =	simm.s32 @p1 $0x1;
	p0 =	seq.s32 s7, s2  }
0x1e: {  	s7 =	smul.u32 @!p0 $0xF7A, s2;
	p2 =	seq.s32 @!p0 s5, $0x0  }
0x1f: {  	s9 =	smul.u32 $0xF7A, s1;
	s8 =	simm.s32 @!p0 $0x1BF5;
	p2 =	por !p2, p0  }
0x20: {  	[sflag:s8] =	ssyncset.s32 @!p0 $0xFFFFF086;
	s6 =	sadd.s32 @!p0 s3, s7;
	s7 =	simm.s32 @!p0 $0x108  }
0x21: {  	s3 =	sadd.s32 s3, s9;
	s6 =	sadd.s32 @!p0 $0x88, s6;
	s7 =	simm.s32 @p2 $0x1082  }
0x22: {  	[simem:s7], [sflag:s8] =	dma.local @!p0 [hbm:s6], $0xF7A  }
0x23: {  	s9 =	sor.u32 $0xD0000000, s2;
	s6 =	simm.s32 $0x108;
	_ =	swait.ge @!p0 [sflag:s8], $0x0  }
0x24: {  	s3 =	sadd.s32 $0x88, s3;
	s6 =	simm.s32 @!p1 $0x1082;
	[sflag:s4] =	ssyncset.s32 $0xFFFFF086  }
0x25: {  	[simem:s6], [sflag:s4] =	dma.local [hbm:s3], $0xF7A  }
0x26: {  	[smem:$0x3F94] =	sst s1;
	(tag) =	ssettag s2;
	_ =	strace s9  }
0x27: {  	s1 =	sld [smem:$0x3FA4]  }
0x28: {  	s2 =	sld [smem:$0x3FA5]  }
0x29: {  	s4 =	sld [smem:$0x3FA7]  }
0x2a: {  	p0 =	seq.s32 s5, $0x0;
	s5 =	sld [smem:$0x3FA8]  }
0x2b: {  	s6 =	sld [smem:$0x3FA9]  }
0x2c: {  	s7 =	sld [smem:$0x3FAA]  }
0x2d: {  	s3 =	simm.s32 $0x108;
	s8 =	sld [smem:$0x3FAB]  }
0x2e: {  	s3 =	simm.s32 @!p0 $0x1082;
	s9 =	sld [smem:$0x3FAC]  }
0x2f: {  	lr =	sadd.s32 s0, s3;
	s0 =	sld [smem:$0x3FA3]  }
0x30: {  	s3 =	sld [smem:$0x3FA6]  }
0x31: {  	[smem:$0x3FAF] =	sst s10  }
0x32: {  	s10 =	sld [smem:$0x3FAD];
	_ =	sdelay $0x3  }
0x33: {  	p0 =	seq.s32 s10, $0x1;
	s10 =	sld [smem:$0x3FAF];
	_ =	sdelay $0x3  }
0x34: {  	[smem:$0x3FAF] =	sst s10  }
0x35: {  	s10 =	sld [smem:$0x3FAE];
	_ =	sdelay $0x3  }
0x36: {  	p1 =	seq.s32 s10, $0x1;
	s10 =	sld [smem:$0x3FAF];
	_ =	sdelay $0x3  }
0x37: {  	[smem:$0x3FAF] =	sst s10  }
0x38: {  	s10 =	sld [smem:$0x3FB0]  }
0x39: {  	_ = 	snop;
	(pc) =	sbr.ind lr, $3  }
0x3a: {  	_ = 	snop  }
0x3b: {  	_ = 	snop  }
0x3c: {  	p2 =	seq.s32 s10, $0x1;
	s10 =	sld [smem:$0x3FAF]  }
0x3d: {  	_ =	shalt  }
0x3e: {  	_ =	shalt  }
0x3f: {  	_ =	shalt  }
0x40: {  	_ =	shalt  }
0x41: {  	_ =	shalt  }
0x42: {  	_ =	shalt  }
0x43: {  	_ =	shalt  }
0x44: {  	_ =	shalt  }
0x45: {  	_ =	shalt  }
0x46: {  	_ =	shalt  }
0x47: {  	_ =	shalt  }
0x48: {  	_ =	shalt  }
0x49: {  	_ =	shalt  }
0x4a: {  	_ =	shalt  }
0x4b: {  	_ =	shalt  }
0x4c: {  	_ =	shalt  }
0x4d: {  	_ =	shalt  }
0x4e: {  	_ =	shalt  }
0x4f: {  	_ =	shalt  }
0x50: {  	_ =	shalt  }
0x51: {  	_ =	shalt  }
0x52: {  	_ =	shalt  }
0x53: {  	_ =	shalt  }
0x54: {  	_ =	shalt  }
0x55: {  	_ =	shalt  }
0x56: {  	_ =	shalt  }
0x57: {  	_ =	shalt  }
0x58: {  	_ =	shalt  }
0x59: {  	_ =	shalt  }
0x5a: {  	_ =	shalt  }
0x5b: {  	_ =	shalt  }
0x5c: {  	_ =	shalt  }
0x5d: {  	_ =	shalt  }
0x5e: {  	_ =	shalt  }
0x5f: {  	_ =	shalt  }
0x60: {  	_ =	shalt  }
0x61: {  	_ =	shalt  }
0x62: {  	_ =	shalt  }
0x63: {  	_ =	shalt  }
0x64: {  	_ =	shalt  }
0x65: {  	_ =	shalt  }
0x66: {  	_ =	shalt  }
0x67: {  	_ =	shalt  }
0x68: {  	_ =	shalt  }
0x69: {  	_ =	shalt  }
0x6a: {  	_ =	shalt  }
0x6b: {  	_ =	shalt  }
0x6c: {  	_ =	shalt  }
0x6d: {  	_ =	shalt  }
0x6e: {  	_ =	shalt  }
0x6f: {  	_ =	shalt  }
0x70: {  	_ =	shalt  }
0x71: {  	_ =	shalt  }
0x72: {  	_ =	shalt  }
0x73: {  	_ =	shalt  }
0x74: {  	_ =	shalt  }
0x75: {  	_ =	shalt  }
0x76: {  	_ =	shalt  }
0x77: {  	_ =	shalt  }
0x78: {  	_ =	shalt  }
0x79: {  	_ =	shalt  }
0x7a: {  	_ =	shalt  }
0x7b: {  	_ =	shalt  }
0x7c: {  	_ =	shalt  }
0x7d: {  	_ =	shalt  }
0x7e: {  	_ =	shalt  }
0x7f: {  	_ =	shalt  }
0x80: {  	_ =	shalt  }
0x81: {  	_ =	shalt  }
0x82: {  	_ =	shalt  }
0x83: {  	_ =	shalt  }
0x84: {  	_ =	shalt  }
0x85: {  	_ =	shalt  }
0x86: {  	_ =	shalt  }
0x87: {  	_ =	shalt  }
.Lfunc_end0:
.L_simem_size_0:
called_computation_lowered:
.L_overlay_start_0:
0x88: {  	s2 =	sld [smem:$0x3FD9]  }
0x89: {  	s3 =	sld [smem:$0x3FFE];
	_ =	sdelay $0x1  }
0x8a: {  	s1 =	srdreg.scid  }
0x8b: {  	s0 =	sand.u32 $0x1, s1  }
0x8c: {  	s25 =	sshll.u32 s0, $0xA;
	s2 =	sadd.s32 s3, s2  }
0x8d: {  	s2 =	sadd.s32 s2, s25  }
0x8e: {  	[smem:$0x3FBB] =	sst s2  }
0x8f: {  	_ = 	snop  }
0x90: {  	s2 =	sld [smem:$0x3FC9]  }
0x91: {  	s3 =	sld [smem:$0x3FC8]  }
0x92: {  	s4 =	sld [smem:$0x3FC7]  }
0x93: {  	s5 =	sld [smem:$0x3FC6]  }
0x94: {  	s6 =	sld [smem:$0x3FC5]  }
0x95: {  	s7 =	sld [smem:$0x3FC4]  }
0x96: {  	s8 =	sld [smem:$0x3FC3]  }
0x97: {  	s9 =	sld [smem:$0x3FC2]  }
0x98: {  	s10 =	sld [smem:$0x3FC1]  }
0x99: {  	s11 =	sld [smem:$0x3FC0]  }
0x9a: {  	s12 =	sld [smem:$0x3FBF]  }
0x9b: {  	s13 =	sld [smem:$0x3FBE]  }
0x9c: {  	s14 =	sld [smem:$0x3FBD]  }
0x9d: {  	s15 =	sld [smem:$0x3FD0];
	(tm) =	ssettm $0x1  }
0x9e: {  	s16 =	sld [smem:$0x3FFB];
	_ =	sdelay $0x3  }
0x9f: {  	_ =	strace s16  }
0xa0: {  	s16 =	sld [smem:$0x3FFC];
	_ =	sdelay $0x3  }
0xa1: {  	_ =	strace s16  }
0xa2: {  	s16 =	sld [smem:$0x3FFD];
	_ =	sdelay $0x3  }
0xa3: {  	_ =	strace s16  }
0xa4: {  	_ =	strace $0x8FFFFFFF  }
0xa5: {  	s26 =	sld [smem:$0x3FDB];
	_ =	sdelay $0x1  }
0xa6: {  	s17 =	simm.s32 $_scs_section_size  }
0xa7: {  	s18 =	simm.s32 $_size__tile_task_arg_handler_lowered;
	s19 =	simm.s32 $_tile_task_arg_handler_lowered  }
0xa8: {  	s30 =	simm.s32 $0x1BFF;
	s29 =	sshll.u32 s19, $0x1;
	s17 =	sadd.s32 s17, s26  }
0xa9: {  	s20 =	simm.s32 $0x60;
	s28 =	sshll.u32 s18, $0x1;
	s18 =	sadd.s32 s29, s17  }
0xaa: {  	[timem:s20], [sflag:s30] =	dma.local [hbm:s18], s28  }
0xab: {  	_ =	swait.ge [sflag:s30], s28  }
0xac: {  	s31 =	simm.s32 $_tile_overlayer_lowered;
	s16 =	ssub.s32 $0x0, s28;
	[sflag:s30] =	ssyncset.done $0x0  }
0xad: {  	s20 =	simm.s32 $_size__tile_overlayer_lowered;
	s18 =	sshll.u32 s31, $0x1;
	[sflag:s30] =	ssyncadd.s32 s16  }
0xae: {  	s22 =	simm.s32 $0x0;
	s21 =	sshll.u32 s20, $0x1;
	s18 =	sadd.s32 s18, s17  }
0xaf: {  	[timem:s22], [sflag:s30] =	dma.local [hbm:s18], s21  }
0xb0: {  	_ =	swait.ge [sflag:s30], s21  }
0xb1: {  	s23 =	ssub.s32 $0x0, s21;
	[sflag:s30] =	ssyncset.done $0x0  }
0xb2: {  	[sflag:s30] =	ssyncadd.s32 s23;
	_ =	sdelay $0x1  }
0xb3: {  	s24 =	simm.s32 $0x1B8B  }
0xb4: {  	_ =	swait.ge [sflag:s24], $0x1  }
0xb5: {  	[sflag:s24] =	ssyncset.done $0x0  }
0xb6: {  	s25 =	simm.s32 $0x1B8E;
	[sflag:s24] =	ssyncadd.s32 $0xFFFFFFFF  }
0xb7: {  	s26 =	simm.s32 $execute0_lowered;
	[smem:$0x3FD2] =	sst s25  }
0xb8: {  	s18 =	sshll.u32 s26, $0x1;
	_ =	strace $0x80000046;
	[dreg:$0x1] =	wrdreg $0xFFFFFFFF  }
0xb9: {  	s28 =	simm.s32 $_size_execute0_lowered;
	s17 =	sadd.s32 s17, s18;
	[dreg:$0x0] =	wrdreg $0x0  }
0xba: {  	s18 =	sshll.u32 s28, $0x1;
	[dreg:$0x2] =	wrdreg s17  }
0xbb: {  	[dreg:$0x3] =	wrdreg s18  }
0xbc: {  	[dreg:$0x4] =	wrdreg $0xC0  }
0xbd: {  	_ =	task [dreg:s22], $0x5FFFF  }
0xbe: {  	[dreg:$0x1] =	wrdreg $0xFFFFFFFF  }
0xbf: {  	[dreg:$0x0] =	wrdreg $0x30  }
0xc0: {  	[dreg:$0x2] =	wrdreg $0x0  }
0xc1: {  	[dreg:$0x3] =	wrdreg $0x9  }
0xc2: {  	_ =	task [dreg:s22], $0x4FFFF  }
0xc3: {  	[dreg:$0x1] =	wrdreg $0xFFFFFFFF  }
0xc4: {  	[dreg:$0x0] =	wrdreg $0x60  }
0xc5: {  	[dreg:$0x2] =	wrdreg s2  }
0xc6: {  	[dreg:$0x3] =	wrdreg s3  }
0xc7: {  	[dreg:$0x4] =	wrdreg s4  }
0xc8: {  	[dreg:$0x5] =	wrdreg s5  }
0xc9: {  	[dreg:$0x6] =	wrdreg s6  }
0xca: {  	[dreg:$0x7] =	wrdreg s7  }
0xcb: {  	[dreg:$0x8] =	wrdreg s8  }
0xcc: {  	[dreg:$0x9] =	wrdreg s9  }
0xcd: {  	[dreg:$0xa] =	wrdreg s10  }
0xce: {  	[dreg:$0xb] =	wrdreg s11  }
0xcf: {  	[dreg:$0xc] =	wrdreg s12  }
0xd0: {  	[dreg:$0xd] =	wrdreg s13  }
0xd1: {  	[dreg:$0xe] =	wrdreg s14  }
0xd2: {  	[dreg:$0xf] =	wrdreg s15  }
0xd3: {  	_ =	task.clear_ibuf [dreg:s22], $0x10FFFF;
	_ =	strace $0x90000046  }
0xd4: {  	s29 =	simm.s32 $0x9;
	_ =	strace $0x80000048  }
0xd5: {  	_ =	swait.ge [sflag:s29], $0x1  }
0xd6: {  	[sflag:s29] =	ssyncadd.s32 $0xFFFFFFFF  }
0xd7: {  	_ =	strace $0x90000048  }
0xd8: {  	_ =	sfence  }
0xd9: {  	s30 =	sld [smem:$0x0];
	_ =	sdelay $0x2  }
0xda: {  	s31 =	sshll.u32 s1, $0xD;
	s1 =	sshrl.u32 s1, $0x2  }
0xdb: {  	s3 =	sand.u32 $0x4000, s31;
	s1 =	sadd.s32 s1, s30  }
0xdc: {  	s0 =	sor.u32 s3, s0;
	s1 =	sshll.u32 s1, $0x11  }
0xdd: {  	s0 =	sor.u32 s1, s0  }
0xde: {  	s0 =	sadd.s32 $0x8F2B, s0  }
0xdf: {  	[sflag:s0] =	ssyncadd.remote.s32 $0x1  }
0xe0: {  	_ =	sfence.sel $0xFFFF  }
0xe1: {  	[dreg:$0x0] =	wrdreg $0xFFFFFFFF;
	(pc) =	sbr.abs _section_cstart, $3  }
0xe2: {  	[dreg:$0x1] =	wrdreg $0xFFFFFFFF  }
0xe3: {  	_ =	task.clear_ibuf [dreg:s22], $0x2FFFF;
	_ =	strace $0x9FFFFFFF  }
0xe4: {  	(tm) =	ssettm $0x7FFFFFFF  }
0xe5: {  	_ =	shalt  }
tec
_tile_task_arg_handler_lowered:
.L_overlay_start_1:
0x0: {  	(tag) =	ssettag $0x1  }
0x1: {  	s0 =	rddreg [dreg:$0x0]  }
0x2: {  	s1 =	rddreg [dreg:$0x1]  }
0x3: {  	s2 =	rddreg [dreg:$0x2]  }
0x4: {  	s3 =	rddreg [dreg:$0x3]  }
0x5: {  	s4 =	rddreg [dreg:$0x4]  }
0x6: {  	s5 =	rddreg [dreg:$0x5]  }
0x7: {  	s6 =	rddreg [dreg:$0x6]  }
0x8: {  	s7 =	rddreg [dreg:$0x7]  }
0x9: {  	s8 =	rddreg [dreg:$0x8]  }
0xa: {  	s9 =	rddreg [dreg:$0x9]  }
0xb: {  	s10 =	rddreg [dreg:$0xa]  }
0xc: {  	s11 =	rddreg [dreg:$0xb]  }
0xd: {  	s12 =	rddreg [dreg:$0xc]  }
0xe: {  	s13 =	rddreg [dreg:$0xd]  }
0xf: {  	[smem:s0] =	sst s1  }
0x10: {  	[smem:s0+$0x1] =	sst s2  }
0x11: {  	[smem:s0+$0x2] =	sst s3  }
0x12: {  	[smem:s0+$0x3] =	sst s4  }
0x13: {  	[smem:s0+$0x4] =	sst s5  }
0x14: {  	[smem:s0+$0x5] =	sst s6  }
0x15: {  	[smem:s0+$0x6] =	sst s7  }
0x16: {  	[smem:s0+$0x7] =	sst s8  }
0x17: {  	[smem:s0+$0x8] =	sst s9  }
0x18: {  	[smem:s0+$0x9] =	sst s10  }
0x19: {  	[smem:s0+$0xA] =	sst s11  }
0x1a: {  	[smem:s0+$0xB] =	sst s12  }
0x1b: {  	[smem:s0+$0xC] =	sst s13;
	_ =	shalt  }
.Lfunc_end2:
execute0_lowered:
.L_overlay_start_2:
0x1c: {  	(tag) =	ssettag $0x2  }
0x1d: {  	s0 =	rddreg [dreg:$0x0]  }
0x1e: {  	s1 =	rddreg [dreg:$0x1]  }
0x1f: {  	s7 =	rddreg [dreg:$0x5]  }
0x20: {  	s8 =	rddreg [dreg:$0x6]  }
0x21: {  	s9 =	rddreg [dreg:$0x7]  }
0x22: {  	s10 =	rddreg [dreg:$0x8];
	s2 =	srdreg.scid  }
0x23: {  	s3 =	rddreg [dreg:$0xd];
	s13 =	simm.s32 $0x0;
	s6 =	stileid.u32  }
0x24: {  	s28 =	simm.s32 $0x7700;
	s29 =	simm.s32 $0x8200;
	s30 =	simm.s32 $0x8D00  }
0x25: {  	s31 =	simm.s32 $0x2;
	s11 =	simm.s32 $0x0;
	s2 =	sand.u32 $0x1, s2  }
0x26: {  	[smem:$0x7FF] =	sst s13;
	s6 =	sshll.u32 s6, $0x1;
	s24 =	sadd.s32 $0x400, s7  }
0x27: {  	s25 =	sadd.s32 $0x400, s8;
	s26 =	sadd.s32 $0x400, s9;
	s18 =	sadd.s32 $0x400, s10  }
0x28: {  	s7 =	simm.s32 $0x5280;
	s8 =	simm.s32 $0x5480;
	s5 =	sld [smem:$0x0]  }
0x29: {  	s10 =	simm.s32 $0x1;
	s4 =	ssub.s32 $0x2, s2;
	s2 =	sor.u32 s2, s6  }
0x2a: {  	s21 =	sshrl.u32 s4, $0x1;
	s22 =	sshll.u32 s2, $0x1;
	s1 =	sadd.s32 s1, s2  }
0x2b: {  	s23 =	smul.u32 $0x26D, s2;
	s2 =	simm.s32 $0x5080;
	[dreg:$0xe] =	wrdreg s5  }
0x2c: {  	s4 =	ssub.s32 s4, s21;
	_ =	strace $0x80000047;
	[dreg:$0xf] =	wrdreg s1  }
0x2d: {  	v0 =	vimm.f32 $0.0e+00;
	v1 =	vlaneseq.u32;
	p0 =	seq.s32 s22, $0x0;
	s22 =	simm.s32 $0x3;
	[dreg:$0x10] =	wrdreg s24  }
0x2e: {  	vm0 =	vmmov $0xffff;
	v5 =	vimm.f32 $1.000000000e+00;
	vm1 =	vmmov $0xfff;
	s19 =	sadd.s32 s0, s23;
	s20 =	sadd.s32 s3, s23;
	[dreg:$0x11] =	wrdreg s25  }
0x2f: {  	vm2 =	vmmov $0xf;
	v3 =	vand.u32 $0x1, v1;
	v4 =	vshrl.u32 v1, $0x1;
	s21 =	smax.u32 s4, $0x1;
	s23 =	simm.s32 $0x6C00;
	[dreg:$0x12] =	wrdreg s26  }
0x30: {  	v5 =	vand.u32 $0x7FFFFFFF, v5;
	v4 =	vmul.u32 $0x8, v4;
	v2 =	vpsel !p0, $0x3F800000, v0;
	s24 =	simm.s32 $0x9800;
	s25 =	simm.s32 $0x9900;
	s26 =	simm.s32 $0x9A00  }
.LBB3_1:
0x31: {  	s0 =	rddreg [dreg:$0xf]  }
0x32: {  	[tilespmem:s13], [sflag:$0x3] =	stream.linear.gather [hbm4b:s0+s13], $0x8, $0x38;
	[tilespmem:$0xAE80] =	vst v63  }
0x33: {  	_ =	swait.ge [sflag:s22], $0x8  }
0x34: {  	[sflag:s22] =	ssyncset.done $0x0  }
0x35: {  	[sflag:s22] =	ssyncadd.s32 $0xFFFFFFF8  }
0x36: {  	v6 =	vld.msk [tilespmem:$0x0], $0x3;
	_ =	sdelay $0x4  }
0x37: {  	v7 =	vshrl.u32 v6, $0x3  }
0x38: {  	v7 =	vmul.u32 $0x70, v7  }
0x39: {  	v6 =	vand.u32 $0x7, v6  }
0x3a: {  	v6 =	vor.u32 v6, v7  }
0x3b: {  	v6 =	vperm.xlane v6, v3;
	_ =	sdelay $0x1  }
0x3c: {  	v6 =	vadd.s32 v4, v6;
	_ =	sdelay $0x3  }
0x3d: {  	s1 =	simm.s32 $0x1880;
	s12 =	rddreg [dreg:$0x5]  }
0x3e: {  	[tilespmem:s1], [sflag:$0x1] =	stream.indirect_vreg.gather [hbm4b:s12+s13], $0x80, v6, vm0, $0xb8;
	[tilespmem:$0xAE80] =	vst v63  }
0x3f: {  	s15 =	simm.s32 $0x2080;
	s14 =	rddreg [dreg:$0x10]  }
0x40: {  	[tilespmem:s15], [sflag:$0x1] =	stream.indirect_vreg.gather [hbm4b:s14+s13], $0x80, v6, vm1, $0xb8;
	[tilespmem:$0xAE80] =	vst v63  }
0x41: {  	v6 =	vld.msk [tilespmem:$0x0], $0x3;
	_ =	sdelay $0x4  }
0x42: {  	v7 =	vshrl.u32 v6, $0x3  }
0x43: {  	v7 =	vmul.u32 $0x70, v7  }
0x44: {  	v6 =	vand.u32 $0x7, v6  }
0x45: {  	v6 =	vor.u32 v6, v7  }
0x46: {  	v6 =	vperm.xlane v6, v3;
	_ =	sdelay $0x1  }
0x47: {  	v6 =	vadd.s32 v4, v6;
	_ =	sdelay $0x3  }
0x48: {  	s17 =	simm.s32 $0x2680;
	s16 =	rddreg [dreg:$0x6]  }
0x49: {  	[tilespmem:s17], [sflag:$0x1] =	stream.indirect_vreg.gather [hbm4b:s16+s13], $0x80, v6, vm0, $0xb8;
	[tilespmem:$0xAE80] =	vst v63  }
0x4a: {  	s3 =	simm.s32 $0x2E80;
	s1 =	rddreg [dreg:$0x11]  }
0x4b: {  	[tilespmem:s3], [sflag:$0x1] =	stream.indirect_vreg.gather [hbm4b:s1+s13], $0x80, v6, vm1, $0xb8;
	[tilespmem:$0xAE80] =	vst v63  }
0x4c: {  	v6 =	vld.msk [tilespmem:$0x0], $0x3;
	_ =	sdelay $0x4  }
0x4d: {  	v7 =	vshrl.u32 v6, $0x3  }
0x4e: {  	v7 =	vmul.u32 $0x70, v7  }
0x4f: {  	v6 =	vand.u32 $0x7, v6  }
0x50: {  	v6 =	vor.u32 v6, v7  }
0x51: {  	v6 =	vperm.xlane v6, v3;
	_ =	sdelay $0x1  }
0x52: {  	v6 =	vadd.s32 v4, v6;
	_ =	sdelay $0x3  }
0x53: {  	s5 =	simm.s32 $0x3480;
	s4 =	rddreg [dreg:$0x7]  }
0x54: {  	[tilespmem:s5], [sflag:$0x1] =	stream.indirect_vreg.gather [hbm4b:s4+s13], $0x80, v6, vm0, $0xb8;
	[tilespmem:$0xAE80] =	vst v63  }
0x55: {  	s9 =	simm.s32 $0x3C80;
	s6 =	rddreg [dreg:$0x12]  }
0x56: {  	[tilespmem:s9], [sflag:$0x1] =	stream.indirect_vreg.gather [hbm4b:s6+s13], $0x80, v6, vm1, $0xb8;
	[tilespmem:$0xAE80] =	vst v63  }
0x57: {  	v6 =	vld.msk [tilespmem:$0x0], $0x3;
	_ =	sdelay $0x4  }
0x58: {  	v7 =	vshrl.u32 v6, $0x3  }
0x59: {  	v7 =	vmul.u32 $0x70, v7  }
0x5a: {  	v6 =	vand.u32 $0x7, v6  }
0x5b: {  	v6 =	vor.u32 v6, v7  }
0x5c: {  	v6 =	vperm.xlane v6, v3;
	_ =	sdelay $0x1  }
0x5d: {  	v6 =	vadd.s32 v4, v6;
	_ =	sdelay $0x3  }
0x5e: {  	s12 =	rddreg [dreg:$0x8];
	s14 =	simm.s32 $0x4280  }
0x5f: {  	[tilespmem:s14], [sflag:$0x1] =	stream.indirect_vreg.gather [hbm4b:s12+s13], $0x80, v6, vm0, $0xb8;
	[tilespmem:$0xAE80] =	vst v63  }
0x60: {  	s15 =	simm.s32 $0x4A80  }
0x61: {  	[tilespmem:s15], [sflag:$0x1] =	stream.indirect_vreg.gather [hbm4b:s18+s13], $0x80, v6, vm1, $0xb8;
	[tilespmem:$0xAE80] =	vst v63  }
0x62: {  	s16 =	rddreg [dreg:$0x2];
	s17 =	simm.s32 $0x80  }
0x63: {  	[tilespmem:s17], [sflag:$0x1] =	stream.linear.gather [hbm4b:s16+s13], $0x700, $0x38;
	[tilespmem:$0xAE80] =	vst v63  }
0x64: {  	s3 =	rddreg [dreg:$0x3];
	s4 =	simm.s32 $0x780  }
0x65: {  	[tilespmem:s4], [sflag:$0x1] =	stream.linear.gather [hbm4b:s3+s13], $0x700, $0x38;
	[tilespmem:$0xAE80] =	vst v63  }
0x66: {  	s5 =	rddreg [dreg:$0x4];
	s6 =	simm.s32 $0xE80  }
0x67: {  	[tilespmem:s6], [sflag:$0x1] =	stream.linear.gather [hbm4b:s5+s13], $0xA00, $0x38;
	[tilespmem:$0xAE80] =	vst v63  }
0x68: {  	s9 =	simm.s32 $0x5880  }
0x69: {  	[tilespmem:s9], [sflag:$0x1] =	stream.linear.gather [hbm4b:s19+s13], $0x1368, $0x38;
	[tilespmem:$0xAE80] =	vst v63  }
0x6a: {  	v6 =	vld.msk [tilespmem:$0x0], $0x3;
	_ =	sdelay $0x4  }
0x6b: {  	v7 =	vshll.u32 v6, $0x1  }
0x6c: {  	v6 =	vand.u32 $0x7, v6;
	v7 =	vand.u32 $0xFFFFFFF0, v7  }
0x6d: {  	v6 =	vor.u32 v6, v7  }
0x6e: {  	v6 =	vperm.xlane v6, v3;
	_ =	sdelay $0x1  }
0x6f: {  	v6 =	vadd.s32 v4, v6;
	_ =	sdelay $0x3  }
0x70: {  	s12 =	rddreg [dreg:$0x9]  }
0x71: {  	[tilespmem:s2], [sflag:$0x2] =	stream.indirect_vreg.gather [hbm4b:s12+s13], $0x80, v6, vm2, $0xb8;
	[tilespmem:$0xAE80] =	vst v63  }
0x72: {  	v6 =	vld.msk [tilespmem:$0x0], $0x3;
	_ =	sdelay $0x4  }
0x73: {  	v7 =	vshll.u32 v6, $0x1  }
0x74: {  	v6 =	vand.u32 $0x7, v6;
	v7 =	vand.u32 $0xFFFFFFF0, v7  }
0x75: {  	v6 =	vor.u32 v6, v7  }
0x76: {  	v6 =	vperm.xlane v6, v3;
	_ =	sdelay $0x1  }
0x77: {  	v6 =	vadd.s32 v4, v6;
	_ =	sdelay $0x3  }
0x78: {  	s14 =	rddreg [dreg:$0xa]  }
0x79: {  	[tilespmem:s7], [sflag:$0x2] =	stream.indirect_vreg.gather [hbm4b:s14+s13], $0x80, v6, vm2, $0xb8;
	[tilespmem:$0xAE80] =	vst v63  }
0x7a: {  	v6 =	vld.msk [tilespmem:$0x0], $0x3;
	_ =	sdelay $0x4  }
0x7b: {  	v7 =	vshll.u32 v6, $0x1  }
0x7c: {  	v6 =	vand.u32 $0x7, v6;
	v7 =	vand.u32 $0xFFFFFFF0, v7  }
0x7d: {  	v6 =	vor.u32 v6, v7  }
0x7e: {  	v6 =	vperm.xlane v6, v3;
	_ =	sdelay $0x1  }
0x7f: {  	v6 =	vadd.s32 v4, v6;
	_ =	sdelay $0x3  }
0x80: {  	s15 =	rddreg [dreg:$0xb]  }
0x81: {  	[tilespmem:s8], [sflag:$0x2] =	stream.indirect_vreg.gather [hbm4b:s15+s13], $0x80, v6, vm2, $0xb8;
	[tilespmem:$0xAE80] =	vst v63  }
0x82: {  	v6 =	vld.msk [tilespmem:$0x0], $0x3;
	_ =	sdelay $0x4  }
0x83: {  	v7 =	vshll.u32 v6, $0x1  }
0x84: {  	v6 =	vand.u32 $0x7, v6;
	v7 =	vand.u32 $0xFFFFFFF0, v7  }
0x85: {  	v6 =	vor.u32 v6, v7  }
0x86: {  	v6 =	vperm.xlane v6, v3;
	_ =	sdelay $0x1  }
0x87: {  	v6 =	vadd.s32 v4, v6;
	_ =	sdelay $0x3  }
0x88: {  	s0 =	simm.s32 $0x7740;
	s16 =	rddreg [dreg:$0xc];
	s17 =	simm.s32 $0x5680  }
0x89: {  	[tilespmem:s17], [sflag:$0x2] =	stream.indirect_vreg.gather [hbm4b:s16+s13], $0x80, v6, vm2, $0xb8;
	[tilespmem:$0xAE80] =	vst v63  }
0x8a: {  	[tilespmem:s0+$0xFFFFFFD0] =	vst v0  }
0x8b: {  	[tilespmem:s0+$0x0] =	vst v0  }
0x8c: {  	[tilespmem:s0+$0xFFFFFFC0] =	vst v0  }
0x8d: {  	[tilespmem:s0+$0x30] =	vst v0  }
0x8e: {  	[tilespmem:s0+$0xFFFFFFF0] =	vst v0  }
0x8f: {  	[tilespmem:s0+$0xFFFFFFE0] =	vst v0  }
0x90: {  	[tilespmem:s0+$0x10] =	vst v0  }
0x91: {  	s3 =	simm.s32 $0x8240;
	[tilespmem:s0+$0x20] =	vst v0  }
0x92: {  	[tilespmem:s3+$0xFFFFFFC0] =	vst v0  }
0x93: {  	[tilespmem:s3+$0x30] =	vst v0  }
0x94: {  	[tilespmem:s3+$0x0] =	vst v0  }
0x95: {  	[tilespmem:s3+$0x20] =	vst v0  }
0x96: {  	[tilespmem:s3+$0x10] =	vst v0  }
0x97: {  	[tilespmem:s3+$0xFFFFFFD0] =	vst v0  }
0x98: {  	[tilespmem:s3+$0xFFFFFFE0] =	vst v0  }
0x99: {  	s1 =	simm.s32 $0x8D40;
	[tilespmem:s3+$0xFFFFFFF0] =	vst v0  }
0x9a: {  	[tilespmem:s1+$0xFFFFFFC0] =	vst v0  }
0x9b: {  	[tilespmem:s1+$0x30] =	vst v0  }
0x9c: {  	[tilespmem:s1+$0x20] =	vst v0  }
0x9d: {  	[tilespmem:s1+$0x10] =	vst v0  }
0x9e: {  	s4 =	simm.s32 $0x0;
	s5 =	simm.s32 $0x8DC0;
	[tilespmem:s1+$0xFFFFFFD0] =	vst v0  }
.LBB3_2:
0x9f: {  	s4 =	sadd.s32 $0x8, s4;
	[tilespmem:s1+$0xFFFFFFE0] =	vst v0;
	s0 =	sadd.s32 $0x80, s0;
	s3 =	sadd.s32 $0x80, s3  }
0xa0: {  	p0 =	slt.u32 s4, $0xA0;
	[tilespmem:s1+$0x0] =	vst v0  }
0xa1: {  	[tilespmem:s1+$0xFFFFFFF0] =	vst v0;
	s1 =	smov.u32 s5  }
0xa2: {  	[tilespmem:s0+$0xFFFFFFD0] =	vst v0  }
0xa3: {  	[tilespmem:s0+$0x0] =	vst v0  }
0xa4: {  	[tilespmem:s0+$0xFFFFFFC0] =	vst v0  }
0xa5: {  	[tilespmem:s3+$0xFFFFFFC0] =	vst v0  }
0xa6: {  	[tilespmem:s5+$0xFFFFFFC0] =	vst v0  }
0xa7: {  	[tilespmem:s0+$0x30] =	vst v0  }
0xa8: {  	[tilespmem:s3+$0x30] =	vst v0  }
0xa9: {  	[tilespmem:s5+$0x30] =	vst v0  }
0xaa: {  	[tilespmem:s3+$0x0] =	vst v0  }
0xab: {  	[tilespmem:s0+$0xFFFFFFF0] =	vst v0  }
0xac: {  	[tilespmem:s0+$0xFFFFFFE0] =	vst v0  }
0xad: {  	[tilespmem:s0+$0x10] =	vst v0  }
0xae: {  	[tilespmem:s0+$0x20] =	vst v0  }
0xaf: {  	[tilespmem:s3+$0x20] =	vst v0  }
0xb0: {  	[tilespmem:s5+$0x20] =	vst v0  }
0xb1: {  	[tilespmem:s3+$0x10] =	vst v0  }
.Ltmp0:
0xb2: {  	[tilespmem:s5+$0x10] =	vst v0;
	(pc) =	sbr.rel @p0 .LBB3_2-.Ltmp0, $4  }
0xb3: {  	[tilespmem:s3+$0xFFFFFFD0] =	vst v0  }
0xb4: {  	[tilespmem:s3+$0xFFFFFFE0] =	vst v0  }
0xb5: {  	[tilespmem:s5+$0xFFFFFFD0] =	vst v0  }
0xb6: {  	s5 =	sadd.s32 $0x80, s5;
	[tilespmem:s3+$0xFFFFFFF0] =	vst v0  }
0xb7: {  	[tilespmem:s1+$0xFFFFFFE0] =	vst v0  }
0xb8: {  	[tilespmem:s1+$0x0] =	vst v0  }
0xb9: {  	[tilespmem:s1+$0xFFFFFFF0] =	vst v0  }
0xba: {  	[tilespmem:$0x8180] =	vst v0  }
0xbb: {  	[tilespmem:$0x8C80] =	vst v0  }
0xbc: {  	s3 =	simm.s32 $0x9820;
	[tilespmem:$0x9780] =	vst v0  }
0xbd: {  	[tilespmem:s3+$0xFFFFFFF0] =	vst v0  }
0xbe: {  	[tilespmem:s3+$0x0] =	vst v0  }
0xbf: {  	[tilespmem:s3+$0x10] =	vst v0  }
0xc0: {  	s0 =	simm.s32 $0x9920;
	[tilespmem:s3+$0xFFFFFFE0] =	vst v0  }
0xc1: {  	[tilespmem:s0+$0xFFFFFFF0] =	vst v0  }
0xc2: {  	[tilespmem:s0+$0x0] =	vst v0  }
0xc3: {  	[tilespmem:s0+$0x10] =	vst v0  }
0xc4: {  	s1 =	simm.s32 $0x9A20;
	[tilespmem:s0+$0xFFFFFFE0] =	vst v0  }
0xc5: {  	[tilespmem:s1+$0xFFFFFFF0] =	vst v0  }
0xc6: {  	[tilespmem:s1+$0x0] =	vst v0  }
0xc7: {  	[tilespmem:s1+$0x10] =	vst v0  }
0xc8: {  	s4 =	simm.s32 $0x9860;
	s3 =	simm.s32 $0x0;
	[tilespmem:s1+$0xFFFFFFE0] =	vst v0  }
.LBB3_4:
0xc9: {  	[tilespmem:s4+$0xFFFFFFF0] =	vst v0;
	s0 =	sadd.s32 $0x40, s0  }
0xca: {  	s1 =	sadd.s32 $0x40, s1;
	[tilespmem:s0+$0xFFFFFFF0] =	vst v0  }
0xcb: {  	[tilespmem:s1+$0xFFFFFFF0] =	vst v0  }
0xcc: {  	[tilespmem:s4+$0x0] =	vst v0  }
0xcd: {  	[tilespmem:s0+$0x0] =	vst v0  }
0xce: {  	s3 =	sadd.s32 $0x4, s3;
	[tilespmem:s1+$0x0] =	vst v0  }
0xcf: {  	p0 =	slt.u32 s3, $0x8;
	[tilespmem:s4+$0x10] =	vst v0  }
.Ltmp1:
0xd0: {  	[tilespmem:s0+$0x10] =	vst v0;
	(pc) =	sbr.rel @p0 .LBB3_4-.Ltmp1, $4  }
0xd1: {  	[tilespmem:s1+$0x10] =	vst v0  }
0xd2: {  	[tilespmem:s4+$0xFFFFFFE0] =	vst v0  }
0xd3: {  	[tilespmem:s0+$0xFFFFFFE0] =	vst v0  }
0xd4: {  	s4 =	sadd.s32 $0x40, s4;
	[tilespmem:s1+$0xFFFFFFE0] =	vst v0  }
0xd5: {  	[tilespmem:$0x98C0] =	vst v0  }
0xd6: {  	[tilespmem:$0x99C0] =	vst v0  }
0xd7: {  	[tilespmem:$0x9AC0] =	vst v0  }
0xd8: {  	_ =	swait.ge [sflag:s10], $0xE00  }
0xd9: {  	[sflag:s10] =	ssyncset.done $0x0  }
0xda: {  	[sflag:s10] =	ssyncadd.s32 $0xFFFFF200  }
0xdb: {  	_ =	swait.ge [sflag:s10], $0xE00  }
0xdc: {  	[sflag:s10] =	ssyncset.done $0x0  }
0xdd: {  	[sflag:s10] =	ssyncadd.s32 $0xFFFFF200  }
0xde: {  	_ =	swait.ge [sflag:s10], $0xE00  }
0xdf: {  	[sflag:s10] =	ssyncset.done $0x0  }
0xe0: {  	[sflag:s10] =	ssyncadd.s32 $0xFFFFF200  }
0xe1: {  	_ =	swait.ge [sflag:s10], $0xE00  }
0xe2: {  	[sflag:s10] =	ssyncset.done $0x0  }
0xe3: {  	[sflag:s10] =	ssyncadd.s32 $0xFFFFF200  }
0xe4: {  	_ =	swait.ge [sflag:s10], $0x700  }
0xe5: {  	[sflag:s10] =	ssyncset.done $0x0  }
0xe6: {  	[sflag:s10] =	ssyncadd.s32 $0xFFFFF900  }
0xe7: {  	_ =	swait.ge [sflag:s10], $0x700  }
0xe8: {  	[sflag:s10] =	ssyncset.done $0x0  }
0xe9: {  	[sflag:s10] =	ssyncadd.s32 $0xFFFFF900  }
0xea: {  	_ =	swait.ge [sflag:s10], $0xA00  }
0xeb: {  	[sflag:s10] =	ssyncset.done $0x0  }
0xec: {  	[sflag:s10] =	ssyncadd.s32 $0xFFFFF600  }
0xed: {  	_ =	swait.ge [sflag:s10], $0x1368  }
0xee: {  	[sflag:s10] =	ssyncset.done $0x0  }
0xef: {  	s0 =	simm.s32 $0xEA0;
	[sflag:s10] =	ssyncadd.s32 $0xFFFFEC98  }
0xf0: {  	v6 =	vld [tilespmem:s0+$0x10]  }
0xf1: {  	v7 =	vld [tilespmem:s0+$0xFFFFFFF0]  }
0xf2: {  	v8 =	vld [tilespmem:s0+$0xFFFFFFE0]  }
0xf3: {  	s3 =	simm.s32 $0x58A0;
	v10 =	vld [tilespmem:s0+$0x0]  }
0xf4: {  	v12 =	vld [tilespmem:s3+$0x10]  }
0xf5: {  	s15 =	simm.s32 $0x30;
	s4 =	simm.s32 $0xEE0;
	v14 =	vld [tilespmem:s3+$0xFFFFFFE0]  }
0xf6: {  	s1 =	simm.s32 $0x0;
	v13 =	vld [tilespmem:s4+$0x10];
	v6 =	vadd.s32 s15, v6  }
0xf7: {  	v16 =	vld [tilespmem:s4+$0xFFFFFFF0];
	v15 =	vadd.s32 v1, v6;
	v6 =	vadd.s32 s1, v8  }
0xf8: {  	s5 =	simm.s32 $0x10;
	v18 =	vld [tilespmem:s4+$0x0];
	v17 =	vadd.s32 v1, v6  }
0xf9: {  	s0 =	simm.s32 $0x20;
	v8 =	vld [tilespmem:s4+$0xFFFFFFE0];
	v6 =	vadd.s32 s5, v7  }
0xfa: {  	s17 =	simm.s32 $0x70;
	v9 =	vld [tilespmem:s3+$0xFFFFFFF0];
	v7 =	vadd.s32 s0, v10;
	v6 =	vadd.s32 v1, v6  }
0xfb: {  	s16 =	simm.s32 $0x50;
	v11 =	vld [tilespmem:s3+$0x0];
	s3 =	simm.s32 $0x58E0;
	v10 =	vadd.s32 s17, v13;
	v7 =	vadd.s32 v1, v7  }
0xfc: {  	s6 =	simm.s32 $0x60;
	v13 =	vadd.s32 v1, v10;
	[tilespmem:v15+s23+$0x0] =	vst.idx.msk $0xffff, v12;
	v15 =	vadd.s32 s16, v16;
	v12 =	vld [tilespmem:s3+$0x10]  }
0xfd: {  	s9 =	simm.s32 $0xF20;
	s4 =	simm.s32 $0x40;
	s5 =	simm.s32 $0x4;
	v10 =	vld [tilespmem:s3+$0xFFFFFFE0];
	[tilespmem:v17+s23+$0x0] =	vst.idx.msk $0xffff, v14;
	v14 =	vadd.s32 v1, v15;
	v15 =	vadd.s32 s6, v18  }
.LBB3_6:
0xfe: {  	v16 =	vld [tilespmem:s9+$0x10];
	s5 =	sadd.s32 $0x4, s5;
	v8 =	vadd.s32 s4, v8;
	v15 =	vadd.s32 v1, v15  }
0xff: {  	v17 =	vld [tilespmem:s9+$0xFFFFFFF0];
	p0 =	slt.u32 s5, $0x98;
	v18 =	vadd.s32 v1, v8;
	[tilespmem:v6+s23+$0x0] =	vst.idx.msk $0xffff, v9;
	v6 =	vmov v14  }
0x100: {  	v19 =	vld [tilespmem:s9+$0x0];
	[tilespmem:v7+s23+$0x0] =	vst.idx.msk $0xffff, v11;
	v7 =	vmov v15  }
.Ltmp2:
0x101: {  	s4 =	sadd.s32 $0x40, s4;
	v8 =	vld [tilespmem:s9+$0xFFFFFFE0];
	[tilespmem:v13+s23+$0x0] =	vst.idx.msk $0xffff, v12;
	(pc) =	sbr.rel @p0 .LBB3_6-.Ltmp2, $4  }
0x102: {  	s6 =	sadd.s32 $0x10, s4;
	s12 =	sadd.s32 $0x20, s4;
	s14 =	sadd.s32 $0x30, s4;
	v9 =	vld [tilespmem:s3+$0xFFFFFFF0]  }
0x103: {  	v13 =	vadd.s32 s14, v16;
	v11 =	vld [tilespmem:s3+$0x0];
	s3 =	sadd.s32 $0x40, s3  }
0x104: {  	v14 =	vadd.s32 s6, v17;
	v12 =	vld [tilespmem:s3+$0x10];
	v13 =	vadd.s32 v1, v13;
	[tilespmem:v18+s23+$0x0] =	vst.idx.msk $0xffff, v10  }
0x105: {  	s9 =	sadd.s32 $0x40, s9;
	v10 =	vld [tilespmem:s3+$0xFFFFFFE0];
	v14 =	vadd.s32 v1, v14;
	v15 =	vadd.s32 s12, v19  }
0x106: {  	_ =	sdelay $0x1  }
0x107: {  	v8 =	vadd.s32 s4, v8;
	v16 =	vld [tilespmem:s3+$0xFFFFFFF0]  }
0x108: {  	v8 =	vadd.s32 v1, v8  }
0x109: {  	v15 =	vadd.s32 v1, v15;
	[tilespmem:v6+s23+$0x0] =	vst.idx.msk $0xffff, v9;
	v6 =	vld [tilespmem:s3+$0x0]  }
0x10a: {  	[tilespmem:v7+s23+$0x0] =	vst.idx.msk $0xffff, v11  }
0x10b: {  	[tilespmem:v13+s23+$0x0] =	vst.idx.msk $0xffff, v12  }
0x10c: {  	s9 =	sand.u32 $0x60, s1;
	[tilespmem:v14+s23+$0x0] =	vst.idx.msk $0xffff, v16  }
0x10d: {  	s12 =	sand.u32 $0xF00, s1;
	s5 =	sor.u32 $0x10, s9;
	[tilespmem:v8+s23+$0x0] =	vst.idx.msk $0xffff, v10  }
0x10e: {  	s14 =	sand.u32 $0x780, s1;
	s6 =	sor.u32 s12, s5;
	[tilespmem:v15+s23+$0x0] =	vst.idx.msk $0xffff, v6  }
0x10f: {  	s1 =	sor.u32 s14, s5;
	v16 =	vld [tilespmem:s6+$0x1880]  }
0x110: {  	v6 =	vld [tilespmem:s1+$0x780]  }
0x111: {  	v7 =	vld [tilespmem:s6+$0x2680]  }
0x112: {  	v8 =	vld [tilespmem:s1+$0x80]  }
0x113: {  	v9 =	vld [tilespmem:s6+$0x4280]  }
0x114: {  	v15 =	vld [tilespmem:s6+$0x3480]  }
0x115: {  	s15 =	simm.s32 $0x80;
	v12 =	vmul.u32 $0xD, v6  }
0x116: {  	s16 =	simm.s32 $0x780;
	v14 =	vld [tilespmem:s15+$0x0]  }
0x117: {  	v17 =	vld [tilespmem:s16+$0x0];
	v11 =	vmul.u32 $0xD, v8  }
0x118: {  	v10 =	vadd.f32 v9, v7;
	[tilespmem:v6+s24+$0x0] =	vst.idx.add.f32.msk $0xffff, v16  }
0x119: {  	[tilespmem:v6+s25+$0x0] =	vst.idx.add.f32.msk $0xffff, v15  }
0x11a: {  	[tilespmem:v8+s26+$0x0] =	vst.idx.add.f32.msk $0xffff, v10  }
0x11b: {  	s17 =	sor.u32 s9, s12;
	v10 =	vld.idx.msk [tilespmem:v12+s23+$0x0], $0xffff  }
0x11c: {  	v8 =	vld [tilespmem:s17+$0x1880]  }
0x11d: {  	v13 =	vld.idx.msk [tilespmem:v11+s23+$0x0], $0xffff  }
0x11e: {  	v18 =	vld [tilespmem:s17+$0x2680]  }
0x11f: {  	v19 =	vld [tilespmem:s17+$0x4280]  }
0x120: {  	v9 =	vsub.f32 v9, v7;
	v27 =	vadd.s32 $0x1, v12;
	v6 =	vld [tilespmem:s17+$0x3480];
	v7 =	vmul.f32 v10, v16  }
0x121: {  	[tilespmem:v17+s24+$0x0] =	vst.idx.add.f32.msk $0xffff, v8;
	v20 =	vmul.f32 v10, v15  }
0x122: {  	v29 =	vadd.s32 $0x1, v11;
	[tilespmem:v11+s28+$0x0] =	vst.idx.add.f32.msk $0xffff, v7;
	v7 =	vmul.f32 v13, v9  }
0x123: {  	v10 =	vmul.u32 $0xD, v17;
	[tilespmem:v11+s29+$0x0] =	vst.idx.add.f32.msk $0xffff, v20  }
0x124: {  	v13 =	vmul.u32 $0xD, v14;
	[tilespmem:v12+s30+$0x0] =	vst.idx.add.f32.msk $0xffff, v7  }
0x125: {  	p1 =	por $0x1, $0x1;
	v32 =	vld.idx.msk [tilespmem:v27+s23+$0x0], $0xffff  }
.Ltmp3:
0x126: {  	[tilespmem:v17+s25+$0x0] =	vst.idx.add.f32.msk $0xffff, v6;
	v7 =	vadd.f32 v19, v18;
	(pc) =	sbr.rel @!p1 .LBB3_8-.Ltmp3, $4  }
0x127: {  	v33 =	vld.idx.msk [tilespmem:v29+s23+$0x0], $0xffff  }
0x128: {  	[tilespmem:v14+s26+$0x0] =	vst.idx.add.f32.msk $0xffff, v7  }
0x129: {  	v30 =	vld.idx.msk [tilespmem:v10+s23+$0x0], $0xffff  }
0x12a: {  	p0 =	por $0x0, $0x0;
	s1 =	simm.s32 $0xA0;
	v28 =	vadd.s32 $0x2, v12;
	v7 =	vsub.f32 v19, v18;
	v31 =	vld.idx.msk [tilespmem:v13+s23+$0x0], $0xffff;
	v34 =	vmul.f32 v32, v16  }
0x12b: {  	_ =	sdelay $0x2  }
0x12c: {  	v18 =	vld [tilespmem:s1+$0x0];
	v14 =	vmul.f32 v32, v15  }
0x12d: {  	v19 =	vadd.s32 $0x2, v11;
	[tilespmem:v29+s28+$0x0] =	vst.idx.add.f32.msk $0xffff, v34;
	v17 =	vmul.f32 v33, v9  }
0x12e: {  	[tilespmem:v29+s29+$0x0] =	vst.idx.add.f32.msk $0xffff, v14  }
0x12f: {  	v14 =	vmul.f32 v30, v8;
	[tilespmem:v27+s30+$0x0] =	vst.idx.add.f32.msk $0xffff, v17  }
0x130: {  	v17 =	vadd.s32 $0x1, v10;
	v20 =	vld.idx.msk [tilespmem:v28+s23+$0x0], $0xffff  }
0x131: {  	v21 =	vmul.f32 v30, v6;
	[tilespmem:v13+s28+$0x0] =	vst.idx.add.f32.msk $0xffff, v14;
	v14 =	vadd.s32 $0x1, v13  }
0x132: {  	v22 =	vmul.f32 v31, v7;
	v23 =	vld.idx.msk [tilespmem:v19+s23+$0x0], $0xffff  }
0x133: {  	[tilespmem:v13+s29+$0x0] =	vst.idx.add.f32.msk $0xffff, v21  }
0x134: {  	[tilespmem:v10+s30+$0x0] =	vst.idx.add.f32.msk $0xffff, v22  }
0x135: {  	v24 =	vadd.s32 $0x3, v12;
	v21 =	vld.idx.msk [tilespmem:v17+s23+$0x0], $0xffff;
	v22 =	vmul.f32 v20, v16  }
0x136: {  	v26 =	vadd.s32 $0x3, v11;
	v20 =	vmul.f32 v20, v15;
	v25 =	vld.idx.msk [tilespmem:v14+s23+$0x0], $0xffff  }
0x137: {  	[tilespmem:v19+s28+$0x0] =	vst.idx.add.f32.msk $0xffff, v22;
	v22 =	vmul.f32 v23, v9  }
0x138: {  	[tilespmem:v19+s29+$0x0] =	vst.idx.add.f32.msk $0xffff, v20  }
0x139: {  	[tilespmem:v28+s30+$0x0] =	vst.idx.add.f32.msk $0xffff, v22  }
0x13a: {  	v19 =	vmul.f32 v21, v8;
	v22 =	vadd.s32 $0x2, v10;
	v20 =	vld.idx.msk [tilespmem:v24+s23+$0x0], $0xffff  }
0x13b: {  	v23 =	vadd.s32 $0x2, v13;
	v21 =	vmul.f32 v21, v6;
	v27 =	vld.idx.msk [tilespmem:v26+s23+$0x0], $0xffff  }
0x13c: {  	v25 =	vmul.f32 v25, v7;
	[tilespmem:v14+s28+$0x0] =	vst.idx.add.f32.msk $0xffff, v19  }
0x13d: {  	[tilespmem:v14+s29+$0x0] =	vst.idx.add.f32.msk $0xffff, v21  }
0x13e: {  	[tilespmem:v17+s30+$0x0] =	vst.idx.add.f32.msk $0xffff, v25  }
0x13f: {  	v19 =	vadd.s32 $0x4, v12;
	v14 =	vld.idx.msk [tilespmem:v22+s23+$0x0], $0xffff;
	v17 =	vmul.f32 v20, v16  }
0x140: {  	v25 =	vadd.s32 $0x4, v11;
	v21 =	vld.idx.msk [tilespmem:v23+s23+$0x0], $0xffff;
	v20 =	vmul.f32 v20, v15  }
0x141: {  	[tilespmem:v26+s28+$0x0] =	vst.idx.add.f32.msk $0xffff, v17;
	v17 =	vmul.f32 v27, v9  }
0x142: {  	[tilespmem:v26+s29+$0x0] =	vst.idx.add.f32.msk $0xffff, v20  }
0x143: {  	[tilespmem:v24+s30+$0x0] =	vst.idx.add.f32.msk $0xffff, v17  }
0x144: {  	v20 =	vmul.f32 v14, v8;
	v24 =	vadd.s32 $0x3, v10;
	v17 =	vld.idx.msk [tilespmem:v19+s23+$0x0], $0xffff  }
0x145: {  	v26 =	vadd.s32 $0x3, v13;
	v14 =	vmul.f32 v14, v6;
	v27 =	vld.idx.msk [tilespmem:v25+s23+$0x0], $0xffff  }
0x146: {  	v21 =	vmul.f32 v21, v7;
	[tilespmem:v23+s28+$0x0] =	vst.idx.add.f32.msk $0xffff, v20  }
0x147: {  	[tilespmem:v23+s29+$0x0] =	vst.idx.add.f32.msk $0xffff, v14  }
0x148: {  	[tilespmem:v22+s30+$0x0] =	vst.idx.add.f32.msk $0xffff, v21  }
0x149: {  	v21 =	vadd.s32 $0x5, v12;
	v14 =	vld.idx.msk [tilespmem:v24+s23+$0x0], $0xffff;
	v20 =	vmul.f32 v17, v16  }
0x14a: {  	v23 =	vadd.s32 $0x5, v11;
	v22 =	vld.idx.msk [tilespmem:v26+s23+$0x0], $0xffff;
	v17 =	vmul.f32 v17, v15  }
0x14b: {  	[tilespmem:v25+s28+$0x0] =	vst.idx.add.f32.msk $0xffff, v20;
	v20 =	vmul.f32 v27, v9  }
0x14c: {  	[tilespmem:v25+s29+$0x0] =	vst.idx.add.f32.msk $0xffff, v17  }
0x14d: {  	[tilespmem:v19+s30+$0x0] =	vst.idx.add.f32.msk $0xffff, v20  }
0x14e: {  	v19 =	vmul.f32 v14, v8;
	v20 =	vadd.s32 $0x4, v10;
	v17 =	vld.idx.msk [tilespmem:v21+s23+$0x0], $0xffff  }
0x14f: {  	v25 =	vadd.s32 $0x4, v13;
	v14 =	vmul.f32 v14, v6;
	v27 =	vld.idx.msk [tilespmem:v23+s23+$0x0], $0xffff  }
0x150: {  	v22 =	vmul.f32 v22, v7;
	[tilespmem:v26+s28+$0x0] =	vst.idx.add.f32.msk $0xffff, v19  }
0x151: {  	[tilespmem:v26+s29+$0x0] =	vst.idx.add.f32.msk $0xffff, v14  }
0x152: {  	[tilespmem:v24+s30+$0x0] =	vst.idx.add.f32.msk $0xffff, v22  }
0x153: {  	v22 =	vadd.s32 $0x6, v12;
	v14 =	vld.idx.msk [tilespmem:v20+s23+$0x0], $0xffff;
	v19 =	vmul.f32 v17, v16  }
0x154: {  	v26 =	vadd.s32 $0x6, v11;
	v24 =	vld.idx.msk [tilespmem:v25+s23+$0x0], $0xffff;
	v17 =	vmul.f32 v17, v15  }
0x155: {  	[tilespmem:v23+s28+$0x0] =	vst.idx.add.f32.msk $0xffff, v19;
	v19 =	vmul.f32 v27, v9  }
0x156: {  	[tilespmem:v23+s29+$0x0] =	vst.idx.add.f32.msk $0xffff, v17  }
0x157: {  	[tilespmem:v21+s30+$0x0] =	vst.idx.add.f32.msk $0xffff, v19  }
0x158: {  	v19 =	vmul.f32 v14, v8;
	v21 =	vadd.s32 $0x5, v10;
	v17 =	vld.idx.msk [tilespmem:v22+s23+$0x0], $0xffff  }
0x159: {  	v23 =	vadd.s32 $0x5, v13;
	v14 =	vmul.f32 v14, v6;
	v27 =	vld.idx.msk [tilespmem:v26+s23+$0x0], $0xffff  }
0x15a: {  	v24 =	vmul.f32 v24, v7;
	[tilespmem:v25+s28+$0x0] =	vst.idx.add.f32.msk $0xffff, v19  }
0x15b: {  	[tilespmem:v25+s29+$0x0] =	vst.idx.add.f32.msk $0xffff, v14  }
0x15c: {  	[tilespmem:v20+s30+$0x0] =	vst.idx.add.f32.msk $0xffff, v24  }
0x15d: {  	v20 =	vadd.s32 $0x7, v12;
	v14 =	vld.idx.msk [tilespmem:v21+s23+$0x0], $0xffff;
	v19 =	vmul.f32 v17, v16  }
0x15e: {  	v25 =	vadd.s32 $0x7, v11;
	v24 =	vld.idx.msk [tilespmem:v23+s23+$0x0], $0xffff;
	v17 =	vmul.f32 v17, v15  }
0x15f: {  	[tilespmem:v26+s28+$0x0] =	vst.idx.add.f32.msk $0xffff, v19;
	v19 =	vmul.f32 v27, v9  }
0x160: {  	[tilespmem:v26+s29+$0x0] =	vst.idx.add.f32.msk $0xffff, v17  }
0x161: {  	[tilespmem:v22+s30+$0x0] =	vst.idx.add.f32.msk $0xffff, v19  }
0x162: {  	v19 =	vmul.f32 v14, v8;
	v22 =	vadd.s32 $0x6, v10;
	v17 =	vld.idx.msk [tilespmem:v20+s23+$0x0], $0xffff  }
0x163: {  	v26 =	vadd.s32 $0x6, v13;
	v14 =	vmul.f32 v14, v6;
	v27 =	vld.idx.msk [tilespmem:v25+s23+$0x0], $0xffff  }
0x164: {  	v24 =	vmul.f32 v24, v7;
	[tilespmem:v23+s28+$0x0] =	vst.idx.add.f32.msk $0xffff, v19  }
0x165: {  	[tilespmem:v23+s29+$0x0] =	vst.idx.add.f32.msk $0xffff, v14  }
0x166: {  	[tilespmem:v21+s30+$0x0] =	vst.idx.add.f32.msk $0xffff, v24  }
0x167: {  	v21 =	vadd.s32 $0x8, v12;
	v14 =	vld.idx.msk [tilespmem:v22+s23+$0x0], $0xffff;
	v19 =	vmul.f32 v17, v16  }
0x168: {  	v24 =	vadd.s32 $0x8, v11;
	v23 =	vld.idx.msk [tilespmem:v26+s23+$0x0], $0xffff;
	v17 =	vmul.f32 v17, v15  }
0x169: {  	[tilespmem:v25+s28+$0x0] =	vst.idx.add.f32.msk $0xffff, v19;
	v19 =	vmul.f32 v27, v9  }
0x16a: {  	[tilespmem:v25+s29+$0x0] =	vst.idx.add.f32.msk $0xffff, v17  }
0x16b: {  	[tilespmem:v20+s30+$0x0] =	vst.idx.add.f32.msk $0xffff, v19  }
0x16c: {  	v19 =	vmul.f32 v14, v8;
	v20 =	vadd.s32 $0x7, v10;
	v17 =	vld.idx.msk [tilespmem:v21+s23+$0x0], $0xffff  }
0x16d: {  	v25 =	vadd.s32 $0x7, v13;
	v14 =	vmul.f32 v14, v6;
	v27 =	vld.idx.msk [tilespmem:v24+s23+$0x0], $0xffff  }
0x16e: {  	v23 =	vmul.f32 v23, v7;
	[tilespmem:v26+s28+$0x0] =	vst.idx.add.f32.msk $0xffff, v19  }
0x16f: {  	[tilespmem:v26+s29+$0x0] =	vst.idx.add.f32.msk $0xffff, v14  }
0x170: {  	[tilespmem:v22+s30+$0x0] =	vst.idx.add.f32.msk $0xffff, v23  }
0x171: {  	v22 =	vadd.s32 $0x9, v12;
	v14 =	vld.idx.msk [tilespmem:v20+s23+$0x0], $0xffff;
	v19 =	vmul.f32 v17, v16  }
0x172: {  	v26 =	vadd.s32 $0x9, v11;
	v23 =	vld.idx.msk [tilespmem:v25+s23+$0x0], $0xffff;
	v17 =	vmul.f32 v17, v15  }
0x173: {  	[tilespmem:v24+s28+$0x0] =	vst.idx.add.f32.msk $0xffff, v19;
	v19 =	vmul.f32 v27, v9  }
0x174: {  	[tilespmem:v24+s29+$0x0] =	vst.idx.add.f32.msk $0xffff, v17  }
0x175: {  	[tilespmem:v21+s30+$0x0] =	vst.idx.add.f32.msk $0xffff, v19  }
0x176: {  	v19 =	vmul.f32 v14, v8;
	v21 =	vadd.s32 $0x8, v10;
	v17 =	vld.idx.msk [tilespmem:v22+s23+$0x0], $0xffff  }
0x177: {  	v24 =	vadd.s32 $0x8, v13;
	v14 =	vmul.f32 v14, v6;
	v27 =	vld.idx.msk [tilespmem:v26+s23+$0x0], $0xffff  }
0x178: {  	v23 =	vmul.f32 v23, v7;
	[tilespmem:v25+s28+$0x0] =	vst.idx.add.f32.msk $0xffff, v19  }
0x179: {  	[tilespmem:v25+s29+$0x0] =	vst.idx.add.f32.msk $0xffff, v14  }
0x17a: {  	[tilespmem:v20+s30+$0x0] =	vst.idx.add.f32.msk $0xffff, v23  }
0x17b: {  	v14 =	vld.idx.msk [tilespmem:v21+s23+$0x0], $0xffff;
	v19 =	vmul.f32 v17, v16  }
0x17c: {  	v20 =	vadd.s32 $0xA, v12;
	v23 =	vld.idx.msk [tilespmem:v24+s23+$0x0], $0xffff;
	v17 =	vmul.f32 v17, v15  }
0x17d: {  	v25 =	vadd.s32 $0xA, v11;
	[tilespmem:v26+s28+$0x0] =	vst.idx.add.f32.msk $0xffff, v19  }
0x17e: {  	s1 =	simm.s32 $0x7A0;
	v19 =	vmul.f32 v27, v9;
	[tilespmem:v26+s29+$0x0] =	vst.idx.add.f32.msk $0xffff, v17  }
0x17f: {  	v26 =	vld [tilespmem:s1+$0x0]  }
0x180: {  	[tilespmem:v22+s30+$0x0] =	vst.idx.add.f32.msk $0xffff, v19  }
0x181: {  	v19 =	vmul.f32 v14, v8;
	v17 =	vld.idx.msk [tilespmem:v20+s23+$0x0], $0xffff  }
0x182: {  	s3 =	sand.u32 $0x60, s0;
	s9 =	simm.s32 $0x40;
	v14 =	vmul.f32 v14, v6;
	v22 =	vld.idx.msk [tilespmem:v25+s23+$0x0], $0xffff  }
0x183: {  	s4 =	sand.u32 $0xF00, s9;
	s5 =	sor.u32 $0x10, s3;
	v28 =	vadd.s32 $0x9, v10;
	[tilespmem:v24+s28+$0x0] =	vst.idx.add.f32.msk $0xffff, v19  }
0x184: {  	s6 =	sor.u32 s4, s5;
	v27 =	vadd.s32 $0x9, v13;
	v23 =	vmul.f32 v23, v7;
	[tilespmem:v24+s29+$0x0] =	vst.idx.add.f32.msk $0xffff, v14  }
0x185: {  	v24 =	vld [tilespmem:s6+$0x4280]  }
0x186: {  	[tilespmem:v21+s30+$0x0] =	vst.idx.add.f32.msk $0xffff, v23  }
0x187: {  	v23 =	vld [tilespmem:s6+$0x2680]  }
0x188: {  	v21 =	vld.idx.msk [tilespmem:v28+s23+$0x0], $0xffff;
	v14 =	vmul.f32 v17, v16  }
0x189: {  	s12 =	sand.u32 $0x780, s0;
	v12 =	vadd.s32 $0xB, v12;
	v31 =	vld.idx.msk [tilespmem:v27+s23+$0x0], $0xffff  }
0x18a: {  	s5 =	sor.u32 s12, s5;
	v17 =	vmul.f32 v17, v15;
	[tilespmem:v25+s28+$0x0] =	vst.idx.add.f32.msk $0xffff, v14  }
0x18b: {  	v14 =	vmul.f32 v22, v9;
	v22 =	vld [tilespmem:s5+$0x780]  }
0x18c: {  	v11 =	vadd.s32 $0xB, v11;
	[tilespmem:v25+s29+$0x0] =	vst.idx.add.f32.msk $0xffff, v17  }
0x18d: {  	[tilespmem:v20+s30+$0x0] =	vst.idx.add.f32.msk $0xffff, v14  }
0x18e: {  	v14 =	vld.idx.msk [tilespmem:v12+s23+$0x0], $0xffff  }
0x18f: {  	v17 =	vld [tilespmem:s6+$0x1880]  }
0x190: {  	v25 =	vld [tilespmem:s5+$0x80]  }
0x191: {  	v19 =	vld.idx.msk [tilespmem:v11+s23+$0x0], $0xffff  }
0x192: {  	s3 =	sor.u32 s3, s4;
	v20 =	vld [tilespmem:s6+$0x3480]  }
0x193: {  	v16 =	vmul.f32 v14, v16;
	v14 =	vmul.f32 v14, v15;
	v15 =	vld [tilespmem:s3+$0x2680]  }
0x194: {  	[tilespmem:v22+s24+$0x0] =	vst.idx.add.f32.msk $0xffff, v17  }
0x195: {  	[tilespmem:v11+s28+$0x0] =	vst.idx.add.f32.msk $0xffff, v16  }
0x196: {  	v9 =	vmul.f32 v19, v9;
	[tilespmem:v11+s29+$0x0] =	vst.idx.add.f32.msk $0xffff, v14  }
0x197: {  	v14 =	vld [tilespmem:s3+$0x1880]  }
0x198: {  	[tilespmem:v12+s30+$0x0] =	vst.idx.add.f32.msk $0xffff, v9;
	v12 =	vmul.u32 $0xD, v22  }
0x199: {  	v19 =	vld [tilespmem:s3+$0x3480]  }
0x19a: {  	[tilespmem:v22+s25+$0x0] =	vst.idx.add.f32.msk $0xffff, v20;
	v11 =	vmul.u32 $0xD, v25;
	v9 =	vadd.f32 v24, v23  }
0x19b: {  	v16 =	vld [tilespmem:s3+$0x4280]  }
0x19c: {  	[tilespmem:v25+s26+$0x0] =	vst.idx.add.f32.msk $0xffff, v9  }
0x19d: {  	v9 =	vmul.f32 v21, v8;
	[tilespmem:v26+s24+$0x0] =	vst.idx.add.f32.msk $0xffff, v14  }
0x19e: {  	v22 =	vmul.u32 $0xD, v26;
	v25 =	vld.idx.msk [tilespmem:v12+s23+$0x0], $0xffff  }
0x19f: {  	v21 =	vmul.f32 v21, v6;
	[tilespmem:v27+s28+$0x0] =	vst.idx.add.f32.msk $0xffff, v9  }
0x1a0: {  	v29 =	vld.idx.msk [tilespmem:v11+s23+$0x0], $0xffff  }
0x1a1: {  	v30 =	vadd.f32 v16, v15;
	[tilespmem:v27+s29+$0x0] =	vst.idx.add.f32.msk $0xffff, v21  }
0x1a2: {  	v9 =	vsub.f32 v24, v23;
	[tilespmem:v26+s25+$0x0] =	vst.idx.add.f32.msk $0xffff, v19  }
0x1a3: {  	v27 =	vadd.s32 $0x1, v12;
	v21 =	vmul.u32 $0xD, v18;
	[tilespmem:v18+s26+$0x0] =	vst.idx.add.f32.msk $0xffff, v30;
	v23 =	vmul.f32 v25, v17  }
0x1a4: {  	v30 =	vld.idx.msk [tilespmem:v22+s23+$0x0], $0xffff;
	v24 =	vmul.f32 v25, v20  }
0x1a5: {  	v18 =	vmul.f32 v29, v9;
	v29 =	vadd.s32 $0x1, v11;
	[tilespmem:v11+s28+$0x0] =	vst.idx.add.f32.msk $0xffff, v23  }
0x1a6: {  	[tilespmem:v11+s29+$0x0] =	vst.idx.add.f32.msk $0xffff, v24  }
0x1a7: {  	v23 =	vadd.s32 $0xA, v10;
	[tilespmem:v12+s30+$0x0] =	vst.idx.add.f32.msk $0xffff, v18  }
0x1a8: {  	p1 =	por $0x1, $0x1;
	v24 =	vadd.s32 $0xA, v13;
	v32 =	vld.idx.msk [tilespmem:v27+s23+$0x0], $0xffff  }
.Ltmp4:
0x1a9: {  	v18 =	vmul.f32 v31, v7;
	v31 =	vld.idx.msk [tilespmem:v21+s23+$0x0], $0xffff;
	(pc) =	sbr.rel @!p1 .LBB3_10-.Ltmp4, $4  }
0x1aa: {  	v33 =	vld.idx.msk [tilespmem:v29+s23+$0x0], $0xffff  }
0x1ab: {  	[tilespmem:v28+s30+$0x0] =	vst.idx.add.f32.msk $0xffff, v18  }
0x1ac: {  	v26 =	vld.idx.msk [tilespmem:v23+s23+$0x0], $0xffff  }
0x1ad: {  	p0 =	por $0x1, $0x1;
	s12 =	simm.s32 $0x2;
	s3 =	simm.s32 $0xC0;
	v18 =	vsub.f32 v16, v15;
	v28 =	vadd.s32 $0x2, v12;
	v25 =	vld.idx.msk [tilespmem:v24+s23+$0x0], $0xffff;
	v34 =	vmul.f32 v32, v17  }
.LBB3_11:
0x1ae: {  	v15 =	vld [tilespmem:s3+$0x0];
	v16 =	vmul.f32 v30, v14;
	v32 =	vmul.f32 v32, v20  }
0x1af: {  	v30 =	vmul.f32 v30, v19;
	v33 =	vmul.f32 v33, v9;
	[tilespmem:v29+s28+$0x0] =	vst.idx.add.f32.msk $0xffff, v34;
	v34 =	vadd.s32 $0x2, v11  }
0x1b0: {  	v31 =	vmul.f32 v31, v18;
	[tilespmem:v29+s29+$0x0] =	vst.idx.add.f32.msk $0xffff, v32  }
0x1b1: {  	[tilespmem:v27+s30+$0x0] =	vst.idx.add.f32.msk $0xffff, v33  }
0x1b2: {  	v27 =	vadd.s32 $0x1, v22;
	v32 =	vmul.f32 v26, v8;
	v26 =	vmul.f32 v26, v6;
	v29 =	vld.idx.msk [tilespmem:v28+s23+$0x0], $0xffff  }
0x1b3: {  	v25 =	vmul.f32 v25, v7;
	[tilespmem:v21+s28+$0x0] =	vst.idx.add.f32.msk $0xffff, v16;
	v16 =	vadd.s32 $0x1, v21  }
0x1b4: {  	v33 =	vld.idx.msk [tilespmem:v34+s23+$0x0], $0xffff  }
0x1b5: {  	[tilespmem:v21+s29+$0x0] =	vst.idx.add.f32.msk $0xffff, v30  }
0x1b6: {  	[tilespmem:v22+s30+$0x0] =	vst.idx.add.f32.msk $0xffff, v31  }
0x1b7: {  	v30 =	vld.idx.msk [tilespmem:v27+s23+$0x0], $0xffff  }
0x1b8: {  	v36 =	vadd.s32 $0x3, v12;
	v35 =	vmul.f32 v29, v17;
	v31 =	vld.idx.msk [tilespmem:v16+s23+$0x0], $0xffff  }
0x1b9: {  	v29 =	vmul.f32 v29, v20;
	[tilespmem:v24+s28+$0x0] =	vst.idx.add.f32.msk $0xffff, v32  }
0x1ba: {  	v32 =	vmul.f32 v33, v9;
	v33 =	vadd.s32 $0x3, v11;
	[tilespmem:v34+s28+$0x0] =	vst.idx.add.f32.msk $0xffff, v35  }
0x1bb: {  	[tilespmem:v34+s29+$0x0] =	vst.idx.add.f32.msk $0xffff, v29  }
0x1bc: {  	[tilespmem:v28+s30+$0x0] =	vst.idx.add.f32.msk $0xffff, v32  }
0x1bd: {  	v28 =	vmul.f32 v30, v14;
	v29 =	vmul.f32 v30, v19;
	v30 =	vld.idx.msk [tilespmem:v36+s23+$0x0], $0xffff  }
0x1be: {  	v32 =	vadd.s32 $0x2, v22;
	v31 =	vmul.f32 v31, v18;
	[tilespmem:v24+s29+$0x0] =	vst.idx.add.f32.msk $0xffff, v26  }
0x1bf: {  	v24 =	vadd.s32 $0x2, v21;
	v26 =	vld.idx.msk [tilespmem:v33+s23+$0x0], $0xffff  }
0x1c0: {  	[tilespmem:v16+s28+$0x0] =	vst.idx.add.f32.msk $0xffff, v28  }
0x1c1: {  	[tilespmem:v16+s29+$0x0] =	vst.idx.add.f32.msk $0xffff, v29  }
0x1c2: {  	[tilespmem:v27+s30+$0x0] =	vst.idx.add.f32.msk $0xffff, v31  }
0x1c3: {  	v28 =	vadd.s32 $0x4, v12;
	v27 =	vmul.f32 v30, v17;
	v16 =	vld.idx.msk [tilespmem:v32+s23+$0x0], $0xffff  }
0x1c4: {  	v30 =	vmul.f32 v30, v20;
	v29 =	vld.idx.msk [tilespmem:v24+s23+$0x0], $0xffff  }
0x1c5: {  	v26 =	vmul.f32 v26, v9;
	[tilespmem:v33+s28+$0x0] =	vst.idx.add.f32.msk $0xffff, v27;
	v27 =	vadd.s32 $0x4, v11  }
0x1c6: {  	[tilespmem:v33+s29+$0x0] =	vst.idx.add.f32.msk $0xffff, v30  }
0x1c7: {  	[tilespmem:v36+s30+$0x0] =	vst.idx.add.f32.msk $0xffff, v26  }
0x1c8: {  	v26 =	vld.idx.msk [tilespmem:v28+s23+$0x0], $0xffff  }
0x1c9: {  	v31 =	vadd.s32 $0x3, v22;
	v30 =	vmul.f32 v16, v14;
	v16 =	vmul.f32 v16, v19;
	[tilespmem:v23+s30+$0x0] =	vst.idx.add.f32.msk $0xffff, v25  }
0x1ca: {  	v23 =	vmul.f32 v29, v18;
	v25 =	vadd.s32 $0x3, v21;
	v29 =	vld.idx.msk [tilespmem:v27+s23+$0x0], $0xffff  }
0x1cb: {  	[tilespmem:v24+s28+$0x0] =	vst.idx.add.f32.msk $0xffff, v30  }
0x1cc: {  	[tilespmem:v24+s29+$0x0] =	vst.idx.add.f32.msk $0xffff, v16  }
0x1cd: {  	[tilespmem:v32+s30+$0x0] =	vst.idx.add.f32.msk $0xffff, v23  }
0x1ce: {  	v30 =	vadd.s32 $0x5, v12;
	v24 =	vmul.f32 v26, v17;
	v23 =	vld.idx.msk [tilespmem:v31+s23+$0x0], $0xffff  }
0x1cf: {  	v16 =	vadd.s32 $0xB, v10;
	v10 =	vmov v22;
	v26 =	vmul.f32 v26, v20;
	v32 =	vld.idx.msk [tilespmem:v25+s23+$0x0], $0xffff  }
0x1d0: {  	v22 =	vmul.f32 v29, v9;
	[tilespmem:v27+s28+$0x0] =	vst.idx.add.f32.msk $0xffff, v24;
	v24 =	vadd.s32 $0x5, v11  }
0x1d1: {  	[tilespmem:v27+s29+$0x0] =	vst.idx.add.f32.msk $0xffff, v26  }
0x1d2: {  	[tilespmem:v28+s30+$0x0] =	vst.idx.add.f32.msk $0xffff, v22  }
0x1d3: {  	v22 =	vld.idx.msk [tilespmem:v30+s23+$0x0], $0xffff  }
0x1d4: {  	v27 =	vadd.s32 $0x4, v10;
	v26 =	vmul.f32 v23, v14;
	v23 =	vmul.f32 v23, v19;
	v28 =	vld.idx.msk [tilespmem:v16+s23+$0x0], $0xffff  }
0x1d5: {  	v29 =	vmul.f32 v32, v18;
	v32 =	vadd.s32 $0x4, v21;
	v33 =	vld.idx.msk [tilespmem:v24+s23+$0x0], $0xffff  }
0x1d6: {  	[tilespmem:v25+s28+$0x0] =	vst.idx.add.f32.msk $0xffff, v26  }
0x1d7: {  	[tilespmem:v25+s29+$0x0] =	vst.idx.add.f32.msk $0xffff, v23  }
0x1d8: {  	[tilespmem:v31+s30+$0x0] =	vst.idx.add.f32.msk $0xffff, v29  }
0x1d9: {  	v26 =	vadd.s32 $0x6, v12;
	v25 =	vmul.f32 v22, v17;
	v23 =	vld.idx.msk [tilespmem:v27+s23+$0x0], $0xffff  }
0x1da: {  	v22 =	vmul.f32 v22, v20;
	v31 =	vadd.s32 $0xB, v13;
	v34 =	vmul.f32 v28, v8;
	v8 =	vmovc v14;
	v29 =	vld.idx.msk [tilespmem:v32+s23+$0x0], $0xffff  }
0x1db: {  	v28 =	vmul.f32 v28, v6;
	v14 =	vmul.f32 v33, v9;
	[tilespmem:v24+s28+$0x0] =	vst.idx.add.f32.msk $0xffff, v25;
	v25 =	vadd.s32 $0x6, v11  }
0x1dc: {  	v13 =	vmov v21;
	v6 =	vmov v19;
	[tilespmem:v24+s29+$0x0] =	vst.idx.add.f32.msk $0xffff, v22  }
0x1dd: {  	[tilespmem:v30+s30+$0x0] =	vst.idx.add.f32.msk $0xffff, v14  }
0x1de: {  	v14 =	vld.idx.msk [tilespmem:v26+s23+$0x0], $0xffff  }
0x1df: {  	v22 =	vadd.s32 $0x5, v10;
	v19 =	vmul.f32 v23, v8;
	v21 =	vmul.f32 v23, v6;
	v23 =	vld.idx.msk [tilespmem:v31+s23+$0x0], $0xffff  }
0x1e0: {  	v24 =	vmul.f32 v29, v18;
	v29 =	vadd.s32 $0x5, v13;
	v30 =	vld.idx.msk [tilespmem:v25+s23+$0x0], $0xffff  }
0x1e1: {  	[tilespmem:v32+s28+$0x0] =	vst.idx.add.f32.msk $0xffff, v19  }
0x1e2: {  	[tilespmem:v32+s29+$0x0] =	vst.idx.add.f32.msk $0xffff, v21  }
0x1e3: {  	[tilespmem:v27+s30+$0x0] =	vst.idx.add.f32.msk $0xffff, v24  }
0x1e4: {  	v21 =	vmul.f32 v14, v17;
	v24 =	vadd.s32 $0x7, v12;
	v19 =	vld.idx.msk [tilespmem:v22+s23+$0x0], $0xffff  }
0x1e5: {  	v14 =	vmul.f32 v14, v20;
	v23 =	vmul.f32 v23, v7;
	v7 =	vmov v18;
	v27 =	vld.idx.msk [tilespmem:v29+s23+$0x0], $0xffff  }
0x1e6: {  	v18 =	vmul.f32 v30, v9;
	[tilespmem:v25+s28+$0x0] =	vst.idx.add.f32.msk $0xffff, v21;
	v21 =	vadd.s32 $0x7, v11  }
0x1e7: {  	[tilespmem:v25+s29+$0x0] =	vst.idx.add.f32.msk $0xffff, v14  }
0x1e8: {  	[tilespmem:v26+s30+$0x0] =	vst.idx.add.f32.msk $0xffff, v18  }
0x1e9: {  	v14 =	vld.idx.msk [tilespmem:v24+s23+$0x0], $0xffff  }
0x1ea: {  	v25 =	vadd.s32 $0x6, v10;
	v18 =	vmul.f32 v19, v8;
	v19 =	vmul.f32 v19, v6;
	[tilespmem:v31+s28+$0x0] =	vst.idx.add.f32.msk $0xffff, v34  }
0x1eb: {  	v26 =	vmul.f32 v27, v7;
	v27 =	vadd.s32 $0x6, v13;
	v30 =	vld.idx.msk [tilespmem:v21+s23+$0x0], $0xffff  }
0x1ec: {  	[tilespmem:v29+s28+$0x0] =	vst.idx.add.f32.msk $0xffff, v18  }
0x1ed: {  	[tilespmem:v29+s29+$0x0] =	vst.idx.add.f32.msk $0xffff, v19  }
0x1ee: {  	[tilespmem:v22+s30+$0x0] =	vst.idx.add.f32.msk $0xffff, v26  }
0x1ef: {  	v19 =	vmul.f32 v14, v17;
	v22 =	vadd.s32 $0x8, v12;
	v18 =	vld.idx.msk [tilespmem:v25+s23+$0x0], $0xffff  }
0x1f0: {  	v14 =	vmul.f32 v14, v20;
	v26 =	vld.idx.msk [tilespmem:v27+s23+$0x0], $0xffff  }
0x1f1: {  	v29 =	vadd.s32 $0x8, v11;
	[tilespmem:v21+s28+$0x0] =	vst.idx.add.f32.msk $0xffff, v19;
	v19 =	vmul.f32 v30, v9  }
0x1f2: {  	[tilespmem:v21+s29+$0x0] =	vst.idx.add.f32.msk $0xffff, v14  }
0x1f3: {  	[tilespmem:v24+s30+$0x0] =	vst.idx.add.f32.msk $0xffff, v19  }
0x1f4: {  	v14 =	vld.idx.msk [tilespmem:v22+s23+$0x0], $0xffff  }
0x1f5: {  	v21 =	vadd.s32 $0x7, v10;
	v19 =	vmul.f32 v18, v8;
	v18 =	vmul.f32 v18, v6;
	[tilespmem:v31+s29+$0x0] =	vst.idx.add.f32.msk $0xffff, v28  }
0x1f6: {  	v24 =	vmul.f32 v26, v7;
	v26 =	vadd.s32 $0x7, v13;
	v28 =	vld.idx.msk [tilespmem:v29+s23+$0x0], $0xffff  }
0x1f7: {  	[tilespmem:v27+s28+$0x0] =	vst.idx.add.f32.msk $0xffff, v19  }
0x1f8: {  	[tilespmem:v27+s29+$0x0] =	vst.idx.add.f32.msk $0xffff, v18  }
0x1f9: {  	[tilespmem:v25+s30+$0x0] =	vst.idx.add.f32.msk $0xffff, v24  }
0x1fa: {  	v19 =	vmul.f32 v14, v17;
	v24 =	vadd.s32 $0x9, v12;
	v18 =	vld.idx.msk [tilespmem:v21+s23+$0x0], $0xffff  }
0x1fb: {  	v14 =	vmul.f32 v14, v20;
	v25 =	vld.idx.msk [tilespmem:v26+s23+$0x0], $0xffff  }
0x1fc: {  	v27 =	vadd.s32 $0x9, v11;
	[tilespmem:v29+s28+$0x0] =	vst.idx.add.f32.msk $0xffff, v19;
	v19 =	vmul.f32 v28, v9  }
0x1fd: {  	[tilespmem:v29+s29+$0x0] =	vst.idx.add.f32.msk $0xffff, v14  }
0x1fe: {  	[tilespmem:v22+s30+$0x0] =	vst.idx.add.f32.msk $0xffff, v19  }
0x1ff: {  	v14 =	vld.idx.msk [tilespmem:v24+s23+$0x0], $0xffff  }
0x200: {  	v22 =	vadd.s32 $0x8, v10;
	v19 =	vmul.f32 v18, v8;
	v18 =	vmul.f32 v18, v6;
	[tilespmem:v16+s30+$0x0] =	vst.idx.add.f32.msk $0xffff, v23  }
0x201: {  	v16 =	vmul.f32 v25, v7;
	v23 =	vadd.s32 $0x8, v13;
	v25 =	vld.idx.msk [tilespmem:v27+s23+$0x0], $0xffff  }
0x202: {  	[tilespmem:v26+s28+$0x0] =	vst.idx.add.f32.msk $0xffff, v19  }
0x203: {  	[tilespmem:v26+s29+$0x0] =	vst.idx.add.f32.msk $0xffff, v18  }
0x204: {  	[tilespmem:v21+s30+$0x0] =	vst.idx.add.f32.msk $0xffff, v16  }
0x205: {  	v19 =	vadd.s32 $0xA, v12;
	v18 =	vmul.f32 v14, v17;
	v16 =	vld.idx.msk [tilespmem:v22+s23+$0x0], $0xffff  }
0x206: {  	v14 =	vmul.f32 v14, v20;
	v21 =	vld.idx.msk [tilespmem:v23+s23+$0x0], $0xffff  }
0x207: {  	[tilespmem:v27+s28+$0x0] =	vst.idx.add.f32.msk $0xffff, v18;
	v18 =	vmul.f32 v25, v9;
	v25 =	vadd.s32 $0xA, v11  }
0x208: {  	[tilespmem:v27+s29+$0x0] =	vst.idx.add.f32.msk $0xffff, v14  }
0x209: {  	[tilespmem:v24+s30+$0x0] =	vst.idx.add.f32.msk $0xffff, v18  }
0x20a: {  	s1 =	sadd.s32 $0x20, s1;
	v14 =	vld.idx.msk [tilespmem:v19+s23+$0x0], $0xffff  }
0x20b: {  	v26 =	vadd.s32 $0x9, v10;
	v18 =	vmul.f32 v16, v8;
	v16 =	vmul.f32 v16, v6;
	v24 =	vld [tilespmem:s1+$0x0]  }
0x20c: {  	v27 =	vadd.s32 $0x9, v13;
	v21 =	vmul.f32 v21, v7;
	v28 =	vld.idx.msk [tilespmem:v25+s23+$0x0], $0xffff  }
0x20d: {  	[tilespmem:v23+s28+$0x0] =	vst.idx.add.f32.msk $0xffff, v18  }
0x20e: {  	[tilespmem:v23+s29+$0x0] =	vst.idx.add.f32.msk $0xffff, v16  }
0x20f: {  	[tilespmem:v22+s30+$0x0] =	vst.idx.add.f32.msk $0xffff, v21  }
0x210: {  	v12 =	vadd.s32 $0xB, v12;
	v18 =	vmul.f32 v14, v17;
	v16 =	vld.idx.msk [tilespmem:v26+s23+$0x0], $0xffff  }
0x211: {  	v14 =	vmul.f32 v14, v20;
	v21 =	vld.idx.msk [tilespmem:v27+s23+$0x0], $0xffff  }
0x212: {  	s0 =	sadd.s32 $0x20, s0;
	v11 =	vadd.s32 $0xB, v11;
	[tilespmem:v25+s28+$0x0] =	vst.idx.add.f32.msk $0xffff, v18;
	v18 =	vmul.f32 v28, v9  }
0x213: {  	s9 =	sadd.s32 $0x40, s9;
	s4 =	sand.u32 $0x60, s0;
	[tilespmem:v25+s29+$0x0] =	vst.idx.add.f32.msk $0xffff, v14  }
0x214: {  	s5 =	sand.u32 $0xF00, s9;
	s6 =	sor.u32 $0x10, s4;
	[tilespmem:v19+s30+$0x0] =	vst.idx.add.f32.msk $0xffff, v18  }
0x215: {  	s4 =	sor.u32 s4, s5;
	s5 =	sor.u32 s5, s6;
	v14 =	vld.idx.msk [tilespmem:v12+s23+$0x0], $0xffff  }
0x216: {  	v22 =	vmul.f32 v16, v8;
	v16 =	vmul.f32 v16, v6;
	v18 =	vld [tilespmem:s5+$0x1880]  }
0x217: {  	v25 =	vmul.f32 v21, v7;
	v19 =	vld.idx.msk [tilespmem:v11+s23+$0x0], $0xffff  }
0x218: {  	v21 =	vld [tilespmem:s5+$0x3480]  }
0x219: {  	s14 =	sand.u32 $0x780, s0;
	v23 =	vld [tilespmem:s5+$0x2680]  }
0x21a: {  	s6 =	sor.u32 s14, s6;
	v28 =	vld [tilespmem:s5+$0x4280]  }
0x21b: {  	v30 =	vmul.f32 v14, v17;
	v29 =	vld [tilespmem:s6+$0x780];
	v17 =	vmov v18  }
0x21c: {  	v14 =	vmul.f32 v14, v20;
	v18 =	vld [tilespmem:s6+$0x80]  }
0x21d: {  	v9 =	vmul.f32 v19, v9;
	[tilespmem:v11+s28+$0x0] =	vst.idx.add.f32.msk $0xffff, v30;
	v20 =	vmov v21  }
0x21e: {  	[tilespmem:v11+s29+$0x0] =	vst.idx.add.f32.msk $0xffff, v14  }
0x21f: {  	[tilespmem:v12+s30+$0x0] =	vst.idx.add.f32.msk $0xffff, v9  }
0x220: {  	v9 =	vld [tilespmem:s4+$0x2680];
	v12 =	vmul.u32 $0xD, v29  }
0x221: {  	v19 =	vld [tilespmem:s4+$0x4280]  }
0x222: {  	v11 =	vmul.u32 $0xD, v18;
	v14 =	vld [tilespmem:s4+$0x1880]  }
0x223: {  	v21 =	vadd.f32 v28, v23;
	[tilespmem:v29+s24+$0x0] =	vst.idx.add.f32.msk $0xffff, v17  }
0x224: {  	[tilespmem:v29+s25+$0x0] =	vst.idx.add.f32.msk $0xffff, v20  }
0x225: {  	[tilespmem:v18+s26+$0x0] =	vst.idx.add.f32.msk $0xffff, v21  }
0x226: {  	v21 =	vadd.f32 v19, v9;
	v18 =	vsub.f32 v19, v9;
	v29 =	vld.idx.msk [tilespmem:v12+s23+$0x0], $0xffff  }
0x227: {  	v19 =	vld [tilespmem:s4+$0x3480]  }
0x228: {  	v30 =	vld.idx.msk [tilespmem:v11+s23+$0x0], $0xffff  }
0x229: {  	[tilespmem:v24+s24+$0x0] =	vst.idx.add.f32.msk $0xffff, v14  }
0x22a: {  	[tilespmem:v27+s28+$0x0] =	vst.idx.add.f32.msk $0xffff, v22  }
0x22b: {  	v22 =	vmul.u32 $0xD, v24;
	[tilespmem:v27+s29+$0x0] =	vst.idx.add.f32.msk $0xffff, v16  }
0x22c: {  	v9 =	vsub.f32 v28, v23;
	v16 =	vmul.f32 v29, v17;
	v27 =	vadd.s32 $0x1, v12;
	[tilespmem:v24+s25+$0x0] =	vst.idx.add.f32.msk $0xffff, v19  }
0x22d: {  	v23 =	vmul.f32 v29, v20;
	[tilespmem:v15+s26+$0x0] =	vst.idx.add.f32.msk $0xffff, v21  }
0x22e: {  	v29 =	vadd.s32 $0x1, v11;
	v21 =	vmul.u32 $0xD, v15;
	v15 =	vmul.f32 v30, v9;
	[tilespmem:v11+s28+$0x0] =	vst.idx.add.f32.msk $0xffff, v16  }
0x22f: {  	[tilespmem:v11+s29+$0x0] =	vst.idx.add.f32.msk $0xffff, v23  }
0x230: {  	s12 =	sadd.s32 $0x2, s12;
	[tilespmem:v12+s30+$0x0] =	vst.idx.add.f32.msk $0xffff, v15  }
0x231: {  	p1 =	slt.u32 s12, $0x6E;
	v23 =	vadd.s32 $0xA, v10;
	v32 =	vld.idx.msk [tilespmem:v27+s23+$0x0], $0xffff  }
0x232: {  	v24 =	vadd.s32 $0xA, v13;
	v30 =	vld.idx.msk [tilespmem:v22+s23+$0x0], $0xffff  }
.Ltmp5:
0x233: {  	v33 =	vld.idx.msk [tilespmem:v29+s23+$0x0], $0xffff;
	(pc) =	sbr.rel @p1 .LBB3_11-.Ltmp5, $4  }
0x234: {  	v31 =	vld.idx.msk [tilespmem:v21+s23+$0x0], $0xffff  }
0x235: {  	[tilespmem:v26+s30+$0x0] =	vst.idx.add.f32.msk $0xffff, v25  }
0x236: {  	v26 =	vld.idx.msk [tilespmem:v23+s23+$0x0], $0xffff  }
0x237: {  	s3 =	sadd.s32 $0x20, s3;
	v28 =	vadd.s32 $0x2, v12;
	v34 =	vmul.f32 v32, v17;
	v25 =	vld.idx.msk [tilespmem:v24+s23+$0x0], $0xffff  }
0x238: {  	v15 =	vmov v20;
	v16 =	vmov v17  }
.LBB3_13:
0x239: {  	_ =	sdelay $0x2  }
0x23a: {  	v17 =	vmul.f32 v32, v15  }
0x23b: {  	[tilespmem:v29+s28+$0x0] =	vst.idx.add.f32.msk $0xffff, v34;
	v46 =	vmul.f32 v30, v14  }
0x23c: {  	v20 =	vmul.f32 v33, v9;
	[tilespmem:v29+s29+$0x0] =	vst.idx.add.f32.msk $0xffff, v17  }
0x23d: {  	v47 =	vadd.s32 $0x1, v22;
	v48 =	vmul.f32 v30, v19;
	[tilespmem:v21+s28+$0x0] =	vst.idx.add.f32.msk $0xffff, v46  }
0x23e: {  	v45 =	vadd.s32 $0x2, v11;
	[tilespmem:v27+s30+$0x0] =	vst.idx.add.f32.msk $0xffff, v20  }
0x23f: {  	v50 =	vmul.f32 v31, v18;
	[tilespmem:v21+s29+$0x0] =	vst.idx.add.f32.msk $0xffff, v48  }
0x240: {  	v27 =	vld.idx.msk [tilespmem:v28+s23+$0x0], $0xffff  }
0x241: {  	v49 =	vadd.s32 $0x1, v21;
	[tilespmem:v22+s30+$0x0] =	vst.idx.add.f32.msk $0xffff, v50  }
0x242: {  	v30 =	vld.idx.msk [tilespmem:v47+s23+$0x0], $0xffff  }
0x243: {  	v51 =	vld.idx.msk [tilespmem:v45+s23+$0x0], $0xffff;
	_ =	sdelay $0x1  }
0x244: {  	v53 =	vmul.f32 v27, v16  }
0x245: {  	v52 =	vld.idx.msk [tilespmem:v49+s23+$0x0], $0xffff;
	v27 =	vmul.f32 v27, v15  }
0x246: {  	v35 =	vadd.s32 $0x3, v12;
	v55 =	vmul.f32 v30, v14;
	[tilespmem:v45+s28+$0x0] =	vst.idx.add.f32.msk $0xffff, v53  }
0x247: {  	v31 =	vmul.f32 v51, v9;
	[tilespmem:v45+s29+$0x0] =	vst.idx.add.f32.msk $0xffff, v27  }
0x248: {  	v56 =	vadd.s32 $0x2, v22;
	v30 =	vmul.f32 v30, v19;
	[tilespmem:v49+s28+$0x0] =	vst.idx.add.f32.msk $0xffff, v55  }
0x249: {  	v54 =	vadd.s32 $0x3, v11;
	[tilespmem:v28+s30+$0x0] =	vst.idx.add.f32.msk $0xffff, v31  }
0x24a: {  	v33 =	vmul.f32 v52, v18;
	[tilespmem:v49+s29+$0x0] =	vst.idx.add.f32.msk $0xffff, v30  }
0x24b: {  	v28 =	vld.idx.msk [tilespmem:v35+s23+$0x0], $0xffff  }
0x24c: {  	v57 =	vadd.s32 $0x2, v21;
	[tilespmem:v47+s30+$0x0] =	vst.idx.add.f32.msk $0xffff, v33  }
0x24d: {  	v17 =	vld.idx.msk [tilespmem:v56+s23+$0x0], $0xffff  }
0x24e: {  	v34 =	vld.idx.msk [tilespmem:v54+s23+$0x0], $0xffff;
	_ =	sdelay $0x1  }
0x24f: {  	v58 =	vmul.f32 v28, v16  }
0x250: {  	v30 =	vld.idx.msk [tilespmem:v57+s23+$0x0], $0xffff;
	v28 =	vmul.f32 v28, v15  }
0x251: {  	v59 =	vadd.s32 $0x4, v12;
	v62 =	vmul.f32 v17, v14;
	[tilespmem:v54+s28+$0x0] =	vst.idx.add.f32.msk $0xffff, v58  }
0x252: {  	v61 =	vmul.f32 v34, v9;
	[tilespmem:v54+s29+$0x0] =	vst.idx.add.f32.msk $0xffff, v28  }
0x253: {  	v63 =	vadd.s32 $0x3, v22;
	v17 =	vmul.f32 v17, v19;
	[tilespmem:v57+s28+$0x0] =	vst.idx.add.f32.msk $0xffff, v62  }
0x254: {  	v60 =	vadd.s32 $0x4, v11;
	[tilespmem:v35+s30+$0x0] =	vst.idx.add.f32.msk $0xffff, v61  }
0x255: {  	v30 =	vmul.f32 v30, v18;
	[tilespmem:v57+s29+$0x0] =	vst.idx.add.f32.msk $0xffff, v17  }
0x256: {  	v20 =	vld.idx.msk [tilespmem:v59+s23+$0x0], $0xffff  }
0x257: {  	v36 =	vadd.s32 $0x3, v21;
	[tilespmem:v56+s30+$0x0] =	vst.idx.add.f32.msk $0xffff, v30  }
0x258: {  	v17 =	vld.idx.msk [tilespmem:v63+s23+$0x0], $0xffff  }
0x259: {  	v35 =	vld.idx.msk [tilespmem:v60+s23+$0x0], $0xffff;
	_ =	sdelay $0x1  }
0x25a: {  	v37 =	vmul.f32 v20, v16  }
0x25b: {  	v31 =	vld.idx.msk [tilespmem:v36+s23+$0x0], $0xffff;
	v20 =	vmul.f32 v20, v15  }
0x25c: {  	v38 =	vadd.s32 $0x5, v12;
	v41 =	vmul.f32 v17, v14;
	[tilespmem:v60+s28+$0x0] =	vst.idx.add.f32.msk $0xffff, v37  }
0x25d: {  	v40 =	vmul.f32 v35, v9;
	[tilespmem:v60+s29+$0x0] =	vst.idx.add.f32.msk $0xffff, v20  }
0x25e: {  	v42 =	vadd.s32 $0x4, v22;
	v17 =	vmul.f32 v17, v19;
	[tilespmem:v36+s28+$0x0] =	vst.idx.add.f32.msk $0xffff, v41  }
0x25f: {  	v39 =	vadd.s32 $0x5, v11;
	[tilespmem:v59+s30+$0x0] =	vst.idx.add.f32.msk $0xffff, v40  }
0x260: {  	v31 =	vmul.f32 v31, v18;
	[tilespmem:v36+s29+$0x0] =	vst.idx.add.f32.msk $0xffff, v17  }
0x261: {  	v20 =	vld.idx.msk [tilespmem:v38+s23+$0x0], $0xffff  }
0x262: {  	v43 =	vadd.s32 $0x4, v21;
	[tilespmem:v63+s30+$0x0] =	vst.idx.add.f32.msk $0xffff, v31  }
0x263: {  	v17 =	vld.idx.msk [tilespmem:v42+s23+$0x0], $0xffff  }
0x264: {  	v44 =	vld.idx.msk [tilespmem:v39+s23+$0x0], $0xffff;
	_ =	sdelay $0x1  }
0x265: {  	v45 =	vmul.f32 v20, v16  }
0x266: {  	v31 =	vld.idx.msk [tilespmem:v43+s23+$0x0], $0xffff;
	v20 =	vmul.f32 v20, v15  }
0x267: {  	v46 =	vadd.s32 $0x6, v12;
	v49 =	vmul.f32 v17, v14;
	[tilespmem:v39+s28+$0x0] =	vst.idx.add.f32.msk $0xffff, v45  }
0x268: {  	v48 =	vmul.f32 v44, v9;
	[tilespmem:v39+s29+$0x0] =	vst.idx.add.f32.msk $0xffff, v20  }
0x269: {  	v50 =	vadd.s32 $0x5, v22;
	v17 =	vmul.f32 v17, v19;
	[tilespmem:v43+s28+$0x0] =	vst.idx.add.f32.msk $0xffff, v49  }
0x26a: {  	v47 =	vadd.s32 $0x6, v11;
	[tilespmem:v38+s30+$0x0] =	vst.idx.add.f32.msk $0xffff, v48  }
0x26b: {  	v31 =	vmul.f32 v31, v18;
	[tilespmem:v43+s29+$0x0] =	vst.idx.add.f32.msk $0xffff, v17  }
0x26c: {  	v20 =	vld.idx.msk [tilespmem:v46+s23+$0x0], $0xffff  }
0x26d: {  	v51 =	vadd.s32 $0x5, v21;
	[tilespmem:v42+s30+$0x0] =	vst.idx.add.f32.msk $0xffff, v31  }
0x26e: {  	v17 =	vld.idx.msk [tilespmem:v50+s23+$0x0], $0xffff  }
0x26f: {  	v52 =	vld.idx.msk [tilespmem:v47+s23+$0x0], $0xffff;
	_ =	sdelay $0x1  }
0x270: {  	v53 =	vmul.f32 v20, v16  }
0x271: {  	v31 =	vld.idx.msk [tilespmem:v51+s23+$0x0], $0xffff;
	v20 =	vmul.f32 v20, v15  }
0x272: {  	v54 =	vadd.s32 $0x7, v12;
	v57 =	vmul.f32 v17, v14;
	[tilespmem:v47+s28+$0x0] =	vst.idx.add.f32.msk $0xffff, v53  }
0x273: {  	v56 =	vmul.f32 v52, v9;
	[tilespmem:v47+s29+$0x0] =	vst.idx.add.f32.msk $0xffff, v20  }
0x274: {  	v58 =	vadd.s32 $0x6, v22;
	v17 =	vmul.f32 v17, v19;
	[tilespmem:v51+s28+$0x0] =	vst.idx.add.f32.msk $0xffff, v57  }
0x275: {  	v55 =	vadd.s32 $0x7, v11;
	[tilespmem:v46+s30+$0x0] =	vst.idx.add.f32.msk $0xffff, v56  }
0x276: {  	v31 =	vmul.f32 v31, v18;
	[tilespmem:v51+s29+$0x0] =	vst.idx.add.f32.msk $0xffff, v17  }
0x277: {  	v20 =	vld.idx.msk [tilespmem:v54+s23+$0x0], $0xffff  }
0x278: {  	v59 =	vadd.s32 $0x6, v21;
	[tilespmem:v50+s30+$0x0] =	vst.idx.add.f32.msk $0xffff, v31  }
0x279: {  	v17 =	vld.idx.msk [tilespmem:v58+s23+$0x0], $0xffff  }
0x27a: {  	v60 =	vld.idx.msk [tilespmem:v55+s23+$0x0], $0xffff;
	_ =	sdelay $0x1  }
0x27b: {  	v61 =	vmul.f32 v20, v16  }
0x27c: {  	v31 =	vld.idx.msk [tilespmem:v59+s23+$0x0], $0xffff;
	v20 =	vmul.f32 v20, v15  }
0x27d: {  	v62 =	vadd.s32 $0x8, v12;
	v36 =	vmul.f32 v17, v14;
	[tilespmem:v55+s28+$0x0] =	vst.idx.add.f32.msk $0xffff, v61  }
0x27e: {  	v35 =	vmul.f32 v60, v9;
	[tilespmem:v55+s29+$0x0] =	vst.idx.add.f32.msk $0xffff, v20  }
0x27f: {  	v37 =	vadd.s32 $0x7, v22;
	v17 =	vmul.f32 v17, v19;
	[tilespmem:v59+s28+$0x0] =	vst.idx.add.f32.msk $0xffff, v36  }
0x280: {  	v63 =	vadd.s32 $0x8, v11;
	[tilespmem:v54+s30+$0x0] =	vst.idx.add.f32.msk $0xffff, v35  }
0x281: {  	v31 =	vmul.f32 v31, v18;
	[tilespmem:v59+s29+$0x0] =	vst.idx.add.f32.msk $0xffff, v17  }
0x282: {  	v20 =	vld.idx.msk [tilespmem:v62+s23+$0x0], $0xffff  }
0x283: {  	v38 =	vadd.s32 $0x7, v21;
	[tilespmem:v58+s30+$0x0] =	vst.idx.add.f32.msk $0xffff, v31  }
0x284: {  	v29 =	vmul.f32 @p0 v26, v8;
	v39 =	vld.idx.msk [tilespmem:v37+s23+$0x0], $0xffff  }
0x285: {  	v17 =	vmul.f32 @p0 v26, v6;
	v33 =	vld.idx.msk [tilespmem:v63+s23+$0x0], $0xffff  }
0x286: {  	[tilespmem:v24+s28+$0x0] =	vst.idx.add.f32.msk @p0 $0xffff, v29  }
0x287: {  	[tilespmem:v24+s29+$0x0] =	vst.idx.add.f32.msk @p0 $0xffff, v17;
	v40 =	vmul.f32 v20, v16  }
0x288: {  	v27 =	vld.idx.msk [tilespmem:v38+s23+$0x0], $0xffff;
	v20 =	vmul.f32 v20, v15  }
0x289: {  	v41 =	vadd.s32 $0x9, v12;
	v43 =	vmul.f32 v39, v14;
	[tilespmem:v63+s28+$0x0] =	vst.idx.add.f32.msk $0xffff, v40  }
0x28a: {  	v42 =	vmul.f32 v33, v9;
	[tilespmem:v63+s29+$0x0] =	vst.idx.add.f32.msk $0xffff, v20  }
0x28b: {  	v44 =	vadd.s32 $0x8, v22;
	v26 =	vmul.f32 v39, v19;
	[tilespmem:v38+s28+$0x0] =	vst.idx.add.f32.msk $0xffff, v43  }
0x28c: {  	[tilespmem:v62+s30+$0x0] =	vst.idx.add.f32.msk $0xffff, v42  }
0x28d: {  	v46 =	vadd.s32 $0x8, v21;
	v27 =	vmul.f32 v27, v18;
	[tilespmem:v38+s29+$0x0] =	vst.idx.add.f32.msk $0xffff, v26  }
0x28e: {  	v10 =	vadd.s32 @p0 $0xB, v10;
	v45 =	vld.idx.msk [tilespmem:v41+s23+$0x0], $0xffff  }
0x28f: {  	v13 =	vadd.s32 @p0 $0xB, v13;
	v17 =	vmul.f32 @p0 v25, v7;
	[tilespmem:v37+s30+$0x0] =	vst.idx.add.f32.msk $0xffff, v27  }
0x290: {  	v47 =	vadd.s32 $0x9, v11;
	v26 =	vld.idx.msk [tilespmem:v44+s23+$0x0], $0xffff  }
0x291: {  	[tilespmem:v23+s30+$0x0] =	vst.idx.add.f32.msk @p0 $0xffff, v17  }
0x292: {  	v48 =	vld.idx.msk [tilespmem:v46+s23+$0x0], $0xffff  }
0x293: {  	v23 =	vld.idx.msk @p0 [tilespmem:v10+s23+$0x0], $0xffff  }
0x294: {  	v27 =	vld.idx.msk @p0 [tilespmem:v13+s23+$0x0], $0xffff;
	v49 =	vmul.f32 v45, v16  }
0x295: {  	v52 =	vadd.s32 $0x9, v22;
	v50 =	vld.idx.msk [tilespmem:v47+s23+$0x0], $0xffff;
	v51 =	vmul.f32 v26, v14  }
0x296: {  	v26 =	vmul.f32 v26, v19;
	[tilespmem:v47+s28+$0x0] =	vst.idx.add.f32.msk $0xffff, v49  }
0x297: {  	v53 =	vadd.s32 $0x9, v21;
	v17 =	vmul.f32 v48, v18;
	[tilespmem:v46+s28+$0x0] =	vst.idx.add.f32.msk $0xffff, v51  }
0x298: {  	[tilespmem:v46+s29+$0x0] =	vst.idx.add.f32.msk $0xffff, v26  }
0x299: {  	v54 =	vadd.s32 $0xA, v12;
	v29 =	vmul.f32 v45, v15;
	[tilespmem:v44+s30+$0x0] =	vst.idx.add.f32.msk $0xffff, v17  }
0x29a: {  	v17 =	vld.idx.msk [tilespmem:v52+s23+$0x0], $0xffff  }
0x29b: {  	v56 =	vadd.s32 $0xA, v11;
	v55 =	vmul.f32 v50, v9;
	[tilespmem:v47+s29+$0x0] =	vst.idx.add.f32.msk $0xffff, v29  }
0x29c: {  	v57 =	vld.idx.msk [tilespmem:v53+s23+$0x0], $0xffff  }
0x29d: {  	v8 =	vmul.f32 @p0 v23, v8;
	[tilespmem:v41+s30+$0x0] =	vst.idx.add.f32.msk $0xffff, v55  }
0x29e: {  	v20 =	vld.idx.msk [tilespmem:v54+s23+$0x0], $0xffff  }
0x29f: {  	v58 =	vadd.s32 $0xA, v22;
	[tilespmem:v13+s28+$0x0] =	vst.idx.add.f32.msk @p0 $0xffff, v8;
	v8 =	vmul.f32 v17, v14  }
0x2a0: {  	v29 =	vld.idx.msk [tilespmem:v56+s23+$0x0], $0xffff;
	v17 =	vmul.f32 v17, v19  }
0x2a1: {  	v25 =	vmul.f32 v57, v18;
	[tilespmem:v53+s28+$0x0] =	vst.idx.add.f32.msk $0xffff, v8;
	v8 =	vadd.s32 $0xA, v21  }
0x2a2: {  	[tilespmem:v53+s29+$0x0] =	vst.idx.add.f32.msk $0xffff, v17  }
0x2a3: {  	v59 =	vmul.f32 v20, v16;
	[tilespmem:v52+s30+$0x0] =	vst.idx.add.f32.msk $0xffff, v25  }
0x2a4: {  	v12 =	vadd.s32 $0xB, v12;
	v25 =	vld.idx.msk [tilespmem:v58+s23+$0x0], $0xffff  }
0x2a5: {  	v11 =	vadd.s32 $0xB, v11;
	v20 =	vmul.f32 v20, v15;
	[tilespmem:v56+s28+$0x0] =	vst.idx.add.f32.msk $0xffff, v59  }
0x2a6: {  	v60 =	vmul.f32 v29, v9;
	v28 =	vld.idx.msk [tilespmem:v8+s23+$0x0], $0xffff  }
0x2a7: {  	[tilespmem:v56+s29+$0x0] =	vst.idx.add.f32.msk $0xffff, v20  }
0x2a8: {  	[tilespmem:v54+s30+$0x0] =	vst.idx.add.f32.msk $0xffff, v60  }
0x2a9: {  	v62 =	vadd.s32 $0xB, v22;
	v17 =	vld.idx.msk [tilespmem:v12+s23+$0x0], $0xffff;
	v61 =	vmul.f32 v25, v14  }
0x2aa: {  	v26 =	vld.idx.msk [tilespmem:v11+s23+$0x0], $0xffff;
	v25 =	vmul.f32 v25, v19  }
0x2ab: {  	v63 =	vadd.s32 $0xB, v21;
	v28 =	vmul.f32 v28, v18;
	[tilespmem:v8+s28+$0x0] =	vst.idx.add.f32.msk $0xffff, v61  }
0x2ac: {  	[tilespmem:v8+s29+$0x0] =	vst.idx.add.f32.msk $0xffff, v25  }
0x2ad: {  	v6 =	vmul.f32 @p0 v23, v6;
	[tilespmem:v58+s30+$0x0] =	vst.idx.add.f32.msk $0xffff, v28  }
0x2ae: {  	v8 =	vld.idx.msk [tilespmem:v62+s23+$0x0], $0xffff  }
0x2af: {  	[tilespmem:v13+s29+$0x0] =	vst.idx.add.f32.msk @p0 $0xffff, v6;
	v7 =	vmul.f32 @p0 v27, v7  }
0x2b0: {  	v6 =	vmul.f32 v17, v16;
	v13 =	vld.idx.msk [tilespmem:v63+s23+$0x0], $0xffff  }
0x2b1: {  	[tilespmem:v10+s30+$0x0] =	vst.idx.add.f32.msk @p0 $0xffff, v7;
	v7 =	vmul.f32 v17, v15  }
0x2b2: {  	[tilespmem:v11+s28+$0x0] =	vst.idx.add.f32.msk $0xffff, v6;
	v6 =	vmul.f32 v26, v9  }
0x2b3: {  	[tilespmem:v11+s29+$0x0] =	vst.idx.add.f32.msk $0xffff, v7;
	v7 =	vmul.f32 v8, v14  }
0x2b4: {  	[tilespmem:v12+s30+$0x0] =	vst.idx.add.f32.msk $0xffff, v6;
	v6 =	vmul.f32 v8, v19  }
0x2b5: {  	v8 =	vmul.f32 v13, v18;
	[tilespmem:v63+s28+$0x0] =	vst.idx.add.f32.msk $0xffff, v7  }
0x2b6: {  	[tilespmem:v63+s29+$0x0] =	vst.idx.add.f32.msk $0xffff, v6  }
0x2b7: {  	[tilespmem:v62+s30+$0x0] =	vst.idx.add.f32.msk $0xffff, v8  }
0x2b8: {  	_ =	swait.ge [sflag:s31], $0x200  }
0x2b9: {  	[sflag:s31] =	ssyncset.done $0x0  }
0x2ba: {  	[sflag:s31] =	ssyncadd.s32 $0xFFFFFE00  }
0x2bb: {  	_ =	swait.ge [sflag:s31], $0x200  }
0x2bc: {  	[sflag:s31] =	ssyncset.done $0x0  }
0x2bd: {  	[sflag:s31] =	ssyncadd.s32 $0xFFFFFE00  }
0x2be: {  	_ =	swait.ge [sflag:s31], $0x200  }
0x2bf: {  	[sflag:s31] =	ssyncset.done $0x0  }
0x2c0: {  	[sflag:s31] =	ssyncadd.s32 $0xFFFFFE00  }
0x2c1: {  	s0 =	simm.s32 $0x0;
	_ =	swait.ge [sflag:s31], $0x200  }
0x2c2: {  	s1 =	sand.u32 $0x40, s0;
	s0 =	sand.u32 $0x100, s0;
	[sflag:s31] =	ssyncset.done $0x0  }
0x2c3: {  	s0 =	sor.u32 s1, s0;
	[sflag:s31] =	ssyncadd.s32 $0xFFFFFE00  }
0x2c4: {  	v6 =	vld [tilespmem:s0+$0x52B0]  }
0x2c5: {  	v8 =	vld [tilespmem:s0+$0x56B0]  }
0x2c6: {  	v9 =	vld [tilespmem:s0+$0x5280]  }
0x2c7: {  	v11 =	vld [tilespmem:s0+$0x5680]  }
0x2c8: {  	v12 =	vld [tilespmem:s0+$0x5290]  }
0x2c9: {  	s17 =	simm.s32 $0x80;
	s3 =	simm.s32 $0x40;
	v13 =	vld [tilespmem:s0+$0x5690]  }
0x2ca: {  	s3 =	sand.u32 $0x40, s3;
	s1 =	sand.u32 $0x100, s17;
	v14 =	vld [tilespmem:s0+$0x52A0]  }
0x2cb: {  	s1 =	sor.u32 s3, s1;
	v15 =	vld [tilespmem:s0+$0x56A0]  }
0x2cc: {  	v7 =	vld [tilespmem:s1+$0x52B0]  }
0x2cd: {  	v10 =	vld [tilespmem:s1+$0x56B0];
	v8 =	vadd.f32 v8, v6  }
0x2ce: {  	v6 =	vld [tilespmem:s1+$0x5280];
	v12 =	vadd.f32 v13, v12  }
0x2cf: {  	v11 =	vadd.f32 v11, v9;
	v9 =	vld [tilespmem:s1+$0x5680];
	[tilespmem:s0+$0x52B0] =	vst v8  }
0x2d0: {  	v8 =	vld [tilespmem:s1+$0x5290];
	[tilespmem:s0+$0x5290] =	vst v12;
	v12 =	vadd.f32 v15, v14  }
0x2d1: {  	s4 =	simm.s32 $0x100;
	s5 =	simm.s32 $0x80;
	s3 =	simm.s32 $0x4;
	[tilespmem:s0+$0x5280] =	vst v11;
	v11 =	vld [tilespmem:s1+$0x5690]  }
.LBB3_14:
0x2d2: {  	s6 =	sand.u32 $0x40, s5;
	s9 =	sand.u32 $0x100, s4;
	v13 =	vld [tilespmem:s1+$0x52A0];
	v10 =	vadd.f32 v10, v7;
	[tilespmem:s0+$0x52A0] =	vst v12;
	s0 =	smov.u32 s1  }
0x2d3: {  	s3 =	sadd.s32 $0x4, s3;
	s1 =	sor.u32 s6, s9;
	v12 =	vld [tilespmem:s0+$0x56A0]  }
0x2d4: {  	p0 =	slt.u32 s3, $0x8;
	v7 =	vld [tilespmem:s1+$0x52B0];
	v9 =	vadd.f32 v9, v6;
	[tilespmem:s0+$0x52B0] =	vst v10  }
.Ltmp6:
0x2d5: {  	v10 =	vld [tilespmem:s1+$0x56B0];
	(pc) =	sbr.rel @p0 .LBB3_14-.Ltmp6, $4  }
0x2d6: {  	v6 =	vld [tilespmem:s1+$0x5280];
	[tilespmem:s0+$0x5280] =	vst v9;
	v11 =	vadd.f32 v11, v8  }
0x2d7: {  	v9 =	vld [tilespmem:s1+$0x5680]  }
0x2d8: {  	v8 =	vld [tilespmem:s1+$0x5290];
	[tilespmem:s0+$0x5290] =	vst v11;
	v12 =	vadd.f32 v12, v13  }
0x2d9: {  	s4 =	sadd.s32 $0x80, s4;
	s5 =	sadd.s32 $0x40, s5;
	v11 =	vld [tilespmem:s1+$0x5690]  }
0x2da: {  	v13 =	vld [tilespmem:s1+$0x52A0]  }
0x2db: {  	v14 =	vld [tilespmem:s1+$0x56A0];
	_ =	sdelay $0x1  }
0x2dc: {  	v7 =	vadd.f32 v10, v7  }
0x2dd: {  	[tilespmem:s0+$0x52A0] =	vst v12;
	v6 =	vadd.f32 v9, v6  }
0x2de: {  	[tilespmem:s1+$0x52B0] =	vst v7;
	v7 =	vadd.f32 v11, v8  }
0x2df: {  	[tilespmem:s1+$0x5280] =	vst v6;
	v6 =	vadd.f32 v14, v13  }
0x2e0: {  	[tilespmem:s1+$0x5290] =	vst v7  }
0x2e1: {  	[tilespmem:s1+$0x52A0] =	vst v6  }
0x2e2: {  	v6 =	vld [tilespmem:$0x53C0]  }
0x2e3: {  	v7 =	vld [tilespmem:$0x57C0];
	_ =	sdelay $0x4  }
0x2e4: {  	s16 =	simm.s32 $0x0;
	v6 =	vadd.f32 v7, v6  }
0x2e5: {  	s0 =	sor.u32 s16, s16  }
0x2e6: {  	s4 =	sor.u32 $0xB0, s0;
	[tilespmem:$0x53C0] =	vst v6  }
0x2e7: {  	v6 =	vld [tilespmem:s4+$0x5280]  }
0x2e8: {  	s5 =	sor.u32 $0x80, s0;
	v8 =	vld [tilespmem:s4+$0x5680]  }
0x2e9: {  	v9 =	vld [tilespmem:s5+$0x5280]  }
0x2ea: {  	s6 =	sor.u32 $0x90, s0;
	v11 =	vld [tilespmem:s5+$0x5680]  }
0x2eb: {  	v12 =	vld [tilespmem:s6+$0x5280]  }
0x2ec: {  	s17 =	simm.s32 $0x80;
	s3 =	simm.s32 $0x40;
	s0 =	sor.u32 $0xA0, s0;
	v13 =	vld [tilespmem:s6+$0x5680]  }
0x2ed: {  	s12 =	sor.u32 s3, s17;
	v14 =	vld [tilespmem:s0+$0x5280]  }
0x2ee: {  	s1 =	sor.u32 $0xB0, s12;
	v15 =	vld [tilespmem:s0+$0x5680]  }
0x2ef: {  	v7 =	vld [tilespmem:s1+$0x5280]  }
0x2f0: {  	s3 =	sor.u32 $0x80, s12;
	v10 =	vld [tilespmem:s1+$0x5680];
	v8 =	vadd.f32 v8, v6  }
0x2f1: {  	v6 =	vld [tilespmem:s3+$0x5280];
	v12 =	vadd.f32 v13, v12  }
0x2f2: {  	v11 =	vadd.f32 v11, v9;
	v9 =	vld [tilespmem:s3+$0x5680];
	[tilespmem:s4+$0x5280] =	vst v8;
	s4 =	sor.u32 $0x90, s12  }
0x2f3: {  	s9 =	simm.s32 $0x4;
	[tilespmem:s6+$0x5280] =	vst v12;
	v12 =	vadd.f32 v15, v14;
	v8 =	vld [tilespmem:s4+$0x5280]  }
0x2f4: {  	[tilespmem:s5+$0x5280] =	vst v11;
	s5 =	sor.u32 $0xA0, s12;
	s12 =	simm.s32 $0x100;
	s6 =	simm.s32 $0x80;
	v11 =	vld [tilespmem:s4+$0x5680]  }
.LBB3_16:
0x2f5: {  	s14 =	sor.u32 s6, s12;
	v13 =	vld [tilespmem:s5+$0x5280];
	v10 =	vadd.f32 v10, v7;
	[tilespmem:s0+$0x5280] =	vst v12;
	s0 =	smov.u32 s5  }
0x2f6: {  	s9 =	sadd.s32 $0x4, s9;
	s15 =	sor.u32 $0x80, s14;
	s16 =	sor.u32 $0xB0, s14;
	v12 =	vld [tilespmem:s0+$0x5680]  }
0x2f7: {  	s17 =	sor.u32 $0x90, s14;
	s5 =	sor.u32 $0xA0, s14;
	p0 =	slt.u32 s9, $0x8;
	v7 =	vld [tilespmem:s16+$0x5280];
	v9 =	vadd.f32 v9, v6;
	[tilespmem:s1+$0x5280] =	vst v10  }
.Ltmp7:
0x2f8: {  	s1 =	smov.u32 s16;
	v10 =	vld [tilespmem:s16+$0x5680];
	(pc) =	sbr.rel @p0 .LBB3_16-.Ltmp7, $4  }
0x2f9: {  	v6 =	vld [tilespmem:s15+$0x5280];
	[tilespmem:s3+$0x5280] =	vst v9;
	v11 =	vadd.f32 v11, v8;
	s3 =	smov.u32 s15  }
0x2fa: {  	v9 =	vld [tilespmem:s3+$0x5680]  }
0x2fb: {  	v8 =	vld [tilespmem:s17+$0x5280];
	[tilespmem:s4+$0x5280] =	vst v11;
	v12 =	vadd.f32 v12, v13;
	s4 =	smov.u32 s17  }
0x2fc: {  	s12 =	sadd.s32 $0x80, s12;
	s6 =	sadd.s32 $0x40, s6;
	v11 =	vld [tilespmem:s4+$0x5680]  }
0x2fd: {  	v13 =	vld [tilespmem:s5+$0x5280]  }
0x2fe: {  	v14 =	vld [tilespmem:s5+$0x5680];
	_ =	sdelay $0x1  }
0x2ff: {  	v7 =	vadd.f32 v10, v7  }
0x300: {  	[tilespmem:s0+$0x5280] =	vst v12;
	v6 =	vadd.f32 v9, v6  }
0x301: {  	[tilespmem:s1+$0x5280] =	vst v7;
	v7 =	vadd.f32 v11, v8  }
0x302: {  	[tilespmem:s3+$0x5280] =	vst v6;
	v6 =	vadd.f32 v14, v13  }
0x303: {  	[tilespmem:s4+$0x5280] =	vst v7  }
0x304: {  	[tilespmem:s5+$0x5280] =	vst v6  }
0x305: {  	v6 =	vld [tilespmem:$0x5440]  }
0x306: {  	v7 =	vld [tilespmem:$0x5840];
	_ =	sdelay $0x4  }
0x307: {  	v6 =	vadd.f32 v7, v6;
	_ =	sdelay $0x1  }
0x308: {  	s5 =	simm.s32 $0xE90;
	[tilespmem:$0x5440] =	vst v6  }
0x309: {  	v7 =	vld [tilespmem:s5+$0x0];
	_ =	sdelay $0x3  }
0x30a: {  	s6 =	simm.s32 $0x10  }
0x30b: {  	v6 =	vadd.s32 s6, v7  }
0x30c: {  	v10 =	vld [tilespmem:s5+$0xFFFFFFF0];
	v8 =	vadd.s32 v1, v6;
	_ =	sdelay $0x1  }
0x30d: {  	v6 =	vshll.u32 v7, $0x1  }
0x30e: {  	v9 =	vand.u32 $0x7F, v7;
	v6 =	vand.u32 $0xFFFFFF00, v6;
	v12 =	vld.idx.msk [tilespmem:v7+s25+$0x0], $0xffff  }
0x30f: {  	s9 =	simm.s32 $0x0;
	v11 =	vld.idx.msk [tilespmem:v7+s24+$0x0], $0xffff;
	v13 =	vor.u32 v9, v6  }
0x310: {  	v6 =	vadd.s32 s9, v10;
	v9 =	vld.idx.msk [tilespmem:v8+s23+$0x0], $0xffff  }
0x311: {  	v15 =	vadd.s32 v1, v6;
	v14 =	vld.idx.msk [tilespmem:v8+s28+$0x0], $0xffff  }
0x312: {  	v16 =	vld.idx.msk [tilespmem:v8+s29+$0x0], $0xffff  }
0x313: {  	v18 =	vshll.u32 v10, $0x1;
	v20 =	vld.idx.msk [tilespmem:v10+s25+$0x0], $0xffff;
	v6 =	vmul.f32 v12, v2  }
0x314: {  	v18 =	vand.u32 $0xFFFFFF00, v18;
	v12 =	vld.idx.msk [tilespmem:v13+s2+$0x0], $0xffff  }
0x315: {  	v17 =	vld.idx.msk [tilespmem:v13+s8+$0x0], $0xffff;
	v11 =	vmul.f32 v11, v9;
	v19 =	vmul.f32 v6, v9;
	v6 =	vand.u32 $0x7F, v10  }
0x316: {  	v18 =	vor.u32 v6, v18;
	v6 =	vld.idx.msk [tilespmem:v15+s23+$0x0], $0xffff  }
0x317: {  	v11 =	vsub.f32 v11, v14;
	v14 =	vadd.f32 v19, v16;
	v16 =	vld.idx.msk [tilespmem:v10+s24+$0x0], $0xffff;
	_ =	sdelay $0x1  }
0x318: {  	v11 =	vadd.f32 v12, v11;
	v12 =	vld.idx.msk [tilespmem:v15+s28+$0x0], $0xffff  }
0x319: {  	v19 =	vld.idx.msk [tilespmem:v15+s29+$0x0], $0xffff;
	v17 =	vadd.f32 v14, v17  }
0x31a: {  	v20 =	vmul.f32 v20, v2;
	v14 =	vand.u32 $0x7FFFFFFF, v11;
	v22 =	vld.idx.msk [tilespmem:v18+s2+$0x0], $0xffff  }
0x31b: {  	v21 =	vand.u32 $0x7FFFFFFF, v17;
	v14 =	vadd.f32 v14, v14;
	v16 =	vmul.f32 v16, v6  }
0x31c: {  	v23 =	vld.idx.msk [tilespmem:v18+s8+$0x0], $0xffff;
	v21 =	vadd.f32 v21, v21  }
0x31d: {  	v20 =	vmul.f32 v20, v6;
	v14 =	vmul.f32 $1.442695020e+00, v14;
	v12 =	vsub.f32 v16, v12  }
0x31e: {  	v7 =	vld.idx.msk [tilespmem:v7+s26+$0x0], $0xffff;
	v21 =	vmul.f32 $1.442695020e+00, v21  }
0x31f: {  	s12 =	simm.s32 $0xEB0;
	v10 =	vld.idx.msk [tilespmem:v10+s26+$0x0], $0xffff;
	v16 =	vadd.f32 v20, v19;
	(erf) = vpow2.f32 v14;
	v20 =	vadd.f32 v22, v12  }
0x320: {  	v14 =	vld [tilespmem:s12+$0x0];
	(erf) = vpow2.f32 v21  }
0x321: {  	v12 =	vld.idx.msk [tilespmem:v15+s30+$0x0], $0xffff;
	v15 =	vadd.f32 v16, v23;
	v16 =	vand.u32 $0x7FFFFFFF, v20  }
0x322: {  	v16 =	vadd.f32 v16, v16;
	_ =	sdelay $0x1  }
0x323: {  	s14 =	simm.s32 $0x30;
	v10 =	vmul.f32 v10, v6;
	v19 =	vand.u32 $0x7FFFFFFF, v15;
	v16 =	vmul.f32 $1.442695020e+00, v16  }
0x324: {  	v7 =	vmul.f32 v7, v9;
	v21 =	vld [tilespmem:s12+$0xFFFFFFF0];
	v19 =	vadd.f32 v19, v19;
	v22 =	vadd.s32 s14, v14  }
0x325: {  	vm11 =	vgt.f32 v11, $0.0e+00;
	v23 =	vadd.f32 v12, v10;
	v10 =	vadd.s32 v1, v22  }
0x326: {  	v32 =	vand.u32 $0x80000000, v17;
	vm12 =	vlt.f32 v17, $0.0e+00;
	v24 =	vand.u32 $0x80000000, v20  }
0x327: {  	v18 =	vld.idx.msk [tilespmem:v18+s7+$0x0], $0xffff;
	vm3 =	vlt.f32 v20, $0.0e+00;
	v12 =	vmul.f32 $1.442695020e+00, v19;
	(erf) = vpow2.f32 v16;
	v16 =	vpop (erf)  }
0x328: {  	vm4 =	vgt.f32 v20, $0.0e+00;
	v29 =	vshll.u32 v14, $0x1;
	v26 =	vld.idx.msk [tilespmem:v14+s24+$0x0], $0xffff;
	v16 =	vadd.f32 $1.000000000e+00, v16;
	v19 =	vpop (erf)  }
0x329: {  	v27 =	vshll.u32 v21, $0x1;
	v28 =	vld.idx.msk [tilespmem:v14+s25+$0x0], $0xffff;
	(erf) = vpow2.f32 v12;
	v12 =	vadd.f32 $1.000000000e+00, v19  }
0x32a: {  	v29 =	vand.u32 $0xFFFFFF00, v29;
	v19 =	vld.idx.msk [tilespmem:v10+s23+$0x0], $0xffff;
	(erf) = vrcp.f32 v16;
	v16 =	vand.u32 $0x7F, v21  }
0x32b: {  	(erf) = vrcp.f32 v12;
	v12 =	vand.u32 $0xFFFFFF00, v27;
	v27 =	vld.idx.msk [tilespmem:v8+s30+$0x0], $0xffff;
	v8 =	vand.u32 $0x7F, v14  }
0x32c: {  	s15 =	simm.s32 $0x20;
	vm5 =	vlt.f32 v15, $0.0e+00;
	v30 =	vor.u32 v16, v12;
	v16 =	vld.idx.msk [tilespmem:v10+s28+$0x0], $0xffff;
	v12 =	vor.u32 v8, v29  }
0x32d: {  	vm6 =	vgt.f32 v15, $0.0e+00;
	v25 =	vadd.s32 s15, v21;
	v8 =	vor.u32 v24, v5;
	v24 =	vld.idx.msk [tilespmem:v10+s29+$0x0], $0xffff  }
0x32e: {  	v22 =	vand.u32 $0x80000000, v15;
	v25 =	vadd.s32 v1, v25;
	v28 =	vmul.f32 v28, v2  }
0x32f: {  	vm3 =	vmor vm4, vm3;
	v22 =	vor.u32 v22, v5;
	v26 =	vmul.f32 v26, v19  }
0x330: {  	v34 =	vld.idx.msk [tilespmem:v21+s24+$0x0], $0xffff;
	v20 =	vsel vm3, v8, v20;
	v8 =	vadd.f32 v18, v23;
	v18 =	vmul.f32 v28, v19  }
0x331: {  	vm13 =	vgt.f32 v17, $0.0e+00;
	vm10 =	vmor vm6, vm5;
	v29 =	vpop (erf);
	v16 =	vsub.f32 v26, v16;
	v26 =	vld.idx.msk [tilespmem:v12+s2+$0x0], $0xffff  }
0x332: {  	v32 =	vor.u32 v32, v5;
	v15 =	vsel vm10, v22, v15;
	v22 =	vpop (erf);
	v18 =	vadd.f32 v18, v24;
	v24 =	vld.idx.msk [tilespmem:v12+s8+$0x0], $0xffff  }
0x333: {  	vm14 =	vmor vm13, vm12;
	v23 =	vadd.f32 $1.000000000e+00, v29;
	v27 =	vadd.f32 v27, v7;
	v7 =	vld.idx.msk [tilespmem:v25+s23+$0x0], $0xffff;
	v29 =	vpop (erf)  }
0x334: {  	v13 =	vld.idx.msk [tilespmem:v13+s7+$0x0], $0xffff;
	v17 =	vsel vm14, v32, v17;
	vm3 =	vlt.f32 v11, $0.0e+00;
	v33 =	vpop (erf);
	v29 =	vadd.f32 v29, v29  }
0x335: {  	v31 =	vld.idx.msk [tilespmem:v21+s25+$0x0], $0xffff;
	v28 =	vand.u32 $0x80000000, v11;
	vm3 =	vmor vm11, vm3;
	v33 =	vadd.f32 v33, v33  }
0x336: {  	v35 =	vld.idx.msk [tilespmem:v25+s28+$0x0], $0xffff;
	v28 =	vor.u32 v28, v5;
	v29 =	vsub.f32 $1.000000000e+00, v29;
	v16 =	vadd.f32 v26, v16  }
0x337: {  	v11 =	vsel vm3, v28, v11;
	v24 =	vadd.f32 v18, v24;
	v33 =	vsub.f32 $1.000000000e+00, v33  }
0x338: {  	v49 =	vmul.f32 v34, v7;
	v18 =	vld.idx.msk [tilespmem:v30+s2+$0x0], $0xffff;
	v11 =	vmul.f32 v29, v11;
	v28 =	vand.u32 $0x7FFFFFFF, v16  }
0x339: {  	v26 =	vld.idx.msk [tilespmem:v25+s29+$0x0], $0xffff;
	v48 =	vand.u32 $0x7FFFFFFF, v24;
	v28 =	vadd.f32 v28, v28;
	v17 =	vmul.f32 v33, v17  }
0x33a: {  	v31 =	vmul.f32 v31, v2;
	v13 =	vadd.f32 v13, v27;
	v32 =	vadd.f32 v48, v48  }
0x33b: {  	v29 =	vld.idx.msk [tilespmem:v30+s8+$0x0], $0xffff;
	v28 =	vmul.f32 $1.442695020e+00, v28;
	v11 =	vadd.f32 v17, v11;
	v17 =	vsub.f32 v49, v35  }
0x33c: {  	v21 =	vld.idx.msk [tilespmem:v21+s26+$0x0], $0xffff;
	v27 =	vmul.f32 v31, v7;
	v31 =	vmul.f32 $1.442695020e+00, v32  }
0x33d: {  	s16 =	simm.s32 $0xED0;
	v25 =	vld.idx.msk [tilespmem:v25+s30+$0x0], $0xffff;
	(erf) = vpow2.f32 v28;
	v11 =	vadd.f32 v11, v13;
	v17 =	vadd.f32 v18, v17  }
0x33e: {  	v22 =	vadd.f32 $1.000000000e+00, v22;
	v26 =	vadd.f32 v27, v26;
	v27 =	vld [tilespmem:s16+$0xFFFFFFF0];
	(erf) = vpow2.f32 v31  }
0x33f: {  	v13 =	vld [tilespmem:s16+$0x0];
	(erf) = vrcp.f32 v23;
	v23 =	vadd.f32 v11, v9;
	v9 =	vand.u32 $0x7FFFFFFF, v17  }
0x340: {  	vm12 =	vgt.f32 v16, $0.0e+00;
	v26 =	vadd.f32 v26, v29;
	v9 =	vadd.f32 v9, v9  }
0x341: {  	v57 =	vand.u32 $0x80000000, v24;
	v18 =	vmul.f32 v21, v7;
	(erf) = vrcp.f32 v22  }
0x342: {  	vm13 =	vlt.f32 v24, $0.0e+00;
	v11 =	vand.u32 $0x7FFFFFFF, v26;
	v9 =	vmul.f32 $1.442695020e+00, v9  }
0x343: {  	s0 =	simm.s32 $0x50;
	s17 =	simm.s32 $0x40;
	v18 =	vadd.f32 v25, v18;
	v21 =	vand.u32 $0x80000000, v17;
	v11 =	vadd.f32 v11, v11  }
0x344: {  	v29 =	vadd.s32 s17, v27;
	v31 =	vshll.u32 v27, $0x1;
	v25 =	vadd.s32 s0, v13  }
0x345: {  	v31 =	vand.u32 $0xFFFFFF00, v31;
	v28 =	vmul.f32 $1.442695020e+00, v11;
	v11 =	vadd.s32 v1, v25  }
0x346: {  	v25 =	vadd.s32 v1, v29;
	v29 =	vld.idx.msk [tilespmem:v30+s7+$0x0], $0xffff;
	v30 =	vand.u32 $0x7F, v27;
	(erf) = vpow2.f32 v9;
	v9 =	vpop (erf)  }
0x347: {  	vm3 =	vlt.f32 v17, $0.0e+00;
	v50 =	vor.u32 v30, v31;
	v30 =	vld.idx.msk [tilespmem:v14+s26+$0x0], $0xffff;
	v9 =	vadd.f32 $1.000000000e+00, v9;
	v14 =	vpop (erf)  }
0x348: {  	vm15 =	vgt.f32 v17, $0.0e+00;
	(erf) = vpow2.f32 v28;
	v14 =	vadd.f32 $1.000000000e+00, v14  }
0x349: {  	v54 =	vld.idx.msk [tilespmem:v10+s30+$0x0], $0xffff;
	vm9 =	vlt.f32 v26, $0.0e+00;
	vm10 =	vgt.f32 v26, $0.0e+00;
	v28 =	vpop (erf);
	(erf) = vrcp.f32 v9  }
0x34a: {  	v22 =	vand.u32 $0x80000000, v26;
	v31 =	vld.idx.msk [tilespmem:v13+s24+$0x0], $0xffff;
	v28 =	vadd.f32 v28, v28;
	v52 =	vpop (erf);
	(erf) = vrcp.f32 v14  }
0x34b: {  	v53 =	vor.u32 v22, v5;
	v22 =	vshll.u32 v13, $0x1;
	v9 =	vld.idx.msk [tilespmem:v11+s23+$0x0], $0xffff;
	v14 =	vadd.f32 v52, v52  }
0x34c: {  	v22 =	vand.u32 $0xFFFFFF00, v22;
	v51 =	vld.idx.msk [tilespmem:v13+s25+$0x0], $0xffff;
	v10 =	vsub.f32 $1.000000000e+00, v28;
	v28 =	vand.u32 $0x7F, v13  }
0x34d: {  	v21 =	vor.u32 v21, v5;
	v36 =	vld.idx.msk [tilespmem:v11+s28+$0x0], $0xffff;
	v37 =	vsub.f32 $1.000000000e+00, v14;
	v14 =	vor.u32 v28, v22  }
0x34e: {  	vm14 =	vgt.f32 v24, $0.0e+00;
	vm3 =	vmor vm15, vm3;
	vm11 =	vmor vm10, vm9  }
0x34f: {  	v59 =	vld.idx.msk [tilespmem:v12+s7+$0x0], $0xffff;
	v18 =	vadd.f32 v29, v18;
	v20 =	vmul.f32 v10, v20;
	v15 =	vmul.f32 v37, v15  }
0x350: {  	v30 =	vmul.f32 v30, v19;
	v28 =	vld.idx.msk [tilespmem:v11+s29+$0x0], $0xffff;
	v10 =	vsel vm3, v21, v17;
	v21 =	vpop (erf);
	v29 =	vmul.f32 v31, v9  }
0x351: {  	v39 =	vld.idx.msk [tilespmem:v27+s24+$0x0], $0xffff;
	v17 =	vmul.f32 v51, v2;
	v22 =	vadd.f32 $1.000000000e+00, v21;
	v31 =	vpop (erf);
	v21 =	vadd.f32 v15, v20  }
0x352: {  	v15 =	vsel vm11, v53, v26;
	v26 =	vsub.f32 v29, v36;
	v29 =	vadd.f32 v54, v30;
	v30 =	vld.idx.msk [tilespmem:v14+s2+$0x0], $0xffff;
	v55 =	vpop (erf)  }
0x353: {  	v35 =	vor.u32 v57, v5;
	vm15 =	vmor vm14, vm13;
	v12 =	vld.idx.msk [tilespmem:v25+s23+$0x0], $0xffff;
	v17 =	vmul.f32 v17, v9;
	v58 =	vpop (erf)  }
0x354: {  	vm3 =	vlt.f32 v16, $0.0e+00;
	v56 =	vld.idx.msk [tilespmem:v14+s8+$0x0], $0xffff;
	v33 =	vadd.f32 v55, v55;
	v36 =	vadd.f32 v58, v58  }
0x355: {  	vm3 =	vmor vm12, vm3;
	v20 =	vld.idx.msk [tilespmem:v27+s25+$0x0], $0xffff;
	v28 =	vadd.f32 v17, v28;
	v17 =	vand.u32 $0x80000000, v16  }
0x356: {  	v38 =	vor.u32 v17, v5;
	v33 =	vsub.f32 $1.000000000e+00, v33;
	v36 =	vsub.f32 $1.000000000e+00, v36  }
0x357: {  	v24 =	vsel vm15, v35, v24;
	v40 =	vld.idx.msk [tilespmem:v25+s28+$0x0], $0xffff;
	v17 =	vadd.f32 v30, v26;
	v26 =	vsel vm3, v38, v16  }
0x358: {  	v60 =	vld.idx.msk [tilespmem:v25+s29+$0x0], $0xffff;
	v26 =	vmul.f32 v33, v26;
	v24 =	vmul.f32 v36, v24  }
0x359: {  	v61 =	vmul.f32 v39, v12;
	v16 =	vadd.f32 v28, v56;
	v28 =	vld.idx.msk [tilespmem:v27+s26+$0x0], $0xffff  }
0x35a: {  	v20 =	vmul.f32 v20, v2;
	v27 =	vand.u32 $0x7FFFFFFF, v17;
	v33 =	vadd.f32 v24, v26;
	v24 =	vld.idx.msk [tilespmem:v50+s2+$0x0], $0xffff  }
0x35b: {  	v29 =	vadd.f32 v59, v29;
	v30 =	vand.u32 $0x7FFFFFFF, v16;
	v27 =	vadd.f32 v27, v27;
	v26 =	vld.idx.msk [tilespmem:v50+s8+$0x0], $0xffff  }
0x35c: {  	v25 =	vld.idx.msk [tilespmem:v25+s30+$0x0], $0xffff;
	v20 =	vmul.f32 v20, v12;
	v62 =	vadd.f32 v30, v30  }
0x35d: {  	v30 =	vsub.f32 v61, v40;
	v63 =	vmul.f32 $1.442695020e+00, v27;
	v33 =	vadd.f32 v33, v29  }
0x35e: {  	s1 =	simm.s32 $0x9B10;
	v27 =	vadd.f32 $1.000000000e+00, v31;
	v31 =	vadd.f32 v20, v60;
	v29 =	vmul.f32 $1.442695020e+00, v62  }
0x35f: {  	s3 =	simm.s32 $0x9B10;
	s4 =	simm.s32 $0x4;
	s5 =	simm.s32 $0xEF0;
	[tilespmem:s1+$0x0] =	vst v23;
	v20 =	vld.idx.msk [tilespmem:v50+s7+$0x0], $0xffff;
	v28 =	vmul.f32 v28, v12;
	(erf) = vpow2.f32 v63;
	v23 =	vadd.f32 v33, v19  }
.LBB3_18:
0x360: {  	v32 =	vld [tilespmem:s5+$0x0];
	v24 =	vadd.f32 v24, v30;
	v26 =	vadd.f32 v31, v26;
	(erf) = vpow2.f32 v29;
	s1 =	sadd.s32 $0x20, s1  }
0x361: {  	v21 =	vadd.f32 v21, v8;
	v8 =	vmovc v18;
	v19 =	vld [tilespmem:s5+$0xFFFFFFF0];
	v25 =	vadd.f32 v25, v28;
	[tilespmem:s1+$0x0] =	vst v23;
	(erf) = vrcp.f32 v22  }
0x362: {  	v18 =	vand.u32 $0x7FFFFFFF, v24;
	v22 =	vand.u32 $0x7FFFFFFF, v26;
	(erf) = vrcp.f32 v27  }
0x363: {  	v23 =	vand.u32 $0x80000000, v24;
	v18 =	vadd.f32 v18, v18;
	v22 =	vadd.f32 v22, v22  }
0x364: {  	s0 =	sadd.s32 $0x20, s0;
	vm4 =	vlt.f32 v24, $0.0e+00;
	vm5 =	vgt.f32 v24, $0.0e+00;
	v27 =	vand.u32 $0x80000000, v26  }
0x365: {  	s4 =	sadd.s32 $0x2, s4;
	s6 =	sadd.s32 $0xFFFFFFF0, s0;
	v28 =	vadd.s32 s0, v32;
	v18 =	vmul.f32 $1.442695020e+00, v18;
	v22 =	vmul.f32 $1.442695020e+00, v22  }
0x366: {  	p0 =	slt.u32 s4, $0x9A;
	v29 =	vadd.s32 s6, v19;
	v30 =	vshll.u32 v19, $0x1;
	v28 =	vadd.s32 v1, v28  }
0x367: {  	v31 =	vand.u32 $0x7F, v19;
	v29 =	vadd.s32 v1, v29;
	v30 =	vand.u32 $0xFFFFFF00, v30  }
0x368: {  	vm3 =	vlt.f32 v26, $0.0e+00;
	v30 =	vor.u32 v31, v30;
	v31 =	vld.idx.msk [tilespmem:v13+s26+$0x0], $0xffff;
	(erf) = vpow2.f32 v18;
	v13 =	vpop (erf)  }
0x369: {  	vm6 =	vgt.f32 v26, $0.0e+00;
	v33 =	vld.idx.msk [tilespmem:v32+s24+$0x0], $0xffff;
	v36 =	vadd.f32 $1.000000000e+00, v13;
	(erf) = vpow2.f32 v22;
	v18 =	vpop (erf)  }
0x36a: {  	v23 =	vor.u32 v23, v5;
	vm4 =	vmor vm5, vm4;
	v22 =	vld.idx.msk [tilespmem:v32+s25+$0x0], $0xffff;
	v18 =	vadd.f32 $1.000000000e+00, v18;
	v34 =	vpop (erf)  }
0x36b: {  	v27 =	vor.u32 v27, v5;
	v35 =	vld.idx.msk [tilespmem:v28+s23+$0x0], $0xffff;
	(erf) = vrcp.f32 v36;
	v34 =	vadd.f32 v34, v34;
	v13 =	vpop (erf)  }
0x36c: {  	v36 =	vshll.u32 v32, $0x1;
	v37 =	vld.idx.msk [tilespmem:v11+s30+$0x0], $0xffff;
	(erf) = vrcp.f32 v18;
	v18 =	vadd.f32 v13, v13;
	v13 =	vmovc v32;
	v11 =	vmovc v28  }
0x36d: {  	v36 =	vand.u32 $0xFFFFFF00, v36;
	v32 =	vand.u32 $0x7F, v13;
	v38 =	vld.idx.msk [tilespmem:v28+s28+$0x0], $0xffff;
	v34 =	vsub.f32 $1.000000000e+00, v34  }
0x36e: {  	vm3 =	vmor vm6, vm3;
	v32 =	vor.u32 v32, v36;
	v28 =	vld.idx.msk [tilespmem:v28+s29+$0x0], $0xffff;
	v36 =	vsub.f32 $1.000000000e+00, v18  }
0x36f: {  	v26 =	vsel vm3, v27, v26;
	v39 =	vld.idx.msk [tilespmem:v19+s25+$0x0], $0xffff;
	v27 =	vmul.f32 v34, v10;
	v10 =	vsel vm4, v23, v24  }
0x370: {  	v18 =	vadd.f32 v20, v25;
	v22 =	vmul.f32 v22, v2;
	v23 =	vld.idx.msk [tilespmem:v29+s23+$0x0], $0xffff;
	v40 =	vmul.f32 v36, v15  }
0x371: {  	v6 =	vadd.f32 v21, v6;
	v41 =	vmul.f32 v31, v9;
	v20 =	vmul.f32 v33, v35;
	v34 =	vld.idx.msk [tilespmem:v19+s24+$0x0], $0xffff;
	v25 =	vpop (erf)  }
0x372: {  	v33 =	vmul.f32 v22, v35;
	v31 =	vld.idx.msk [tilespmem:v29+s28+$0x0], $0xffff;
	v22 =	vadd.f32 $1.000000000e+00, v25;
	v36 =	vpop (erf);
	v21 =	vadd.f32 v40, v27  }
0x373: {  	v15 =	vmov v26;
	v20 =	vsub.f32 v20, v38;
	v27 =	vadd.f32 v37, v41;
	v25 =	vld.idx.msk [tilespmem:v32+s2+$0x0], $0xffff;
	[tilespmem:s3+$0xFFFFFFF0] =	vst v6;
	s3 =	smov.u32 s1  }
0x374: {  	vm3 =	vlt.f32 v17, $0.0e+00;
	v28 =	vadd.f32 v33, v28;
	v6 =	vand.u32 $0x80000000, v17;
	v33 =	vld.idx.msk [tilespmem:v32+s8+$0x0], $0xffff;
	v24 =	vpop (erf)  }
0x375: {  	vm5 =	vlt.f32 v16, $0.0e+00;
	vm4 =	vgt.f32 v17, $0.0e+00;
	v26 =	vand.u32 $0x80000000, v16;
	v37 =	vld.idx.msk [tilespmem:v14+s7+$0x0], $0xffff;
	v14 =	vpop (erf)  }
0x376: {  	vm6 =	vgt.f32 v16, $0.0e+00;
	v40 =	vadd.f32 v24, v24;
	v38 =	vld.idx.msk [tilespmem:v29+s29+$0x0], $0xffff;
	v41 =	vadd.f32 v14, v14;
	v14 =	vmovc v32  }
0x377: {  	vm3 =	vmor vm4, vm3;
	v42 =	vor.u32 v26, v5;
	v32 =	vor.u32 v6, v5;
	v6 =	vmovc v7;
	v24 =	vld.idx.msk [tilespmem:v30+s2+$0x0], $0xffff  }
0x378: {  	vm4 =	vmor vm6, vm5;
	v7 =	vmovc v12;
	v12 =	vmovc v23;
	v40 =	vsub.f32 $1.000000000e+00, v40;
	v26 =	vld.idx.msk [tilespmem:v30+s8+$0x0], $0xffff;
	v41 =	vsub.f32 $1.000000000e+00, v41  }
0x379: {  	v23 =	vsel vm3, v32, v17;
	v17 =	vadd.f32 v25, v20;
	v20 =	vsel vm4, v42, v16;
	v19 =	vld.idx.msk [tilespmem:v19+s26+$0x0], $0xffff  }
0x37a: {  	v16 =	vadd.f32 v28, v33;
	v23 =	vmul.f32 v40, v23;
	v25 =	vld.idx.msk [tilespmem:v29+s30+$0x0], $0xffff;
	v28 =	vmul.f32 v41, v20  }
0x37b: {  	v29 =	vmul.f32 v39, v2;
	v32 =	vadd.f32 v37, v27;
	v20 =	vld.idx.msk [tilespmem:v30+s7+$0x0], $0xffff;
	v30 =	vand.u32 $0x7FFFFFFF, v17  }
.Ltmp8:
0x37c: {  	v27 =	vadd.f32 v30, v30;
	v30 =	vand.u32 $0x7FFFFFFF, v16;
	v23 =	vadd.f32 v28, v23;
	(pc) =	sbr.rel @p0 .LBB3_18-.Ltmp8, $4  }
0x37d: {  	v28 =	vmul.f32 v34, v12;
	v29 =	vmul.f32 v29, v12;
	v33 =	vadd.f32 v30, v30  }
0x37e: {  	v34 =	vmul.f32 $1.442695020e+00, v27;
	v27 =	vadd.f32 $1.000000000e+00, v36;
	v23 =	vadd.f32 v23, v32  }
0x37f: {  	v30 =	vsub.f32 v28, v31;
	v31 =	vadd.f32 v29, v38;
	v29 =	vmul.f32 $1.442695020e+00, v33  }
0x380: {  	s5 =	sadd.s32 $0x20, s5;
	v28 =	vmul.f32 v19, v12;
	(erf) = vpow2.f32 v34;
	v23 =	vadd.f32 v23, v9;
	v9 =	vmovc v35  }
0x381: {  	v19 =	vadd.f32 v24, v30  }
0x382: {  	v61 =	vadd.f32 v31, v26  }
0x383: {  	v62 =	vand.u32 $0x7FFFFFFF, v19  }
0x384: {  	v63 =	vand.u32 $0x7FFFFFFF, v61;
	v26 =	vadd.f32 v62, v62  }
0x385: {  	(erf) = vpow2.f32 v29;
	v33 =	vadd.f32 v63, v63  }
0x386: {  	(erf) = vrcp.f32 v22;
	v34 =	vmul.f32 $1.442695020e+00, v26  }
0x387: {  	(erf) = vrcp.f32 v27;
	v35 =	vmul.f32 $1.442695020e+00, v33  }
0x388: {  	(erf) = vpow2.f32 v34  }
0x389: {  	(erf) = vpow2.f32 v35;
	_ =	sdelay $0x3  }
0x38a: {  	v36 =	vpop (erf)  }
0x38b: {  	v37 =	vpop (erf)  }
0x38c: {  	v38 =	vpop (erf)  }
0x38d: {  	v22 =	vadd.f32 $1.000000000e+00, v36;
	v39 =	vpop (erf)  }
0x38e: {  	v8 =	vadd.f32 v21, v8;
	v26 =	vadd.f32 $1.000000000e+00, v37;
	v40 =	vpop (erf)  }
0x38f: {  	v13 =	vld.idx.msk [tilespmem:v13+s26+$0x0], $0xffff;
	v49 =	vand.u32 $0x80000000, v17;
	(erf) = vrcp.f32 v22;
	v22 =	vadd.f32 $1.000000000e+00, v40;
	v41 =	vpop (erf)  }
0x390: {  	vm14 =	vgt.f32 v17, $0.0e+00;
	(erf) = vrcp.f32 v26;
	v42 =	vadd.f32 $1.000000000e+00, v41  }
0x391: {  	v11 =	vld.idx.msk [tilespmem:v11+s30+$0x0], $0xffff;
	v51 =	vand.u32 $0x80000000, v16;
	vm15 =	vlt.f32 v16, $0.0e+00;
	(erf) = vrcp.f32 v22  }
0x392: {  	v25 =	vadd.f32 v25, v28;
	v24 =	vor.u32 v51, v5;
	(erf) = vrcp.f32 v42  }
0x393: {  	v43 =	vand.u32 $0x80000000, v19;
	vm3 =	vlt.f32 v19, $0.0e+00;
	vm4 =	vgt.f32 v19, $0.0e+00  }
0x394: {  	vm3 =	vmor vm4, vm3;
	v45 =	vor.u32 v43, v5;
	v13 =	vmul.f32 v13, v9  }
0x395: {  	v44 =	vand.u32 $0x80000000, v61;
	v19 =	vsel vm3, v45, v19;
	vm3 =	vlt.f32 v17, $0.0e+00  }
0x396: {  	vm3 =	vmor vm14, vm3;
	v11 =	vadd.f32 v11, v13;
	v13 =	vor.u32 v49, v5  }
0x397: {  	vm5 =	vlt.f32 v61, $0.0e+00;
	vm13 =	vgt.f32 v61, $0.0e+00;
	v13 =	vsel vm3, v13, v17  }
0x398: {  	vm3 =	vgt.f32 v16, $0.0e+00;
	v46 =	vadd.f32 v38, v38;
	v47 =	vadd.f32 v39, v39;
	v50 =	vpop (erf)  }
0x399: {  	v6 =	vadd.f32 v8, v6;
	vm4 =	vmor vm13, vm5;
	vm3 =	vmor vm3, vm15;
	v52 =	vpop (erf)  }
0x39a: {  	v26 =	vsub.f32 $1.000000000e+00, v46;
	v27 =	vsub.f32 $1.000000000e+00, v47;
	v22 =	vor.u32 v44, v5;
	v53 =	vpop (erf)  }
0x39b: {  	v48 =	vsel vm4, v22, v61;
	v22 =	vadd.f32 v50, v50;
	v28 =	vadd.f32 v52, v52;
	v54 =	vpop (erf)  }
0x39c: {  	v14 =	vld.idx.msk [tilespmem:v14+s7+$0x0], $0xffff;
	v55 =	vsel vm3, v24, v16;
	v17 =	vadd.f32 v53, v53;
	v29 =	vadd.f32 v54, v54  }
0x39d: {  	v10 =	vmul.f32 v26, v10;
	v22 =	vsub.f32 $1.000000000e+00, v22;
	v28 =	vsub.f32 $1.000000000e+00, v28  }
0x39e: {  	v15 =	vmul.f32 v27, v15;
	v17 =	vsub.f32 $1.000000000e+00, v17;
	v56 =	vsub.f32 $1.000000000e+00, v29  }
0x39f: {  	v59 =	vadd.f32 v20, v25;
	v13 =	vmul.f32 v22, v13;
	v16 =	vmul.f32 v28, v55  }
0x3a0: {  	v10 =	vadd.f32 v15, v10;
	v57 =	vmul.f32 v17, v19;
	v58 =	vmul.f32 v56, v48  }
0x3a1: {  	v11 =	vadd.f32 v14, v11;
	v13 =	vadd.f32 v16, v13  }
0x3a2: {  	v61 =	vadd.f32 v10, v18;
	v60 =	vadd.f32 v58, v57  }
0x3a3: {  	v11 =	vadd.f32 v13, v11  }
0x3a4: {  	s0 =	sadd.s32 $0x20, s1;
	[tilespmem:s3+$0xFFFFFFF0] =	vst v6;
	v6 =	vadd.f32 v61, v7;
	v63 =	vadd.f32 v60, v59  }
0x3a5: {  	[tilespmem:s0+$0x0] =	vst v23;
	v62 =	vadd.f32 v11, v9  }
0x3a6: {  	s1 =	sadd.s32 $0x20, s0;
	[tilespmem:s0+$0xFFFFFFF0] =	vst v6;
	v7 =	vadd.f32 v63, v12  }
0x3a7: {  	[tilespmem:s1+$0x0] =	vst v62  }
0x3a8: {  	s0 =	simm.s32 $0x7740;
	[tilespmem:s1+$0xFFFFFFF0] =	vst v7  }
0x3a9: {  	[tilespmem:s0+$0xFFFFFFD0] =	vst v0  }
0x3aa: {  	[tilespmem:s0+$0x0] =	vst v0  }
0x3ab: {  	[tilespmem:s0+$0xFFFFFFC0] =	vst v0  }
0x3ac: {  	[tilespmem:s0+$0x30] =	vst v0  }
0x3ad: {  	[tilespmem:s0+$0xFFFFFFF0] =	vst v0  }
0x3ae: {  	[tilespmem:s0+$0xFFFFFFE0] =	vst v0  }
0x3af: {  	[tilespmem:s0+$0x10] =	vst v0  }
0x3b0: {  	s3 =	simm.s32 $0x8240;
	[tilespmem:s0+$0x20] =	vst v0  }
0x3b1: {  	[tilespmem:s3+$0xFFFFFFC0] =	vst v0  }
0x3b2: {  	[tilespmem:s3+$0x30] =	vst v0  }
0x3b3: {  	[tilespmem:s3+$0x0] =	vst v0  }
0x3b4: {  	[tilespmem:s3+$0x20] =	vst v0  }
0x3b5: {  	[tilespmem:s3+$0x10] =	vst v0  }
0x3b6: {  	[tilespmem:s3+$0xFFFFFFD0] =	vst v0  }
0x3b7: {  	[tilespmem:s3+$0xFFFFFFE0] =	vst v0  }
0x3b8: {  	p0 =	por $0x1, $0x1;
	s1 =	simm.s32 $0x8D40;
	[tilespmem:s3+$0xFFFFFFF0] =	vst v0  }
.Ltmp9:
0x3b9: {  	[tilespmem:s1+$0xFFFFFFC0] =	vst v0;
	(pc) =	sbr.rel @!p0 .LBB3_21-.Ltmp9, $4  }
0x3ba: {  	[tilespmem:s1+$0x30] =	vst v0  }
0x3bb: {  	[tilespmem:s1+$0x20] =	vst v0  }
0x3bc: {  	[tilespmem:s1+$0x10] =	vst v0  }
0x3bd: {  	s4 =	simm.s32 $0x0;
	s5 =	simm.s32 $0x8DC0;
	[tilespmem:s1+$0xFFFFFFD0] =	vst v0  }
.LBB3_20:
0x3be: {  	s4 =	sadd.s32 $0x8, s4;
	[tilespmem:s1+$0xFFFFFFE0] =	vst v0;
	s0 =	sadd.s32 $0x80, s0;
	s3 =	sadd.s32 $0x80, s3  }
0x3bf: {  	p0 =	slt.u32 s4, $0xA0;
	[tilespmem:s1+$0x0] =	vst v0  }
0x3c0: {  	[tilespmem:s1+$0xFFFFFFF0] =	vst v0;
	s1 =	smov.u32 s5  }
0x3c1: {  	[tilespmem:s0+$0xFFFFFFD0] =	vst v0  }
0x3c2: {  	[tilespmem:s0+$0x0] =	vst v0  }
0x3c3: {  	[tilespmem:s0+$0xFFFFFFC0] =	vst v0  }
0x3c4: {  	[tilespmem:s3+$0xFFFFFFC0] =	vst v0  }
0x3c5: {  	[tilespmem:s5+$0xFFFFFFC0] =	vst v0  }
0x3c6: {  	[tilespmem:s0+$0x30] =	vst v0  }
0x3c7: {  	[tilespmem:s3+$0x30] =	vst v0  }
0x3c8: {  	[tilespmem:s5+$0x30] =	vst v0  }
0x3c9: {  	[tilespmem:s3+$0x0] =	vst v0  }
0x3ca: {  	[tilespmem:s0+$0xFFFFFFF0] =	vst v0  }
0x3cb: {  	[tilespmem:s0+$0xFFFFFFE0] =	vst v0  }
0x3cc: {  	[tilespmem:s0+$0x10] =	vst v0  }
0x3cd: {  	[tilespmem:s0+$0x20] =	vst v0  }
0x3ce: {  	[tilespmem:s3+$0x20] =	vst v0  }
0x3cf: {  	[tilespmem:s5+$0x20] =	vst v0  }
0x3d0: {  	[tilespmem:s3+$0x10] =	vst v0  }
.Ltmp10:
0x3d1: {  	[tilespmem:s5+$0x10] =	vst v0;
	(pc) =	sbr.rel @p0 .LBB3_20-.Ltmp10, $4  }
0x3d2: {  	[tilespmem:s3+$0xFFFFFFD0] =	vst v0  }
0x3d3: {  	[tilespmem:s3+$0xFFFFFFE0] =	vst v0  }
0x3d4: {  	[tilespmem:s5+$0xFFFFFFD0] =	vst v0  }
0x3d5: {  	s5 =	sadd.s32 $0x80, s5;
	[tilespmem:s3+$0xFFFFFFF0] =	vst v0  }
.LBB3_21:
0x3d6: {  	[tilespmem:s1+$0xFFFFFFE0] =	vst v0  }
0x3d7: {  	[tilespmem:s1+$0x0] =	vst v0  }
0x3d8: {  	[tilespmem:s1+$0xFFFFFFF0] =	vst v0  }
0x3d9: {  	[tilespmem:$0x8180] =	vst v0  }
0x3da: {  	[tilespmem:$0x8C80] =	vst v0  }
0x3db: {  	s3 =	simm.s32 $0x9820;
	[tilespmem:$0x9780] =	vst v0  }
0x3dc: {  	[tilespmem:s3+$0xFFFFFFF0] =	vst v0  }
0x3dd: {  	[tilespmem:s3+$0x0] =	vst v0  }
0x3de: {  	[tilespmem:s3+$0x10] =	vst v0  }
0x3df: {  	s0 =	simm.s32 $0x9920;
	[tilespmem:s3+$0xFFFFFFE0] =	vst v0  }
0x3e0: {  	[tilespmem:s0+$0xFFFFFFF0] =	vst v0  }
0x3e1: {  	[tilespmem:s0+$0x0] =	vst v0  }
0x3e2: {  	[tilespmem:s0+$0x10] =	vst v0  }
0x3e3: {  	s1 =	simm.s32 $0x9A20;
	[tilespmem:s0+$0xFFFFFFE0] =	vst v0  }
0x3e4: {  	[tilespmem:s1+$0xFFFFFFF0] =	vst v0  }
0x3e5: {  	[tilespmem:s1+$0x0] =	vst v0  }
0x3e6: {  	[tilespmem:s1+$0x10] =	vst v0  }
0x3e7: {  	s4 =	simm.s32 $0x9860;
	s3 =	simm.s32 $0x0;
	[tilespmem:s1+$0xFFFFFFE0] =	vst v0  }
.LBB3_22:
0x3e8: {  	[tilespmem:s4+$0xFFFFFFF0] =	vst v0;
	s0 =	sadd.s32 $0x40, s0  }
0x3e9: {  	s1 =	sadd.s32 $0x40, s1;
	[tilespmem:s0+$0xFFFFFFF0] =	vst v0  }
0x3ea: {  	[tilespmem:s1+$0xFFFFFFF0] =	vst v0  }
0x3eb: {  	[tilespmem:s4+$0x0] =	vst v0  }
0x3ec: {  	[tilespmem:s0+$0x0] =	vst v0  }
0x3ed: {  	s3 =	sadd.s32 $0x4, s3;
	[tilespmem:s1+$0x0] =	vst v0  }
0x3ee: {  	p0 =	slt.u32 s3, $0x8;
	[tilespmem:s4+$0x10] =	vst v0  }
.Ltmp11:
0x3ef: {  	[tilespmem:s0+$0x10] =	vst v0;
	(pc) =	sbr.rel @p0 .LBB3_22-.Ltmp11, $4  }
0x3f0: {  	[tilespmem:s1+$0x10] =	vst v0  }
0x3f1: {  	[tilespmem:s4+$0xFFFFFFE0] =	vst v0  }
0x3f2: {  	[tilespmem:s0+$0xFFFFFFE0] =	vst v0  }
0x3f3: {  	s4 =	sadd.s32 $0x40, s4;
	[tilespmem:s1+$0xFFFFFFE0] =	vst v0  }
0x3f4: {  	[tilespmem:$0x98C0] =	vst v0  }
0x3f5: {  	[tilespmem:$0x99C0] =	vst v0  }
0x3f6: {  	[tilespmem:$0x9AC0] =	vst v0;
	s0 =	simm.s32 $0xEA0  }
0x3f7: {  	v6 =	vld [tilespmem:s0+$0x10]  }
0x3f8: {  	v7 =	vld [tilespmem:s0+$0xFFFFFFF0]  }
0x3f9: {  	v8 =	vld [tilespmem:s0+$0xFFFFFFE0]  }
0x3fa: {  	s3 =	simm.s32 $0x6264;
	v10 =	vld [tilespmem:s0+$0x0]  }
0x3fb: {  	v12 =	vld [tilespmem:s3+$0x0]  }
0x3fc: {  	s15 =	simm.s32 $0x30;
	s4 =	simm.s32 $0xEE0;
	v14 =	vld [tilespmem:s3+$0xFFFFFFD0]  }
0x3fd: {  	s1 =	simm.s32 $0x0;
	v13 =	vld [tilespmem:s4+$0x10];
	v6 =	vadd.s32 s15, v6  }
0x3fe: {  	v16 =	vld [tilespmem:s4+$0xFFFFFFF0];
	v15 =	vadd.s32 v1, v6;
	v6 =	vadd.s32 s1, v8  }
0x3ff: {  	s5 =	simm.s32 $0x10;
	v18 =	vld [tilespmem:s4+$0x0];
	v17 =	vadd.s32 v1, v6  }
0x400: {  	s0 =	simm.s32 $0x20;
	v8 =	vld [tilespmem:s4+$0xFFFFFFE0];
	v6 =	vadd.s32 s5, v7  }
0x401: {  	s17 =	simm.s32 $0x70;
	v9 =	vld [tilespmem:s3+$0xFFFFFFE0];
	v7 =	vadd.s32 s0, v10;
	v6 =	vadd.s32 v1, v6  }
0x402: {  	s16 =	simm.s32 $0x50;
	v11 =	vld [tilespmem:s3+$0xFFFFFFF0];
	s3 =	simm.s32 $0x62A4;
	v10 =	vadd.s32 s17, v13;
	v7 =	vadd.s32 v1, v7  }
0x403: {  	s6 =	simm.s32 $0x60;
	v13 =	vadd.s32 v1, v10;
	[tilespmem:v15+s23+$0x0] =	vst.idx.msk $0xffff, v12;
	v15 =	vadd.s32 s16, v16;
	v12 =	vld [tilespmem:s3+$0x0]  }
0x404: {  	s9 =	simm.s32 $0xF20;
	s4 =	simm.s32 $0x40;
	s5 =	simm.s32 $0x4;
	v10 =	vld [tilespmem:s3+$0xFFFFFFD0];
	[tilespmem:v17+s23+$0x0] =	vst.idx.msk $0xffff, v14;
	v14 =	vadd.s32 v1, v15;
	v15 =	vadd.s32 s6, v18  }
.LBB3_24:
0x405: {  	v16 =	vld [tilespmem:s9+$0x10];
	s5 =	sadd.s32 $0x4, s5;
	v8 =	vadd.s32 s4, v8;
	v15 =	vadd.s32 v1, v15  }
0x406: {  	v17 =	vld [tilespmem:s9+$0xFFFFFFF0];
	p0 =	slt.u32 s5, $0x98;
	v18 =	vadd.s32 v1, v8;
	[tilespmem:v6+s23+$0x0] =	vst.idx.msk $0xffff, v9;
	v6 =	vmov v14  }
0x407: {  	v19 =	vld [tilespmem:s9+$0x0];
	[tilespmem:v7+s23+$0x0] =	vst.idx.msk $0xffff, v11;
	v7 =	vmov v15  }
.Ltmp12:
0x408: {  	s4 =	sadd.s32 $0x40, s4;
	v8 =	vld [tilespmem:s9+$0xFFFFFFE0];
	[tilespmem:v13+s23+$0x0] =	vst.idx.msk $0xffff, v12;
	(pc) =	sbr.rel @p0 .LBB3_24-.Ltmp12, $4  }
0x409: {  	s6 =	sadd.s32 $0x10, s4;
	s12 =	sadd.s32 $0x20, s4;
	s14 =	sadd.s32 $0x30, s4;
	v9 =	vld [tilespmem:s3+$0xFFFFFFE0]  }
0x40a: {  	v13 =	vadd.s32 s14, v16;
	v11 =	vld [tilespmem:s3+$0xFFFFFFF0];
	s3 =	sadd.s32 $0x40, s3  }
0x40b: {  	v14 =	vadd.s32 s6, v17;
	v12 =	vld [tilespmem:s3+$0x0];
	v13 =	vadd.s32 v1, v13;
	[tilespmem:v18+s23+$0x0] =	vst.idx.msk $0xffff, v10  }
0x40c: {  	s9 =	sadd.s32 $0x40, s9;
	v10 =	vld [tilespmem:s3+$0xFFFFFFD0];
	v14 =	vadd.s32 v1, v14;
	v15 =	vadd.s32 s12, v19  }
0x40d: {  	_ =	sdelay $0x1  }
0x40e: {  	v8 =	vadd.s32 s4, v8;
	v16 =	vld [tilespmem:s3+$0xFFFFFFE0]  }
0x40f: {  	v8 =	vadd.s32 v1, v8  }
0x410: {  	v15 =	vadd.s32 v1, v15;
	[tilespmem:v6+s23+$0x0] =	vst.idx.msk $0xffff, v9;
	v6 =	vld [tilespmem:s3+$0xFFFFFFF0]  }
0x411: {  	[tilespmem:v7+s23+$0x0] =	vst.idx.msk $0xffff, v11  }
0x412: {  	[tilespmem:v13+s23+$0x0] =	vst.idx.msk $0xffff, v12  }
0x413: {  	s9 =	sand.u32 $0x60, s1;
	[tilespmem:v14+s23+$0x0] =	vst.idx.msk $0xffff, v16  }
0x414: {  	s12 =	sand.u32 $0xF00, s1;
	s5 =	sor.u32 $0x10, s9;
	[tilespmem:v8+s23+$0x0] =	vst.idx.msk $0xffff, v10  }
0x415: {  	s14 =	sand.u32 $0x780, s1;
	s6 =	sor.u32 s5, s12;
	[tilespmem:v15+s23+$0x0] =	vst.idx.msk $0xffff, v6  }
0x416: {  	s1 =	sor.u32 s14, s5;
	v16 =	vld [tilespmem:s6+$0x1900]  }
0x417: {  	v6 =	vld [tilespmem:s1+$0x780]  }
0x418: {  	v7 =	vld [tilespmem:s6+$0x2700]  }
0x419: {  	v8 =	vld [tilespmem:s1+$0x80]  }
0x41a: {  	v9 =	vld [tilespmem:s6+$0x4300]  }
0x41b: {  	v15 =	vld [tilespmem:s6+$0x3500]  }
0x41c: {  	s15 =	simm.s32 $0x80;
	v12 =	vmul.u32 $0xD, v6  }
0x41d: {  	s16 =	simm.s32 $0x780;
	v14 =	vld [tilespmem:s15+$0x0]  }
0x41e: {  	v17 =	vld [tilespmem:s16+$0x0];
	v11 =	vmul.u32 $0xD, v8  }
0x41f: {  	v10 =	vadd.f32 v9, v7;
	[tilespmem:v6+s24+$0x0] =	vst.idx.add.f32.msk $0xffff, v16  }
0x420: {  	[tilespmem:v6+s25+$0x0] =	vst.idx.add.f32.msk $0xffff, v15  }
0x421: {  	[tilespmem:v8+s26+$0x0] =	vst.idx.add.f32.msk $0xffff, v10  }
0x422: {  	s17 =	sor.u32 s9, s12;
	v10 =	vld.idx.msk [tilespmem:v12+s23+$0x0], $0xffff  }
0x423: {  	v8 =	vld [tilespmem:s17+$0x1900]  }
0x424: {  	v13 =	vld.idx.msk [tilespmem:v11+s23+$0x0], $0xffff  }
0x425: {  	v18 =	vld [tilespmem:s17+$0x2700]  }
0x426: {  	v19 =	vld [tilespmem:s17+$0x4300]  }
0x427: {  	v9 =	vsub.f32 v9, v7;
	v27 =	vadd.s32 $0x1, v12;
	v6 =	vld [tilespmem:s17+$0x3500];
	v7 =	vmul.f32 v10, v16  }
0x428: {  	[tilespmem:v17+s24+$0x0] =	vst.idx.add.f32.msk $0xffff, v8;
	v20 =	vmul.f32 v10, v15  }
0x429: {  	v29 =	vadd.s32 $0x1, v11;
	[tilespmem:v11+s28+$0x0] =	vst.idx.add.f32.msk $0xffff, v7;
	v7 =	vmul.f32 v13, v9  }
0x42a: {  	v10 =	vmul.u32 $0xD, v17;
	[tilespmem:v11+s29+$0x0] =	vst.idx.add.f32.msk $0xffff, v20  }
0x42b: {  	v13 =	vmul.u32 $0xD, v14;
	[tilespmem:v12+s30+$0x0] =	vst.idx.add.f32.msk $0xffff, v7  }
0x42c: {  	p1 =	por $0x1, $0x1;
	v32 =	vld.idx.msk [tilespmem:v27+s23+$0x0], $0xffff  }
.Ltmp13:
0x42d: {  	[tilespmem:v17+s25+$0x0] =	vst.idx.add.f32.msk $0xffff, v6;
	v7 =	vadd.f32 v19, v18;
	(pc) =	sbr.rel @!p1 .LBB3_26-.Ltmp13, $4  }
0x42e: {  	v33 =	vld.idx.msk [tilespmem:v29+s23+$0x0], $0xffff  }
0x42f: {  	[tilespmem:v14+s26+$0x0] =	vst.idx.add.f32.msk $0xffff, v7  }
0x430: {  	v30 =	vld.idx.msk [tilespmem:v10+s23+$0x0], $0xffff  }
0x431: {  	p0 =	por $0x0, $0x0;
	s1 =	simm.s32 $0xA0;
	v28 =	vadd.s32 $0x2, v12;
	v7 =	vsub.f32 v19, v18;
	v31 =	vld.idx.msk [tilespmem:v13+s23+$0x0], $0xffff;
	v34 =	vmul.f32 v32, v16  }
0x432: {  	_ =	sdelay $0x2  }
0x433: {  	v18 =	vld [tilespmem:s1+$0x0];
	v14 =	vmul.f32 v32, v15  }
0x434: {  	v19 =	vadd.s32 $0x2, v11;
	[tilespmem:v29+s28+$0x0] =	vst.idx.add.f32.msk $0xffff, v34;
	v17 =	vmul.f32 v33, v9  }
0x435: {  	[tilespmem:v29+s29+$0x0] =	vst.idx.add.f32.msk $0xffff, v14  }
0x436: {  	v14 =	vmul.f32 v30, v8;
	[tilespmem:v27+s30+$0x0] =	vst.idx.add.f32.msk $0xffff, v17  }
0x437: {  	v17 =	vadd.s32 $0x1, v10;
	v20 =	vld.idx.msk [tilespmem:v28+s23+$0x0], $0xffff  }
0x438: {  	v21 =	vmul.f32 v30, v6;
	[tilespmem:v13+s28+$0x0] =	vst.idx.add.f32.msk $0xffff, v14;
	v14 =	vadd.s32 $0x1, v13  }
0x439: {  	v22 =	vmul.f32 v31, v7;
	v23 =	vld.idx.msk [tilespmem:v19+s23+$0x0], $0xffff  }
0x43a: {  	[tilespmem:v13+s29+$0x0] =	vst.idx.add.f32.msk $0xffff, v21  }
0x43b: {  	[tilespmem:v10+s30+$0x0] =	vst.idx.add.f32.msk $0xffff, v22  }
0x43c: {  	v24 =	vadd.s32 $0x3, v12;
	v21 =	vld.idx.msk [tilespmem:v17+s23+$0x0], $0xffff;
	v22 =	vmul.f32 v20, v16  }
0x43d: {  	v26 =	vadd.s32 $0x3, v11;
	v20 =	vmul.f32 v20, v15;
	v25 =	vld.idx.msk [tilespmem:v14+s23+$0x0], $0xffff  }
0x43e: {  	[tilespmem:v19+s28+$0x0] =	vst.idx.add.f32.msk $0xffff, v22;
	v22 =	vmul.f32 v23, v9  }
0x43f: {  	[tilespmem:v19+s29+$0x0] =	vst.idx.add.f32.msk $0xffff, v20  }
0x440: {  	[tilespmem:v28+s30+$0x0] =	vst.idx.add.f32.msk $0xffff, v22  }
0x441: {  	v19 =	vmul.f32 v21, v8;
	v22 =	vadd.s32 $0x2, v10;
	v20 =	vld.idx.msk [tilespmem:v24+s23+$0x0], $0xffff  }
0x442: {  	v23 =	vadd.s32 $0x2, v13;
	v21 =	vmul.f32 v21, v6;
	v27 =	vld.idx.msk [tilespmem:v26+s23+$0x0], $0xffff  }
0x443: {  	v25 =	vmul.f32 v25, v7;
	[tilespmem:v14+s28+$0x0] =	vst.idx.add.f32.msk $0xffff, v19  }
0x444: {  	[tilespmem:v14+s29+$0x0] =	vst.idx.add.f32.msk $0xffff, v21  }
0x445: {  	[tilespmem:v17+s30+$0x0] =	vst.idx.add.f32.msk $0xffff, v25  }
0x446: {  	v19 =	vadd.s32 $0x4, v12;
	v14 =	vld.idx.msk [tilespmem:v22+s23+$0x0], $0xffff;
	v17 =	vmul.f32 v20, v16  }
0x447: {  	v25 =	vadd.s32 $0x4, v11;
	v21 =	vld.idx.msk [tilespmem:v23+s23+$0x0], $0xffff;
	v20 =	vmul.f32 v20, v15  }
0x448: {  	[tilespmem:v26+s28+$0x0] =	vst.idx.add.f32.msk $0xffff, v17;
	v17 =	vmul.f32 v27, v9  }
0x449: {  	[tilespmem:v26+s29+$0x0] =	vst.idx.add.f32.msk $0xffff, v20  }
0x44a: {  	[tilespmem:v24+s30+$0x0] =	vst.idx.add.f32.msk $0xffff, v17  }
0x44b: {  	v20 =	vmul.f32 v14, v8;
	v24 =	vadd.s32 $0x3, v10;
	v17 =	vld.idx.msk [tilespmem:v19+s23+$0x0], $0xffff  }
0x44c: {  	v26 =	vadd.s32 $0x3, v13;
	v14 =	vmul.f32 v14, v6;
	v27 =	vld.idx.msk [tilespmem:v25+s23+$0x0], $0xffff  }
0x44d: {  	v21 =	vmul.f32 v21, v7;
	[tilespmem:v23+s28+$0x0] =	vst.idx.add.f32.msk $0xffff, v20  }
0x44e: {  	[tilespmem:v23+s29+$0x0] =	vst.idx.add.f32.msk $0xffff, v14  }
0x44f: {  	[tilespmem:v22+s30+$0x0] =	vst.idx.add.f32.msk $0xffff, v21  }
0x450: {  	v21 =	vadd.s32 $0x5, v12;
	v14 =	vld.idx.msk [tilespmem:v24+s23+$0x0], $0xffff;
	v20 =	vmul.f32 v17, v16  }
0x451: {  	v23 =	vadd.s32 $0x5, v11;
	v22 =	vld.idx.msk [tilespmem:v26+s23+$0x0], $0xffff;
	v17 =	vmul.f32 v17, v15  }
0x452: {  	[tilespmem:v25+s28+$0x0] =	vst.idx.add.f32.msk $0xffff, v20;
	v20 =	vmul.f32 v27, v9  }
0x453: {  	[tilespmem:v25+s29+$0x0] =	vst.idx.add.f32.msk $0xffff, v17  }
0x454: {  	[tilespmem:v19+s30+$0x0] =	vst.idx.add.f32.msk $0xffff, v20  }
0x455: {  	v19 =	vmul.f32 v14, v8;
	v20 =	vadd.s32 $0x4, v10;
	v17 =	vld.idx.msk [tilespmem:v21+s23+$0x0], $0xffff  }
0x456: {  	v25 =	vadd.s32 $0x4, v13;
	v14 =	vmul.f32 v14, v6;
	v27 =	vld.idx.msk [tilespmem:v23+s23+$0x0], $0xffff  }
0x457: {  	v22 =	vmul.f32 v22, v7;
	[tilespmem:v26+s28+$0x0] =	vst.idx.add.f32.msk $0xffff, v19  }
0x458: {  	[tilespmem:v26+s29+$0x0] =	vst.idx.add.f32.msk $0xffff, v14  }
0x459: {  	[tilespmem:v24+s30+$0x0] =	vst.idx.add.f32.msk $0xffff, v22  }
0x45a: {  	v22 =	vadd.s32 $0x6, v12;
	v14 =	vld.idx.msk [tilespmem:v20+s23+$0x0], $0xffff;
	v19 =	vmul.f32 v17, v16  }
0x45b: {  	v26 =	vadd.s32 $0x6, v11;
	v24 =	vld.idx.msk [tilespmem:v25+s23+$0x0], $0xffff;
	v17 =	vmul.f32 v17, v15  }
0x45c: {  	[tilespmem:v23+s28+$0x0] =	vst.idx.add.f32.msk $0xffff, v19;
	v19 =	vmul.f32 v27, v9  }
0x45d: {  	[tilespmem:v23+s29+$0x0] =	vst.idx.add.f32.msk $0xffff, v17  }
0x45e: {  	[tilespmem:v21+s30+$0x0] =	vst.idx.add.f32.msk $0xffff, v19  }
0x45f: {  	v19 =	vmul.f32 v14, v8;
	v21 =	vadd.s32 $0x5, v10;
	v17 =	vld.idx.msk [tilespmem:v22+s23+$0x0], $0xffff  }
0x460: {  	v23 =	vadd.s32 $0x5, v13;
	v14 =	vmul.f32 v14, v6;
	v27 =	vld.idx.msk [tilespmem:v26+s23+$0x0], $0xffff  }
0x461: {  	v24 =	vmul.f32 v24, v7;
	[tilespmem:v25+s28+$0x0] =	vst.idx.add.f32.msk $0xffff, v19  }
0x462: {  	[tilespmem:v25+s29+$0x0] =	vst.idx.add.f32.msk $0xffff, v14  }
0x463: {  	[tilespmem:v20+s30+$0x0] =	vst.idx.add.f32.msk $0xffff, v24  }
0x464: {  	v20 =	vadd.s32 $0x7, v12;
	v14 =	vld.idx.msk [tilespmem:v21+s23+$0x0], $0xffff;
	v19 =	vmul.f32 v17, v16  }
0x465: {  	v25 =	vadd.s32 $0x7, v11;
	v24 =	vld.idx.msk [tilespmem:v23+s23+$0x0], $0xffff;
	v17 =	vmul.f32 v17, v15  }
0x466: {  	[tilespmem:v26+s28+$0x0] =	vst.idx.add.f32.msk $0xffff, v19;
	v19 =	vmul.f32 v27, v9  }
0x467: {  	[tilespmem:v26+s29+$0x0] =	vst.idx.add.f32.msk $0xffff, v17  }
0x468: {  	[tilespmem:v22+s30+$0x0] =	vst.idx.add.f32.msk $0xffff, v19  }
0x469: {  	v19 =	vmul.f32 v14, v8;
	v22 =	vadd.s32 $0x6, v10;
	v17 =	vld.idx.msk [tilespmem:v20+s23+$0x0], $0xffff  }
0x46a: {  	v26 =	vadd.s32 $0x6, v13;
	v14 =	vmul.f32 v14, v6;
	v27 =	vld.idx.msk [tilespmem:v25+s23+$0x0], $0xffff  }
0x46b: {  	v24 =	vmul.f32 v24, v7;
	[tilespmem:v23+s28+$0x0] =	vst.idx.add.f32.msk $0xffff, v19  }
0x46c: {  	[tilespmem:v23+s29+$0x0] =	vst.idx.add.f32.msk $0xffff, v14  }
0x46d: {  	[tilespmem:v21+s30+$0x0] =	vst.idx.add.f32.msk $0xffff, v24  }
0x46e: {  	v21 =	vadd.s32 $0x8, v12;
	v14 =	vld.idx.msk [tilespmem:v22+s23+$0x0], $0xffff;
	v19 =	vmul.f32 v17, v16  }
0x46f: {  	v24 =	vadd.s32 $0x8, v11;
	v23 =	vld.idx.msk [tilespmem:v26+s23+$0x0], $0xffff;
	v17 =	vmul.f32 v17, v15  }
0x470: {  	[tilespmem:v25+s28+$0x0] =	vst.idx.add.f32.msk $0xffff, v19;
	v19 =	vmul.f32 v27, v9  }
0x471: {  	[tilespmem:v25+s29+$0x0] =	vst.idx.add.f32.msk $0xffff, v17  }
0x472: {  	[tilespmem:v20+s30+$0x0] =	vst.idx.add.f32.msk $0xffff, v19  }
0x473: {  	v19 =	vmul.f32 v14, v8;
	v20 =	vadd.s32 $0x7, v10;
	v17 =	vld.idx.msk [tilespmem:v21+s23+$0x0], $0xffff  }
0x474: {  	v25 =	vadd.s32 $0x7, v13;
	v14 =	vmul.f32 v14, v6;
	v27 =	vld.idx.msk [tilespmem:v24+s23+$0x0], $0xffff  }
0x475: {  	v23 =	vmul.f32 v23, v7;
	[tilespmem:v26+s28+$0x0] =	vst.idx.add.f32.msk $0xffff, v19  }
0x476: {  	[tilespmem:v26+s29+$0x0] =	vst.idx.add.f32.msk $0xffff, v14  }
0x477: {  	[tilespmem:v22+s30+$0x0] =	vst.idx.add.f32.msk $0xffff, v23  }
0x478: {  	v22 =	vadd.s32 $0x9, v12;
	v14 =	vld.idx.msk [tilespmem:v20+s23+$0x0], $0xffff;
	v19 =	vmul.f32 v17, v16  }
0x479: {  	v26 =	vadd.s32 $0x9, v11;
	v23 =	vld.idx.msk [tilespmem:v25+s23+$0x0], $0xffff;
	v17 =	vmul.f32 v17, v15  }
0x47a: {  	[tilespmem:v24+s28+$0x0] =	vst.idx.add.f32.msk $0xffff, v19;
	v19 =	vmul.f32 v27, v9  }
0x47b: {  	[tilespmem:v24+s29+$0x0] =	vst.idx.add.f32.msk $0xffff, v17  }
0x47c: {  	[tilespmem:v21+s30+$0x0] =	vst.idx.add.f32.msk $0xffff, v19  }
0x47d: {  	v19 =	vmul.f32 v14, v8;
	v21 =	vadd.s32 $0x8, v10;
	v17 =	vld.idx.msk [tilespmem:v22+s23+$0x0], $0xffff  }
0x47e: {  	v24 =	vadd.s32 $0x8, v13;
	v14 =	vmul.f32 v14, v6;
	v27 =	vld.idx.msk [tilespmem:v26+s23+$0x0], $0xffff  }
0x47f: {  	v23 =	vmul.f32 v23, v7;
	[tilespmem:v25+s28+$0x0] =	vst.idx.add.f32.msk $0xffff, v19  }
0x480: {  	[tilespmem:v25+s29+$0x0] =	vst.idx.add.f32.msk $0xffff, v14  }
0x481: {  	[tilespmem:v20+s30+$0x0] =	vst.idx.add.f32.msk $0xffff, v23  }
0x482: {  	v14 =	vld.idx.msk [tilespmem:v21+s23+$0x0], $0xffff;
	v19 =	vmul.f32 v17, v16  }
0x483: {  	v20 =	vadd.s32 $0xA, v12;
	v23 =	vld.idx.msk [tilespmem:v24+s23+$0x0], $0xffff;
	v17 =	vmul.f32 v17, v15  }
0x484: {  	v25 =	vadd.s32 $0xA, v11;
	[tilespmem:v26+s28+$0x0] =	vst.idx.add.f32.msk $0xffff, v19  }
0x485: {  	s1 =	simm.s32 $0x7A0;
	v19 =	vmul.f32 v27, v9;
	[tilespmem:v26+s29+$0x0] =	vst.idx.add.f32.msk $0xffff, v17  }
0x486: {  	v26 =	vld [tilespmem:s1+$0x0]  }
0x487: {  	[tilespmem:v22+s30+$0x0] =	vst.idx.add.f32.msk $0xffff, v19  }
0x488: {  	v19 =	vmul.f32 v14, v8;
	v17 =	vld.idx.msk [tilespmem:v20+s23+$0x0], $0xffff  }
0x489: {  	s3 =	sand.u32 $0x60, s0;
	s9 =	simm.s32 $0x40;
	v14 =	vmul.f32 v14, v6;
	v22 =	vld.idx.msk [tilespmem:v25+s23+$0x0], $0xffff  }
0x48a: {  	s4 =	sand.u32 $0xF00, s9;
	s5 =	sor.u32 $0x10, s3;
	v28 =	vadd.s32 $0x9, v10;
	[tilespmem:v24+s28+$0x0] =	vst.idx.add.f32.msk $0xffff, v19  }
0x48b: {  	s6 =	sor.u32 s5, s4;
	v27 =	vadd.s32 $0x9, v13;
	v23 =	vmul.f32 v23, v7;
	[tilespmem:v24+s29+$0x0] =	vst.idx.add.f32.msk $0xffff, v14  }
0x48c: {  	v24 =	vld [tilespmem:s6+$0x4300]  }
0x48d: {  	[tilespmem:v21+s30+$0x0] =	vst.idx.add.f32.msk $0xffff, v23  }
0x48e: {  	v23 =	vld [tilespmem:s6+$0x2700]  }
0x48f: {  	v21 =	vld.idx.msk [tilespmem:v28+s23+$0x0], $0xffff;
	v14 =	vmul.f32 v17, v16  }
0x490: {  	s12 =	sand.u32 $0x780, s0;
	v12 =	vadd.s32 $0xB, v12;
	v31 =	vld.idx.msk [tilespmem:v27+s23+$0x0], $0xffff  }
0x491: {  	s5 =	sor.u32 s12, s5;
	v17 =	vmul.f32 v17, v15;
	[tilespmem:v25+s28+$0x0] =	vst.idx.add.f32.msk $0xffff, v14  }
0x492: {  	v14 =	vmul.f32 v22, v9;
	v22 =	vld [tilespmem:s5+$0x780]  }
0x493: {  	v11 =	vadd.s32 $0xB, v11;
	[tilespmem:v25+s29+$0x0] =	vst.idx.add.f32.msk $0xffff, v17  }
0x494: {  	[tilespmem:v20+s30+$0x0] =	vst.idx.add.f32.msk $0xffff, v14  }
0x495: {  	v14 =	vld.idx.msk [tilespmem:v12+s23+$0x0], $0xffff  }
0x496: {  	v17 =	vld [tilespmem:s6+$0x1900]  }
0x497: {  	v25 =	vld [tilespmem:s5+$0x80]  }
0x498: {  	v19 =	vld.idx.msk [tilespmem:v11+s23+$0x0], $0xffff  }
0x499: {  	s3 =	sor.u32 s3, s4;
	v20 =	vld [tilespmem:s6+$0x3500]  }
0x49a: {  	v16 =	vmul.f32 v14, v16;
	v14 =	vmul.f32 v14, v15;
	v15 =	vld [tilespmem:s3+$0x2700]  }
0x49b: {  	[tilespmem:v22+s24+$0x0] =	vst.idx.add.f32.msk $0xffff, v17  }
0x49c: {  	[tilespmem:v11+s28+$0x0] =	vst.idx.add.f32.msk $0xffff, v16  }
0x49d: {  	v9 =	vmul.f32 v19, v9;
	[tilespmem:v11+s29+$0x0] =	vst.idx.add.f32.msk $0xffff, v14  }
0x49e: {  	v14 =	vld [tilespmem:s3+$0x1900]  }
0x49f: {  	[tilespmem:v12+s30+$0x0] =	vst.idx.add.f32.msk $0xffff, v9;
	v12 =	vmul.u32 $0xD, v22  }
0x4a0: {  	v19 =	vld [tilespmem:s3+$0x3500]  }
0x4a1: {  	[tilespmem:v22+s25+$0x0] =	vst.idx.add.f32.msk $0xffff, v20;
	v11 =	vmul.u32 $0xD, v25;
	v9 =	vadd.f32 v24, v23  }
0x4a2: {  	v16 =	vld [tilespmem:s3+$0x4300]  }
0x4a3: {  	[tilespmem:v25+s26+$0x0] =	vst.idx.add.f32.msk $0xffff, v9  }
0x4a4: {  	v9 =	vmul.f32 v21, v8;
	[tilespmem:v26+s24+$0x0] =	vst.idx.add.f32.msk $0xffff, v14  }
0x4a5: {  	v22 =	vmul.u32 $0xD, v26;
	v25 =	vld.idx.msk [tilespmem:v12+s23+$0x0], $0xffff  }
0x4a6: {  	v21 =	vmul.f32 v21, v6;
	[tilespmem:v27+s28+$0x0] =	vst.idx.add.f32.msk $0xffff, v9  }
0x4a7: {  	v29 =	vld.idx.msk [tilespmem:v11+s23+$0x0], $0xffff  }
0x4a8: {  	v30 =	vadd.f32 v16, v15;
	[tilespmem:v27+s29+$0x0] =	vst.idx.add.f32.msk $0xffff, v21  }
0x4a9: {  	v9 =	vsub.f32 v24, v23;
	[tilespmem:v26+s25+$0x0] =	vst.idx.add.f32.msk $0xffff, v19  }
0x4aa: {  	v27 =	vadd.s32 $0x1, v12;
	v21 =	vmul.u32 $0xD, v18;
	[tilespmem:v18+s26+$0x0] =	vst.idx.add.f32.msk $0xffff, v30;
	v23 =	vmul.f32 v25, v17  }
0x4ab: {  	v30 =	vld.idx.msk [tilespmem:v22+s23+$0x0], $0xffff;
	v24 =	vmul.f32 v25, v20  }
0x4ac: {  	v18 =	vmul.f32 v29, v9;
	v29 =	vadd.s32 $0x1, v11;
	[tilespmem:v11+s28+$0x0] =	vst.idx.add.f32.msk $0xffff, v23  }
0x4ad: {  	[tilespmem:v11+s29+$0x0] =	vst.idx.add.f32.msk $0xffff, v24  }
0x4ae: {  	v23 =	vadd.s32 $0xA, v10;
	[tilespmem:v12+s30+$0x0] =	vst.idx.add.f32.msk $0xffff, v18  }
0x4af: {  	p2 =	por $0x1, $0x1;
	v24 =	vadd.s32 $0xA, v13;
	v32 =	vld.idx.msk [tilespmem:v27+s23+$0x0], $0xffff  }
.Ltmp14:
0x4b0: {  	v18 =	vmul.f32 v31, v7;
	v31 =	vld.idx.msk [tilespmem:v21+s23+$0x0], $0xffff;
	(pc) =	sbr.rel @!p2 .LBB3_28-.Ltmp14, $4  }
0x4b1: {  	v33 =	vld.idx.msk [tilespmem:v29+s23+$0x0], $0xffff  }
0x4b2: {  	[tilespmem:v28+s30+$0x0] =	vst.idx.add.f32.msk $0xffff, v18  }
0x4b3: {  	v26 =	vld.idx.msk [tilespmem:v23+s23+$0x0], $0xffff  }
0x4b4: {  	p1 =	por $0x1, $0x1;
	s12 =	simm.s32 $0x2;
	s3 =	simm.s32 $0xC0;
	v18 =	vsub.f32 v16, v15;
	v28 =	vadd.s32 $0x2, v12;
	v25 =	vld.idx.msk [tilespmem:v24+s23+$0x0], $0xffff;
	v34 =	vmul.f32 v32, v17  }
.LBB3_29:
0x4b5: {  	v15 =	vld [tilespmem:s3+$0x0];
	v16 =	vmul.f32 v30, v14;
	v32 =	vmul.f32 v32, v20  }
0x4b6: {  	v30 =	vmul.f32 v30, v19;
	v33 =	vmul.f32 v33, v9;
	[tilespmem:v29+s28+$0x0] =	vst.idx.add.f32.msk $0xffff, v34;
	v34 =	vadd.s32 $0x2, v11  }
0x4b7: {  	v31 =	vmul.f32 v31, v18;
	[tilespmem:v29+s29+$0x0] =	vst.idx.add.f32.msk $0xffff, v32  }
0x4b8: {  	[tilespmem:v27+s30+$0x0] =	vst.idx.add.f32.msk $0xffff, v33  }
0x4b9: {  	v27 =	vadd.s32 $0x1, v22;
	v32 =	vmul.f32 v26, v8;
	v26 =	vmul.f32 v26, v6;
	v29 =	vld.idx.msk [tilespmem:v28+s23+$0x0], $0xffff  }
0x4ba: {  	v25 =	vmul.f32 v25, v7;
	[tilespmem:v21+s28+$0x0] =	vst.idx.add.f32.msk $0xffff, v16;
	v16 =	vadd.s32 $0x1, v21  }
0x4bb: {  	v33 =	vld.idx.msk [tilespmem:v34+s23+$0x0], $0xffff  }
0x4bc: {  	[tilespmem:v21+s29+$0x0] =	vst.idx.add.f32.msk $0xffff, v30  }
0x4bd: {  	[tilespmem:v22+s30+$0x0] =	vst.idx.add.f32.msk $0xffff, v31  }
0x4be: {  	v30 =	vld.idx.msk [tilespmem:v27+s23+$0x0], $0xffff  }
0x4bf: {  	v36 =	vadd.s32 $0x3, v12;
	v35 =	vmul.f32 v29, v17;
	v31 =	vld.idx.msk [tilespmem:v16+s23+$0x0], $0xffff  }
0x4c0: {  	v29 =	vmul.f32 v29, v20;
	[tilespmem:v24+s28+$0x0] =	vst.idx.add.f32.msk $0xffff, v32  }
0x4c1: {  	v32 =	vmul.f32 v33, v9;
	v33 =	vadd.s32 $0x3, v11;
	[tilespmem:v34+s28+$0x0] =	vst.idx.add.f32.msk $0xffff, v35  }
0x4c2: {  	[tilespmem:v34+s29+$0x0] =	vst.idx.add.f32.msk $0xffff, v29  }
0x4c3: {  	[tilespmem:v28+s30+$0x0] =	vst.idx.add.f32.msk $0xffff, v32  }
0x4c4: {  	v28 =	vmul.f32 v30, v14;
	v29 =	vmul.f32 v30, v19;
	v30 =	vld.idx.msk [tilespmem:v36+s23+$0x0], $0xffff  }
0x4c5: {  	v32 =	vadd.s32 $0x2, v22;
	v31 =	vmul.f32 v31, v18;
	[tilespmem:v24+s29+$0x0] =	vst.idx.add.f32.msk $0xffff, v26  }
0x4c6: {  	v24 =	vadd.s32 $0x2, v21;
	v26 =	vld.idx.msk [tilespmem:v33+s23+$0x0], $0xffff  }
0x4c7: {  	[tilespmem:v16+s28+$0x0] =	vst.idx.add.f32.msk $0xffff, v28  }
0x4c8: {  	[tilespmem:v16+s29+$0x0] =	vst.idx.add.f32.msk $0xffff, v29  }
0x4c9: {  	[tilespmem:v27+s30+$0x0] =	vst.idx.add.f32.msk $0xffff, v31  }
0x4ca: {  	v28 =	vadd.s32 $0x4, v12;
	v27 =	vmul.f32 v30, v17;
	v16 =	vld.idx.msk [tilespmem:v32+s23+$0x0], $0xffff  }
0x4cb: {  	v30 =	vmul.f32 v30, v20;
	v29 =	vld.idx.msk [tilespmem:v24+s23+$0x0], $0xffff  }
0x4cc: {  	v26 =	vmul.f32 v26, v9;
	[tilespmem:v33+s28+$0x0] =	vst.idx.add.f32.msk $0xffff, v27;
	v27 =	vadd.s32 $0x4, v11  }
0x4cd: {  	[tilespmem:v33+s29+$0x0] =	vst.idx.add.f32.msk $0xffff, v30  }
0x4ce: {  	[tilespmem:v36+s30+$0x0] =	vst.idx.add.f32.msk $0xffff, v26  }
0x4cf: {  	v26 =	vld.idx.msk [tilespmem:v28+s23+$0x0], $0xffff  }
0x4d0: {  	v31 =	vadd.s32 $0x3, v22;
	v30 =	vmul.f32 v16, v14;
	v16 =	vmul.f32 v16, v19;
	[tilespmem:v23+s30+$0x0] =	vst.idx.add.f32.msk $0xffff, v25  }
0x4d1: {  	v23 =	vmul.f32 v29, v18;
	v25 =	vadd.s32 $0x3, v21;
	v29 =	vld.idx.msk [tilespmem:v27+s23+$0x0], $0xffff  }
0x4d2: {  	[tilespmem:v24+s28+$0x0] =	vst.idx.add.f32.msk $0xffff, v30  }
0x4d3: {  	[tilespmem:v24+s29+$0x0] =	vst.idx.add.f32.msk $0xffff, v16  }
0x4d4: {  	[tilespmem:v32+s30+$0x0] =	vst.idx.add.f32.msk $0xffff, v23  }
0x4d5: {  	v30 =	vadd.s32 $0x5, v12;
	v24 =	vmul.f32 v26, v17;
	v23 =	vld.idx.msk [tilespmem:v31+s23+$0x0], $0xffff  }
0x4d6: {  	v16 =	vadd.s32 $0xB, v10;
	v10 =	vmov v22;
	v26 =	vmul.f32 v26, v20;
	v32 =	vld.idx.msk [tilespmem:v25+s23+$0x0], $0xffff  }
0x4d7: {  	v22 =	vmul.f32 v29, v9;
	[tilespmem:v27+s28+$0x0] =	vst.idx.add.f32.msk $0xffff, v24;
	v24 =	vadd.s32 $0x5, v11  }
0x4d8: {  	[tilespmem:v27+s29+$0x0] =	vst.idx.add.f32.msk $0xffff, v26  }
0x4d9: {  	[tilespmem:v28+s30+$0x0] =	vst.idx.add.f32.msk $0xffff, v22  }
0x4da: {  	v22 =	vld.idx.msk [tilespmem:v30+s23+$0x0], $0xffff  }
0x4db: {  	v27 =	vadd.s32 $0x4, v10;
	v26 =	vmul.f32 v23, v14;
	v23 =	vmul.f32 v23, v19;
	v28 =	vld.idx.msk [tilespmem:v16+s23+$0x0], $0xffff  }
0x4dc: {  	v29 =	vmul.f32 v32, v18;
	v32 =	vadd.s32 $0x4, v21;
	v33 =	vld.idx.msk [tilespmem:v24+s23+$0x0], $0xffff  }
0x4dd: {  	[tilespmem:v25+s28+$0x0] =	vst.idx.add.f32.msk $0xffff, v26  }
0x4de: {  	[tilespmem:v25+s29+$0x0] =	vst.idx.add.f32.msk $0xffff, v23  }
0x4df: {  	[tilespmem:v31+s30+$0x0] =	vst.idx.add.f32.msk $0xffff, v29  }
0x4e0: {  	v26 =	vadd.s32 $0x6, v12;
	v25 =	vmul.f32 v22, v17;
	v23 =	vld.idx.msk [tilespmem:v27+s23+$0x0], $0xffff  }
0x4e1: {  	v22 =	vmul.f32 v22, v20;
	v31 =	vadd.s32 $0xB, v13;
	v34 =	vmul.f32 v28, v8;
	v8 =	vmovc v14;
	v29 =	vld.idx.msk [tilespmem:v32+s23+$0x0], $0xffff  }
0x4e2: {  	v28 =	vmul.f32 v28, v6;
	v14 =	vmul.f32 v33, v9;
	[tilespmem:v24+s28+$0x0] =	vst.idx.add.f32.msk $0xffff, v25;
	v25 =	vadd.s32 $0x6, v11  }
0x4e3: {  	v13 =	vmov v21;
	v6 =	vmov v19;
	[tilespmem:v24+s29+$0x0] =	vst.idx.add.f32.msk $0xffff, v22  }
0x4e4: {  	[tilespmem:v30+s30+$0x0] =	vst.idx.add.f32.msk $0xffff, v14  }
0x4e5: {  	v14 =	vld.idx.msk [tilespmem:v26+s23+$0x0], $0xffff  }
0x4e6: {  	v22 =	vadd.s32 $0x5, v10;
	v19 =	vmul.f32 v23, v8;
	v21 =	vmul.f32 v23, v6;
	v23 =	vld.idx.msk [tilespmem:v31+s23+$0x0], $0xffff  }
0x4e7: {  	v24 =	vmul.f32 v29, v18;
	v29 =	vadd.s32 $0x5, v13;
	v30 =	vld.idx.msk [tilespmem:v25+s23+$0x0], $0xffff  }
0x4e8: {  	[tilespmem:v32+s28+$0x0] =	vst.idx.add.f32.msk $0xffff, v19  }
0x4e9: {  	[tilespmem:v32+s29+$0x0] =	vst.idx.add.f32.msk $0xffff, v21  }
0x4ea: {  	[tilespmem:v27+s30+$0x0] =	vst.idx.add.f32.msk $0xffff, v24  }
0x4eb: {  	v21 =	vmul.f32 v14, v17;
	v24 =	vadd.s32 $0x7, v12;
	v19 =	vld.idx.msk [tilespmem:v22+s23+$0x0], $0xffff  }
0x4ec: {  	v14 =	vmul.f32 v14, v20;
	v23 =	vmul.f32 v23, v7;
	v7 =	vmov v18;
	v27 =	vld.idx.msk [tilespmem:v29+s23+$0x0], $0xffff  }
0x4ed: {  	v18 =	vmul.f32 v30, v9;
	[tilespmem:v25+s28+$0x0] =	vst.idx.add.f32.msk $0xffff, v21;
	v21 =	vadd.s32 $0x7, v11  }
0x4ee: {  	[tilespmem:v25+s29+$0x0] =	vst.idx.add.f32.msk $0xffff, v14  }
0x4ef: {  	[tilespmem:v26+s30+$0x0] =	vst.idx.add.f32.msk $0xffff, v18  }
0x4f0: {  	v14 =	vld.idx.msk [tilespmem:v24+s23+$0x0], $0xffff  }
0x4f1: {  	v25 =	vadd.s32 $0x6, v10;
	v18 =	vmul.f32 v19, v8;
	v19 =	vmul.f32 v19, v6;
	[tilespmem:v31+s28+$0x0] =	vst.idx.add.f32.msk $0xffff, v34  }
0x4f2: {  	v26 =	vmul.f32 v27, v7;
	v27 =	vadd.s32 $0x6, v13;
	v30 =	vld.idx.msk [tilespmem:v21+s23+$0x0], $0xffff  }
0x4f3: {  	[tilespmem:v29+s28+$0x0] =	vst.idx.add.f32.msk $0xffff, v18  }
0x4f4: {  	[tilespmem:v29+s29+$0x0] =	vst.idx.add.f32.msk $0xffff, v19  }
0x4f5: {  	[tilespmem:v22+s30+$0x0] =	vst.idx.add.f32.msk $0xffff, v26  }
0x4f6: {  	v19 =	vmul.f32 v14, v17;
	v22 =	vadd.s32 $0x8, v12;
	v18 =	vld.idx.msk [tilespmem:v25+s23+$0x0], $0xffff  }
0x4f7: {  	v14 =	vmul.f32 v14, v20;
	v26 =	vld.idx.msk [tilespmem:v27+s23+$0x0], $0xffff  }
0x4f8: {  	v29 =	vadd.s32 $0x8, v11;
	[tilespmem:v21+s28+$0x0] =	vst.idx.add.f32.msk $0xffff, v19;
	v19 =	vmul.f32 v30, v9  }
0x4f9: {  	[tilespmem:v21+s29+$0x0] =	vst.idx.add.f32.msk $0xffff, v14  }
0x4fa: {  	[tilespmem:v24+s30+$0x0] =	vst.idx.add.f32.msk $0xffff, v19  }
0x4fb: {  	v14 =	vld.idx.msk [tilespmem:v22+s23+$0x0], $0xffff  }
0x4fc: {  	v21 =	vadd.s32 $0x7, v10;
	v19 =	vmul.f32 v18, v8;
	v18 =	vmul.f32 v18, v6;
	[tilespmem:v31+s29+$0x0] =	vst.idx.add.f32.msk $0xffff, v28  }
0x4fd: {  	v24 =	vmul.f32 v26, v7;
	v26 =	vadd.s32 $0x7, v13;
	v28 =	vld.idx.msk [tilespmem:v29+s23+$0x0], $0xffff  }
0x4fe: {  	[tilespmem:v27+s28+$0x0] =	vst.idx.add.f32.msk $0xffff, v19  }
0x4ff: {  	[tilespmem:v27+s29+$0x0] =	vst.idx.add.f32.msk $0xffff, v18  }
0x500: {  	[tilespmem:v25+s30+$0x0] =	vst.idx.add.f32.msk $0xffff, v24  }
0x501: {  	v19 =	vmul.f32 v14, v17;
	v24 =	vadd.s32 $0x9, v12;
	v18 =	vld.idx.msk [tilespmem:v21+s23+$0x0], $0xffff  }
0x502: {  	v14 =	vmul.f32 v14, v20;
	v25 =	vld.idx.msk [tilespmem:v26+s23+$0x0], $0xffff  }
0x503: {  	v27 =	vadd.s32 $0x9, v11;
	[tilespmem:v29+s28+$0x0] =	vst.idx.add.f32.msk $0xffff, v19;
	v19 =	vmul.f32 v28, v9  }
0x504: {  	[tilespmem:v29+s29+$0x0] =	vst.idx.add.f32.msk $0xffff, v14  }
0x505: {  	[tilespmem:v22+s30+$0x0] =	vst.idx.add.f32.msk $0xffff, v19  }
0x506: {  	v14 =	vld.idx.msk [tilespmem:v24+s23+$0x0], $0xffff  }
0x507: {  	v22 =	vadd.s32 $0x8, v10;
	v19 =	vmul.f32 v18, v8;
	v18 =	vmul.f32 v18, v6;
	[tilespmem:v16+s30+$0x0] =	vst.idx.add.f32.msk $0xffff, v23  }
0x508: {  	v16 =	vmul.f32 v25, v7;
	v23 =	vadd.s32 $0x8, v13;
	v25 =	vld.idx.msk [tilespmem:v27+s23+$0x0], $0xffff  }
0x509: {  	[tilespmem:v26+s28+$0x0] =	vst.idx.add.f32.msk $0xffff, v19  }
0x50a: {  	[tilespmem:v26+s29+$0x0] =	vst.idx.add.f32.msk $0xffff, v18  }
0x50b: {  	[tilespmem:v21+s30+$0x0] =	vst.idx.add.f32.msk $0xffff, v16  }
0x50c: {  	v19 =	vadd.s32 $0xA, v12;
	v18 =	vmul.f32 v14, v17;
	v16 =	vld.idx.msk [tilespmem:v22+s23+$0x0], $0xffff  }
0x50d: {  	v14 =	vmul.f32 v14, v20;
	v21 =	vld.idx.msk [tilespmem:v23+s23+$0x0], $0xffff  }
0x50e: {  	[tilespmem:v27+s28+$0x0] =	vst.idx.add.f32.msk $0xffff, v18;
	v18 =	vmul.f32 v25, v9;
	v25 =	vadd.s32 $0xA, v11  }
0x50f: {  	[tilespmem:v27+s29+$0x0] =	vst.idx.add.f32.msk $0xffff, v14  }
0x510: {  	[tilespmem:v24+s30+$0x0] =	vst.idx.add.f32.msk $0xffff, v18  }
0x511: {  	s1 =	sadd.s32 $0x20, s1;
	v14 =	vld.idx.msk [tilespmem:v19+s23+$0x0], $0xffff  }
0x512: {  	v26 =	vadd.s32 $0x9, v10;
	v18 =	vmul.f32 v16, v8;
	v16 =	vmul.f32 v16, v6;
	v24 =	vld [tilespmem:s1+$0x0]  }
0x513: {  	v27 =	vadd.s32 $0x9, v13;
	v21 =	vmul.f32 v21, v7;
	v28 =	vld.idx.msk [tilespmem:v25+s23+$0x0], $0xffff  }
0x514: {  	[tilespmem:v23+s28+$0x0] =	vst.idx.add.f32.msk $0xffff, v18  }
0x515: {  	[tilespmem:v23+s29+$0x0] =	vst.idx.add.f32.msk $0xffff, v16  }
0x516: {  	[tilespmem:v22+s30+$0x0] =	vst.idx.add.f32.msk $0xffff, v21  }
0x517: {  	v12 =	vadd.s32 $0xB, v12;
	v18 =	vmul.f32 v14, v17;
	v16 =	vld.idx.msk [tilespmem:v26+s23+$0x0], $0xffff  }
0x518: {  	v14 =	vmul.f32 v14, v20;
	v21 =	vld.idx.msk [tilespmem:v27+s23+$0x0], $0xffff  }
0x519: {  	s0 =	sadd.s32 $0x20, s0;
	v11 =	vadd.s32 $0xB, v11;
	[tilespmem:v25+s28+$0x0] =	vst.idx.add.f32.msk $0xffff, v18;
	v18 =	vmul.f32 v28, v9  }
0x51a: {  	s9 =	sadd.s32 $0x40, s9;
	s4 =	sand.u32 $0x60, s0;
	[tilespmem:v25+s29+$0x0] =	vst.idx.add.f32.msk $0xffff, v14  }
0x51b: {  	s5 =	sand.u32 $0xF00, s9;
	s6 =	sor.u32 $0x10, s4;
	[tilespmem:v19+s30+$0x0] =	vst.idx.add.f32.msk $0xffff, v18  }
0x51c: {  	s4 =	sor.u32 s4, s5;
	s5 =	sor.u32 s6, s5;
	v14 =	vld.idx.msk [tilespmem:v12+s23+$0x0], $0xffff  }
0x51d: {  	v22 =	vmul.f32 v16, v8;
	v16 =	vmul.f32 v16, v6;
	v18 =	vld [tilespmem:s5+$0x1900]  }
0x51e: {  	v25 =	vmul.f32 v21, v7;
	v19 =	vld.idx.msk [tilespmem:v11+s23+$0x0], $0xffff  }
0x51f: {  	v21 =	vld [tilespmem:s5+$0x3500]  }
0x520: {  	s14 =	sand.u32 $0x780, s0;
	v23 =	vld [tilespmem:s5+$0x2700]  }
0x521: {  	s6 =	sor.u32 s14, s6;
	v28 =	vld [tilespmem:s5+$0x4300]  }
0x522: {  	v30 =	vmul.f32 v14, v17;
	v29 =	vld [tilespmem:s6+$0x780];
	v17 =	vmov v18  }
0x523: {  	v14 =	vmul.f32 v14, v20;
	v18 =	vld [tilespmem:s6+$0x80]  }
0x524: {  	v9 =	vmul.f32 v19, v9;
	[tilespmem:v11+s28+$0x0] =	vst.idx.add.f32.msk $0xffff, v30;
	v20 =	vmov v21  }
0x525: {  	[tilespmem:v11+s29+$0x0] =	vst.idx.add.f32.msk $0xffff, v14  }
0x526: {  	[tilespmem:v12+s30+$0x0] =	vst.idx.add.f32.msk $0xffff, v9  }
0x527: {  	v9 =	vld [tilespmem:s4+$0x2700];
	v12 =	vmul.u32 $0xD, v29  }
0x528: {  	v19 =	vld [tilespmem:s4+$0x4300]  }
0x529: {  	v11 =	vmul.u32 $0xD, v18;
	v14 =	vld [tilespmem:s4+$0x1900]  }
0x52a: {  	v21 =	vadd.f32 v28, v23;
	[tilespmem:v29+s24+$0x0] =	vst.idx.add.f32.msk $0xffff, v17  }
0x52b: {  	[tilespmem:v29+s25+$0x0] =	vst.idx.add.f32.msk $0xffff, v20  }
0x52c: {  	[tilespmem:v18+s26+$0x0] =	vst.idx.add.f32.msk $0xffff, v21  }
0x52d: {  	v21 =	vadd.f32 v19, v9;
	v18 =	vsub.f32 v19, v9;
	v29 =	vld.idx.msk [tilespmem:v12+s23+$0x0], $0xffff  }
0x52e: {  	v19 =	vld [tilespmem:s4+$0x3500]  }
0x52f: {  	v30 =	vld.idx.msk [tilespmem:v11+s23+$0x0], $0xffff  }
0x530: {  	[tilespmem:v24+s24+$0x0] =	vst.idx.add.f32.msk $0xffff, v14  }
0x531: {  	[tilespmem:v27+s28+$0x0] =	vst.idx.add.f32.msk $0xffff, v22  }
0x532: {  	v22 =	vmul.u32 $0xD, v24;
	[tilespmem:v27+s29+$0x0] =	vst.idx.add.f32.msk $0xffff, v16  }
0x533: {  	v9 =	vsub.f32 v28, v23;
	v16 =	vmul.f32 v29, v17;
	v27 =	vadd.s32 $0x1, v12;
	[tilespmem:v24+s25+$0x0] =	vst.idx.add.f32.msk $0xffff, v19  }
0x534: {  	v23 =	vmul.f32 v29, v20;
	[tilespmem:v15+s26+$0x0] =	vst.idx.add.f32.msk $0xffff, v21  }
0x535: {  	v29 =	vadd.s32 $0x1, v11;
	v21 =	vmul.u32 $0xD, v15;
	v15 =	vmul.f32 v30, v9;
	[tilespmem:v11+s28+$0x0] =	vst.idx.add.f32.msk $0xffff, v16  }
0x536: {  	[tilespmem:v11+s29+$0x0] =	vst.idx.add.f32.msk $0xffff, v23  }
0x537: {  	s12 =	sadd.s32 $0x2, s12;
	[tilespmem:v12+s30+$0x0] =	vst.idx.add.f32.msk $0xffff, v15  }
0x538: {  	p2 =	slt.u32 s12, $0x6E;
	v23 =	vadd.s32 $0xA, v10;
	v32 =	vld.idx.msk [tilespmem:v27+s23+$0x0], $0xffff  }
0x539: {  	v24 =	vadd.s32 $0xA, v13;
	v30 =	vld.idx.msk [tilespmem:v22+s23+$0x0], $0xffff  }
.Ltmp15:
0x53a: {  	v33 =	vld.idx.msk [tilespmem:v29+s23+$0x0], $0xffff;
	(pc) =	sbr.rel @p2 .LBB3_29-.Ltmp15, $4  }
0x53b: {  	v31 =	vld.idx.msk [tilespmem:v21+s23+$0x0], $0xffff  }
0x53c: {  	[tilespmem:v26+s30+$0x0] =	vst.idx.add.f32.msk $0xffff, v25  }
0x53d: {  	v26 =	vld.idx.msk [tilespmem:v23+s23+$0x0], $0xffff  }
0x53e: {  	s3 =	sadd.s32 $0x20, s3;
	v28 =	vadd.s32 $0x2, v12;
	v34 =	vmul.f32 v32, v17;
	v25 =	vld.idx.msk [tilespmem:v24+s23+$0x0], $0xffff  }
0x53f: {  	v15 =	vmov v20;
	v16 =	vmov v17  }
.LBB3_31:
0x540: {  	_ =	sdelay $0x2  }
0x541: {  	v17 =	vmul.f32 v32, v15  }
0x542: {  	[tilespmem:v29+s28+$0x0] =	vst.idx.add.f32.msk $0xffff, v34;
	v20 =	vmul.f32 v33, v9;
	v39 =	vadd.s32 $0x2, v11  }
0x543: {  	[tilespmem:v29+s29+$0x0] =	vst.idx.add.f32.msk $0xffff, v17  }
0x544: {  	v17 =	vmul.f32 v30, v14;
	[tilespmem:v27+s30+$0x0] =	vst.idx.add.f32.msk $0xffff, v20  }
0x545: {  	v27 =	vld.idx.msk [tilespmem:v28+s23+$0x0], $0xffff  }
0x546: {  	v29 =	vmul.f32 v30, v19;
	v20 =	vadd.s32 $0x1, v22;
	[tilespmem:v21+s28+$0x0] =	vst.idx.add.f32.msk $0xffff, v17  }
0x547: {  	v30 =	vmul.f32 v31, v18;
	v17 =	vadd.s32 $0x1, v21;
	v31 =	vld.idx.msk [tilespmem:v39+s23+$0x0], $0xffff  }
0x548: {  	[tilespmem:v21+s29+$0x0] =	vst.idx.add.f32.msk $0xffff, v29;
	v29 =	vmul.f32 @p1 v26, v8  }
0x549: {  	[tilespmem:v22+s30+$0x0] =	vst.idx.add.f32.msk $0xffff, v30  }
0x54a: {  	[tilespmem:v24+s28+$0x0] =	vst.idx.add.f32.msk @p1 $0xffff, v29  }
0x54b: {  	v35 =	vadd.s32 $0x3, v12;
	v30 =	vld.idx.msk [tilespmem:v20+s23+$0x0], $0xffff;
	v41 =	vmul.f32 v27, v16  }
0x54c: {  	v29 =	vadd.s32 $0x3, v11;
	v40 =	vld.idx.msk [tilespmem:v17+s23+$0x0], $0xffff;
	v27 =	vmul.f32 v27, v15  }
0x54d: {  	v31 =	vmul.f32 v31, v9;
	[tilespmem:v39+s28+$0x0] =	vst.idx.add.f32.msk $0xffff, v41  }
0x54e: {  	[tilespmem:v39+s29+$0x0] =	vst.idx.add.f32.msk $0xffff, v27  }
0x54f: {  	[tilespmem:v28+s30+$0x0] =	vst.idx.add.f32.msk $0xffff, v31  }
0x550: {  	v27 =	vmul.f32 v30, v14;
	v31 =	vadd.s32 $0x2, v22;
	v28 =	vld.idx.msk [tilespmem:v35+s23+$0x0], $0xffff  }
0x551: {  	v42 =	vadd.s32 $0x2, v21;
	v30 =	vmul.f32 v30, v19;
	v34 =	vld.idx.msk [tilespmem:v29+s23+$0x0], $0xffff  }
0x552: {  	v33 =	vmul.f32 v40, v18;
	[tilespmem:v17+s28+$0x0] =	vst.idx.add.f32.msk $0xffff, v27  }
0x553: {  	[tilespmem:v17+s29+$0x0] =	vst.idx.add.f32.msk $0xffff, v30  }
0x554: {  	[tilespmem:v20+s30+$0x0] =	vst.idx.add.f32.msk $0xffff, v33  }
0x555: {  	v27 =	vadd.s32 $0x4, v12;
	v17 =	vld.idx.msk [tilespmem:v31+s23+$0x0], $0xffff;
	v20 =	vmul.f32 v28, v16  }
0x556: {  	v43 =	vadd.s32 $0x4, v11;
	v30 =	vld.idx.msk [tilespmem:v42+s23+$0x0], $0xffff;
	v28 =	vmul.f32 v28, v15  }
0x557: {  	[tilespmem:v29+s28+$0x0] =	vst.idx.add.f32.msk $0xffff, v20;
	v20 =	vmul.f32 v34, v9  }
0x558: {  	[tilespmem:v29+s29+$0x0] =	vst.idx.add.f32.msk $0xffff, v28  }
0x559: {  	[tilespmem:v35+s30+$0x0] =	vst.idx.add.f32.msk $0xffff, v20  }
0x55a: {  	v29 =	vadd.s32 $0x3, v22;
	v28 =	vmul.f32 v17, v14;
	v20 =	vld.idx.msk [tilespmem:v27+s23+$0x0], $0xffff  }
0x55b: {  	v44 =	vadd.s32 $0x3, v21;
	v17 =	vmul.f32 v17, v19;
	v35 =	vld.idx.msk [tilespmem:v43+s23+$0x0], $0xffff  }
0x55c: {  	v30 =	vmul.f32 v30, v18;
	[tilespmem:v42+s28+$0x0] =	vst.idx.add.f32.msk $0xffff, v28  }
0x55d: {  	[tilespmem:v42+s29+$0x0] =	vst.idx.add.f32.msk $0xffff, v17  }
0x55e: {  	[tilespmem:v31+s30+$0x0] =	vst.idx.add.f32.msk $0xffff, v30  }
0x55f: {  	v30 =	vadd.s32 $0x5, v12;
	v17 =	vld.idx.msk [tilespmem:v29+s23+$0x0], $0xffff;
	v28 =	vmul.f32 v20, v16  }
0x560: {  	v45 =	vadd.s32 $0x5, v11;
	v31 =	vld.idx.msk [tilespmem:v44+s23+$0x0], $0xffff;
	v20 =	vmul.f32 v20, v15  }
0x561: {  	[tilespmem:v43+s28+$0x0] =	vst.idx.add.f32.msk $0xffff, v28;
	v28 =	vmul.f32 v35, v9  }
0x562: {  	[tilespmem:v43+s29+$0x0] =	vst.idx.add.f32.msk $0xffff, v20  }
0x563: {  	[tilespmem:v27+s30+$0x0] =	vst.idx.add.f32.msk $0xffff, v28  }
0x564: {  	v27 =	vmul.f32 v17, v14;
	v28 =	vadd.s32 $0x4, v22;
	v20 =	vld.idx.msk [tilespmem:v30+s23+$0x0], $0xffff  }
0x565: {  	v46 =	vadd.s32 $0x4, v21;
	v17 =	vmul.f32 v17, v19;
	v47 =	vld.idx.msk [tilespmem:v45+s23+$0x0], $0xffff  }
0x566: {  	v31 =	vmul.f32 v31, v18;
	[tilespmem:v44+s28+$0x0] =	vst.idx.add.f32.msk $0xffff, v27  }
0x567: {  	[tilespmem:v44+s29+$0x0] =	vst.idx.add.f32.msk $0xffff, v17  }
0x568: {  	[tilespmem:v29+s30+$0x0] =	vst.idx.add.f32.msk $0xffff, v31  }
0x569: {  	v29 =	vadd.s32 $0x6, v12;
	v17 =	vld.idx.msk [tilespmem:v28+s23+$0x0], $0xffff;
	v27 =	vmul.f32 v20, v16  }
0x56a: {  	v48 =	vadd.s32 $0x6, v11;
	v31 =	vld.idx.msk [tilespmem:v46+s23+$0x0], $0xffff;
	v20 =	vmul.f32 v20, v15  }
0x56b: {  	[tilespmem:v45+s28+$0x0] =	vst.idx.add.f32.msk $0xffff, v27;
	v27 =	vmul.f32 v47, v9  }
0x56c: {  	[tilespmem:v45+s29+$0x0] =	vst.idx.add.f32.msk $0xffff, v20  }
0x56d: {  	[tilespmem:v30+s30+$0x0] =	vst.idx.add.f32.msk $0xffff, v27  }
0x56e: {  	v27 =	vmul.f32 v17, v14;
	v30 =	vadd.s32 $0x5, v22;
	v20 =	vld.idx.msk [tilespmem:v29+s23+$0x0], $0xffff  }
0x56f: {  	v49 =	vadd.s32 $0x5, v21;
	v17 =	vmul.f32 v17, v19;
	v50 =	vld.idx.msk [tilespmem:v48+s23+$0x0], $0xffff  }
0x570: {  	v31 =	vmul.f32 v31, v18;
	[tilespmem:v46+s28+$0x0] =	vst.idx.add.f32.msk $0xffff, v27  }
0x571: {  	[tilespmem:v46+s29+$0x0] =	vst.idx.add.f32.msk $0xffff, v17  }
0x572: {  	[tilespmem:v28+s30+$0x0] =	vst.idx.add.f32.msk $0xffff, v31  }
0x573: {  	v28 =	vadd.s32 $0x7, v12;
	v17 =	vld.idx.msk [tilespmem:v30+s23+$0x0], $0xffff;
	v27 =	vmul.f32 v20, v16  }
0x574: {  	v51 =	vadd.s32 $0x7, v11;
	v31 =	vld.idx.msk [tilespmem:v49+s23+$0x0], $0xffff;
	v20 =	vmul.f32 v20, v15  }
0x575: {  	[tilespmem:v48+s28+$0x0] =	vst.idx.add.f32.msk $0xffff, v27;
	v27 =	vmul.f32 v50, v9  }
0x576: {  	[tilespmem:v48+s29+$0x0] =	vst.idx.add.f32.msk $0xffff, v20  }
0x577: {  	[tilespmem:v29+s30+$0x0] =	vst.idx.add.f32.msk $0xffff, v27  }
0x578: {  	v27 =	vmul.f32 v17, v14;
	v29 =	vadd.s32 $0x6, v22;
	v20 =	vld.idx.msk [tilespmem:v28+s23+$0x0], $0xffff  }
0x579: {  	v52 =	vadd.s32 $0x6, v21;
	v17 =	vmul.f32 v17, v19;
	v53 =	vld.idx.msk [tilespmem:v51+s23+$0x0], $0xffff  }
0x57a: {  	v31 =	vmul.f32 v31, v18;
	[tilespmem:v49+s28+$0x0] =	vst.idx.add.f32.msk $0xffff, v27  }
0x57b: {  	[tilespmem:v49+s29+$0x0] =	vst.idx.add.f32.msk $0xffff, v17  }
0x57c: {  	[tilespmem:v30+s30+$0x0] =	vst.idx.add.f32.msk $0xffff, v31  }
0x57d: {  	v30 =	vadd.s32 $0x8, v12;
	v17 =	vld.idx.msk [tilespmem:v29+s23+$0x0], $0xffff;
	v27 =	vmul.f32 v20, v16  }
0x57e: {  	v54 =	vadd.s32 $0x8, v11;
	v31 =	vld.idx.msk [tilespmem:v52+s23+$0x0], $0xffff;
	v20 =	vmul.f32 v20, v15  }
0x57f: {  	[tilespmem:v51+s28+$0x0] =	vst.idx.add.f32.msk $0xffff, v27;
	v27 =	vmul.f32 v53, v9  }
0x580: {  	[tilespmem:v51+s29+$0x0] =	vst.idx.add.f32.msk $0xffff, v20  }
0x581: {  	[tilespmem:v28+s30+$0x0] =	vst.idx.add.f32.msk $0xffff, v27  }
0x582: {  	v27 =	vmul.f32 v17, v14;
	v28 =	vadd.s32 $0x7, v22;
	v20 =	vld.idx.msk [tilespmem:v30+s23+$0x0], $0xffff  }
0x583: {  	v17 =	vmul.f32 v17, v19;
	v33 =	vld.idx.msk [tilespmem:v54+s23+$0x0], $0xffff  }
0x584: {  	v55 =	vadd.s32 $0x7, v21;
	v31 =	vmul.f32 v31, v18;
	[tilespmem:v52+s28+$0x0] =	vst.idx.add.f32.msk $0xffff, v27  }
0x585: {  	[tilespmem:v52+s29+$0x0] =	vst.idx.add.f32.msk $0xffff, v17  }
0x586: {  	v17 =	vmul.f32 @p1 v26, v6;
	[tilespmem:v29+s30+$0x0] =	vst.idx.add.f32.msk $0xffff, v31  }
0x587: {  	v56 =	vld.idx.msk [tilespmem:v28+s23+$0x0], $0xffff  }
0x588: {  	v57 =	vadd.s32 $0x9, v12;
	[tilespmem:v24+s29+$0x0] =	vst.idx.add.f32.msk @p1 $0xffff, v17;
	v17 =	vmul.f32 v20, v16  }
0x589: {  	v27 =	vld.idx.msk [tilespmem:v55+s23+$0x0], $0xffff;
	v20 =	vmul.f32 v20, v15  }
0x58a: {  	[tilespmem:v54+s28+$0x0] =	vst.idx.add.f32.msk $0xffff, v17;
	v17 =	vmul.f32 v33, v9  }
0x58b: {  	[tilespmem:v54+s29+$0x0] =	vst.idx.add.f32.msk $0xffff, v20  }
0x58c: {  	v20 =	vadd.s32 $0x8, v22;
	[tilespmem:v30+s30+$0x0] =	vst.idx.add.f32.msk $0xffff, v17;
	v17 =	vmul.f32 v56, v14  }
0x58d: {  	v26 =	vmul.f32 v56, v19;
	v29 =	vld.idx.msk [tilespmem:v57+s23+$0x0], $0xffff  }
0x58e: {  	v27 =	vmul.f32 v27, v18;
	v30 =	vadd.s32 $0x8, v21;
	[tilespmem:v55+s28+$0x0] =	vst.idx.add.f32.msk $0xffff, v17  }
0x58f: {  	v58 =	vadd.s32 $0x9, v11;
	[tilespmem:v55+s29+$0x0] =	vst.idx.add.f32.msk $0xffff, v26  }
0x590: {  	v10 =	vadd.s32 @p1 $0xB, v10;
	v17 =	vmul.f32 @p1 v25, v7;
	[tilespmem:v28+s30+$0x0] =	vst.idx.add.f32.msk $0xffff, v27  }
0x591: {  	v13 =	vadd.s32 @p1 $0xB, v13;
	v26 =	vld.idx.msk [tilespmem:v20+s23+$0x0], $0xffff  }
0x592: {  	[tilespmem:v23+s30+$0x0] =	vst.idx.add.f32.msk @p1 $0xffff, v17  }
0x593: {  	v17 =	vld.idx.msk [tilespmem:v30+s23+$0x0], $0xffff  }
0x594: {  	v31 =	vld.idx.msk [tilespmem:v58+s23+$0x0], $0xffff  }
0x595: {  	v23 =	vld.idx.msk @p1 [tilespmem:v10+s23+$0x0], $0xffff;
	v28 =	vmul.f32 v29, v16  }
0x596: {  	v60 =	vadd.s32 $0x9, v22;
	v27 =	vld.idx.msk @p1 [tilespmem:v13+s23+$0x0], $0xffff;
	v59 =	vmul.f32 v26, v14  }
0x597: {  	[tilespmem:v58+s28+$0x0] =	vst.idx.add.f32.msk $0xffff, v28;
	v26 =	vmul.f32 v26, v19  }
0x598: {  	v28 =	vadd.s32 $0x9, v21;
	v17 =	vmul.f32 v17, v18;
	[tilespmem:v30+s28+$0x0] =	vst.idx.add.f32.msk $0xffff, v59  }
0x599: {  	[tilespmem:v30+s29+$0x0] =	vst.idx.add.f32.msk $0xffff, v26  }
0x59a: {  	v61 =	vadd.s32 $0xA, v12;
	v29 =	vmul.f32 v29, v15;
	[tilespmem:v20+s30+$0x0] =	vst.idx.add.f32.msk $0xffff, v17  }
0x59b: {  	v17 =	vld.idx.msk [tilespmem:v60+s23+$0x0], $0xffff  }
0x59c: {  	[tilespmem:v58+s29+$0x0] =	vst.idx.add.f32.msk $0xffff, v29;
	v30 =	vadd.s32 $0xA, v11;
	v20 =	vmul.f32 v31, v9  }
0x59d: {  	v62 =	vld.idx.msk [tilespmem:v28+s23+$0x0], $0xffff  }
0x59e: {  	v8 =	vmul.f32 @p1 v23, v8;
	[tilespmem:v57+s30+$0x0] =	vst.idx.add.f32.msk $0xffff, v20  }
0x59f: {  	v20 =	vld.idx.msk [tilespmem:v61+s23+$0x0], $0xffff  }
0x5a0: {  	v63 =	vadd.s32 $0xA, v22;
	[tilespmem:v13+s28+$0x0] =	vst.idx.add.f32.msk @p1 $0xffff, v8;
	v8 =	vmul.f32 v17, v14  }
0x5a1: {  	v29 =	vld.idx.msk [tilespmem:v30+s23+$0x0], $0xffff;
	v17 =	vmul.f32 v17, v19  }
0x5a2: {  	v25 =	vmul.f32 v62, v18;
	[tilespmem:v28+s28+$0x0] =	vst.idx.add.f32.msk $0xffff, v8;
	v8 =	vadd.s32 $0xA, v21  }
0x5a3: {  	[tilespmem:v28+s29+$0x0] =	vst.idx.add.f32.msk $0xffff, v17  }
0x5a4: {  	v17 =	vmul.f32 v20, v16;
	[tilespmem:v60+s30+$0x0] =	vst.idx.add.f32.msk $0xffff, v25  }
0x5a5: {  	v12 =	vadd.s32 $0xB, v12;
	v25 =	vld.idx.msk [tilespmem:v63+s23+$0x0], $0xffff  }
0x5a6: {  	v11 =	vadd.s32 $0xB, v11;
	v20 =	vmul.f32 v20, v15;
	[tilespmem:v30+s28+$0x0] =	vst.idx.add.f32.msk $0xffff, v17  }
0x5a7: {  	v17 =	vmul.f32 v29, v9;
	v28 =	vld.idx.msk [tilespmem:v8+s23+$0x0], $0xffff  }
0x5a8: {  	[tilespmem:v30+s29+$0x0] =	vst.idx.add.f32.msk $0xffff, v20  }
0x5a9: {  	[tilespmem:v61+s30+$0x0] =	vst.idx.add.f32.msk $0xffff, v17  }
0x5aa: {  	v22 =	vadd.s32 $0xB, v22;
	v17 =	vld.idx.msk [tilespmem:v12+s23+$0x0], $0xffff;
	v20 =	vmul.f32 v25, v14  }
0x5ab: {  	v26 =	vld.idx.msk [tilespmem:v11+s23+$0x0], $0xffff;
	v25 =	vmul.f32 v25, v19  }
0x5ac: {  	v28 =	vmul.f32 v28, v18;
	[tilespmem:v8+s28+$0x0] =	vst.idx.add.f32.msk $0xffff, v20;
	v20 =	vadd.s32 $0xB, v21  }
0x5ad: {  	[tilespmem:v8+s29+$0x0] =	vst.idx.add.f32.msk $0xffff, v25  }
0x5ae: {  	v6 =	vmul.f32 @p1 v23, v6;
	[tilespmem:v63+s30+$0x0] =	vst.idx.add.f32.msk $0xffff, v28  }
0x5af: {  	v8 =	vld.idx.msk [tilespmem:v22+s23+$0x0], $0xffff  }
0x5b0: {  	v7 =	vmul.f32 @p1 v27, v7;
	[tilespmem:v13+s29+$0x0] =	vst.idx.add.f32.msk @p1 $0xffff, v6  }
0x5b1: {  	v6 =	vmul.f32 v17, v16;
	v13 =	vld.idx.msk [tilespmem:v20+s23+$0x0], $0xffff  }
0x5b2: {  	[tilespmem:v10+s30+$0x0] =	vst.idx.add.f32.msk @p1 $0xffff, v7;
	v7 =	vmul.f32 v17, v15  }
0x5b3: {  	[tilespmem:v11+s28+$0x0] =	vst.idx.add.f32.msk $0xffff, v6;
	v6 =	vmul.f32 v26, v9  }
0x5b4: {  	[tilespmem:v11+s29+$0x0] =	vst.idx.add.f32.msk $0xffff, v7;
	v7 =	vmul.f32 v8, v14  }
0x5b5: {  	[tilespmem:v12+s30+$0x0] =	vst.idx.add.f32.msk $0xffff, v6;
	v6 =	vmul.f32 v8, v19  }
0x5b6: {  	v8 =	vmul.f32 v13, v18;
	[tilespmem:v20+s28+$0x0] =	vst.idx.add.f32.msk $0xffff, v7  }
0x5b7: {  	[tilespmem:v20+s29+$0x0] =	vst.idx.add.f32.msk $0xffff, v6  }
0x5b8: {  	s0 =	simm.s32 $0xE90;
	[tilespmem:v22+s30+$0x0] =	vst.idx.add.f32.msk $0xffff, v8  }
0x5b9: {  	v12 =	vld [tilespmem:s0+$0xFFFFFFF0]  }
0x5ba: {  	v13 =	vld [tilespmem:s0+$0x0];
	_ =	sdelay $0x2  }
0x5bb: {  	s17 =	simm.s32 $0x0  }
0x5bc: {  	s1 =	simm.s32 $0x10;
	v6 =	vadd.s32 s17, v12  }
0x5bd: {  	v8 =	vadd.s32 v1, v6;
	v6 =	vadd.s32 s1, v13  }
0x5be: {  	v7 =	vshll.u32 v12, $0x1;
	v11 =	vadd.s32 v1, v6  }
0x5bf: {  	v9 =	vshll.u32 v13, $0x1;
	v6 =	vand.u32 $0xFFFFFF00, v7;
	v7 =	vand.u32 $0x7F, v12;
	v14 =	vld.idx.msk [tilespmem:v12+s24+$0x0], $0xffff  }
0x5c0: {  	v9 =	vand.u32 $0xFFFFFF00, v9;
	v6 =	vor.u32 v6, v7;
	v7 =	vand.u32 $0x7F, v13;
	v15 =	vld.idx.msk [tilespmem:v12+s25+$0x0], $0xffff  }
0x5c1: {  	v16 =	vld.idx.msk [tilespmem:v13+s24+$0x0], $0xffff;
	v7 =	vor.u32 v9, v7;
	v9 =	vor.u32 $0x80, v6  }
0x5c2: {  	v10 =	vor.u32 $0x80, v7;
	v6 =	vld.idx.msk [tilespmem:v8+s23+$0x0], $0xffff  }
0x5c3: {  	v7 =	vld.idx.msk [tilespmem:v11+s23+$0x0], $0xffff  }
0x5c4: {  	v17 =	vld.idx.msk [tilespmem:v8+s28+$0x0], $0xffff  }
0x5c5: {  	v18 =	vld.idx.msk [tilespmem:v11+s28+$0x0], $0xffff  }
0x5c6: {  	v19 =	vld.idx.msk [tilespmem:v9+s2+$0x0], $0xffff  }
0x5c7: {  	v21 =	vld.idx.msk [tilespmem:v10+s2+$0x0], $0xffff;
	v14 =	vmul.f32 v14, v6  }
0x5c8: {  	v22 =	vld.idx.msk [tilespmem:v13+s25+$0x0], $0xffff;
	v16 =	vmul.f32 v16, v7  }
0x5c9: {  	p1 =	por $0x1, $0x1;
	v23 =	vld.idx.msk [tilespmem:v8+s29+$0x0], $0xffff;
	v14 =	vsub.f32 v14, v17  }
.Ltmp16:
0x5ca: {  	v16 =	vsub.f32 v16, v18;
	(pc) =	sbr.rel @!p1 .LBB3_32-.Ltmp16, $4  }
0x5cb: {  	v20 =	vld.idx.msk [tilespmem:v13+s26+$0x0], $0xffff;
	v29 =	vadd.f32 v19, v14  }
0x5cc: {  	v18 =	vld.idx.msk [tilespmem:v12+s26+$0x0], $0xffff;
	v12 =	vmul.f32 v15, v6;
	v13 =	vadd.f32 v21, v16  }
0x5cd: {  	v36 =	vld.idx.msk [tilespmem:v11+s29+$0x0], $0xffff;
	v46 =	vmul.f32 v22, v7;
	v14 =	vand.u32 $0x7FFFFFFF, v29  }
0x5ce: {  	s0 =	simm.s32 $0xA4C4;
	s1 =	simm.s32 $0xEB0;
	v40 =	vld.idx.msk [tilespmem:v10+s8+$0x0], $0xffff;
	v16 =	vadd.f32 v23, v12;
	v52 =	vadd.f32 v14, v14;
	v14 =	vand.u32 $0x7FFFFFFF, v13  }
0x5cf: {  	_ = 	snop  }
0x5d0: {  	v12 =	vmul.f32 $1.442695020e+00, v52;
	_ =	sdelay $0x1  }
0x5d1: {  	v15 =	vld [tilespmem:s1+$0xFFFFFFF0];
	(erf) = vpow2.f32 v12;
	_ =	sdelay $0x1  }
0x5d2: {  	v25 =	vld [tilespmem:s1+$0x0];
	_ =	sdelay $0x1  }
0x5d3: {  	v12 =	vadd.f32 v36, v46  }
0x5d4: {  	s16 =	simm.s32 $0x20  }
0x5d5: {  	s17 =	simm.s32 $0x30;
	v26 =	vld.idx.msk [tilespmem:v9+s8+$0x0], $0xffff;
	v31 =	vadd.f32 v40, v12;
	v12 =	vadd.s32 s16, v15;
	v19 =	vshll.u32 v15, $0x1  }
0x5d6: {  	v22 =	vand.u32 $0x7F, v15;
	v17 =	vadd.s32 v1, v12;
	v12 =	vld.idx.msk [tilespmem:v11+s30+$0x0], $0xffff;
	v11 =	vadd.s32 s17, v25  }
0x5d7: {  	v19 =	vand.u32 $0xFFFFFF00, v19;
	v21 =	vand.u32 $0x7FFFFFFF, v31;
	v11 =	vadd.s32 v1, v11;
	v27 =	vld.idx.msk [tilespmem:v15+s24+$0x0], $0xffff  }
0x5d8: {  	v19 =	vor.u32 v19, v22;
	v22 =	vshll.u32 v25, $0x1;
	v21 =	vadd.f32 v21, v21;
	v28 =	vld.idx.msk [tilespmem:v15+s25+$0x0], $0xffff;
	v23 =	vpop (erf)  }
0x5d9: {  	v24 =	vand.u32 $0x7F, v25;
	v22 =	vand.u32 $0xFFFFFF00, v22;
	v30 =	vld.idx.msk [tilespmem:v25+s24+$0x0], $0xffff;
	v23 =	vadd.f32 $1.000000000e+00, v23  }
0x5da: {  	v33 =	vld.idx.msk [tilespmem:v25+s25+$0x0], $0xffff;
	v32 =	vmul.f32 $1.442695020e+00, v21;
	v21 =	vor.u32 v22, v24;
	v22 =	vor.u32 $0x80, v19  }
0x5db: {  	v38 =	vand.u32 $0x80000000, v29;
	v21 =	vor.u32 $0x80, v21;
	(erf) = vrcp.f32 v23;
	v23 =	vld.idx.msk [tilespmem:v17+s23+$0x0], $0xffff  }
0x5dc: {  	vm3 =	vlt.f32 v29, $0.0e+00;
	vm6 =	vlt.f32 v13, $0.0e+00;
	v14 =	vadd.f32 v14, v14;
	v24 =	vld.idx.msk [tilespmem:v11+s23+$0x0], $0xffff  }
0x5dd: {  	vm4 =	vlt.f32 v31, $0.0e+00;
	vm5 =	vgt.f32 v31, $0.0e+00;
	v62 =	vld.idx.msk [tilespmem:v17+s28+$0x0], $0xffff;
	(erf) = vpow2.f32 v32  }
0x5de: {  	v20 =	vmul.f32 v20, v7;
	vm4 =	vmor vm5, vm4;
	vm5 =	vgt.f32 v13, $0.0e+00;
	v34 =	vld.idx.msk [tilespmem:v11+s28+$0x0], $0xffff  }
0x5df: {  	v45 =	vmul.f32 v18, v6;
	vm5 =	vmor vm5, vm6;
	v19 =	vand.u32 $0x80000000, v13;
	v35 =	vld.idx.msk [tilespmem:v22+s2+$0x0], $0xffff  }
0x5e0: {  	v63 =	vor.u32 v19, v5;
	v19 =	vadd.f32 v26, v16;
	v37 =	vld.idx.msk [tilespmem:v21+s2+$0x0], $0xffff;
	v16 =	vmul.f32 v27, v23  }
0x5e1: {  	v44 =	vadd.f32 v12, v20;
	v12 =	vsel vm5, v63, v13;
	v13 =	vmul.f32 v30, v24;
	v27 =	vld.idx.msk [tilespmem:v17+s29+$0x0], $0xffff  }
0x5e2: {  	p2 =	por $0x1, $0x1;
	v49 =	vmul.f32 $1.442695020e+00, v14;
	v42 =	vand.u32 $0x80000000, v31;
	v16 =	vsub.f32 v16, v62  }
.Ltmp17:
0x5e3: {  	v18 =	vand.u32 $0x7FFFFFFF, v19;
	vm5 =	vgt.f32 v19, $0.0e+00;
	v13 =	vsub.f32 v13, v34;
	(pc) =	sbr.rel @!p2 .LBB3_34-.Ltmp17, $4  }
0x5e4: {  	v20 =	vld.idx.msk [tilespmem:v25+s26+$0x0], $0xffff;
	v30 =	vadd.f32 v18, v18;
	v28 =	vmul.f32 v28, v23;
	v26 =	vadd.f32 v35, v16  }
0x5e5: {  	v36 =	vld.idx.msk [tilespmem:v11+s29+$0x0], $0xffff;
	vm6 =	vlt.f32 v19, $0.0e+00;
	v46 =	vmul.f32 v33, v24;
	v13 =	vadd.f32 v37, v13;
	v43 =	vpop (erf)  }
0x5e6: {  	v40 =	vld.idx.msk [tilespmem:v21+s8+$0x0], $0xffff;
	v51 =	vmul.f32 $1.442695020e+00, v30;
	v25 =	vpop (erf);
	v16 =	vadd.f32 v27, v28;
	v14 =	vand.u32 $0x7FFFFFFF, v26  }
0x5e7: {  	s1 =	simm.s32 $0xED0;
	p1 =	por $0x1, $0x1;
	v18 =	vld.idx.msk [tilespmem:v15+s26+$0x0], $0xffff;
	v32 =	vadd.f32 $1.000000000e+00, v25;
	v52 =	vadd.f32 v14, v14;
	v14 =	vand.u32 $0x7FFFFFFF, v13  }
0x5e8: {  	_ = 	snop  }
0x5e9: {  	v15 =	vmul.f32 $1.442695020e+00, v52  }
0x5ea: {  	v48 =	vld [tilespmem:s1+$0xFFFFFFF0];
	(erf) = vpow2.f32 v51  }
0x5eb: {  	(erf) = vpow2.f32 v15;
	_ =	sdelay $0x1  }
0x5ec: {  	v28 =	vadd.f32 v43, v43;
	vm8 =	vmmov vm3;
	(erf) = vpow2.f32 v49  }
0x5ed: {  	vm7 =	vmmov vm4;
	vm4 =	vmor vm5, vm6;
	v33 =	vand.u32 $0x80000000, v13  }
0x5ee: {  	v27 =	vadd.f32 v36, v46;
	v36 =	vld [tilespmem:s1+$0x0];
	v41 =	vsub.f32 $1.000000000e+00, v28;
	v28 =	vshll.u32 v48, $0x1  }
0x5ef: {  	vm6 =	vlt.f32 v13, $0.0e+00;
	v30 =	vand.u32 $0x7F, v48;
	v28 =	vand.u32 $0xFFFFFF00, v28  }
0x5f0: {  	s17 =	simm.s32 $0x40;
	v15 =	vand.u32 $0x80000000, v19;
	v27 =	vadd.f32 v40, v27;
	v28 =	vor.u32 v28, v30  }
0x5f1: {  	v34 =	vld.idx.msk [tilespmem:v8+s30+$0x0], $0xffff;
	v20 =	vmul.f32 v20, v24;
	v15 =	vor.u32 v15, v5;
	v8 =	vadd.s32 s17, v48  }
0x5f2: {  	s12 =	simm.s32 $0x50;
	v8 =	vadd.s32 v1, v8;
	v60 =	vand.u32 $0x7FFFFFFF, v27;
	v62 =	vpop (erf);
	(erf) = vrcp.f32 v32  }
0x5f3: {  	v61 =	vld.idx.msk [tilespmem:v9+s7+$0x0], $0xffff;
	vm5 =	vgt.f32 v27, $0.0e+00;
	v35 =	vadd.s32 s12, v36;
	v9 =	vor.u32 $0x80, v28;
	v28 =	vpop (erf)  }
0x5f4: {  	v30 =	vand.u32 $0x7F, v36;
	v39 =	vshll.u32 v36, $0x1;
	v53 =	vadd.f32 $1.000000000e+00, v28  }
0x5f5: {  	v37 =	vld.idx.msk [tilespmem:v11+s30+$0x0], $0xffff;
	v52 =	vadd.f32 v60, v60;
	v28 =	vsel vm4, v15, v19;
	v15 =	vadd.f32 $1.000000000e+00, v62;
	v19 =	vpop (erf)  }
0x5f6: {  	v63 =	vld.idx.msk [tilespmem:v10+s7+$0x0], $0xffff;
	v11 =	vadd.s32 v1, v35;
	v19 =	vadd.f32 $1.000000000e+00, v19;
	(erf) = vrcp.f32 v53  }
0x5f7: {  	v54 =	vld.idx.msk [tilespmem:v22+s8+$0x0], $0xffff;
	v59 =	vand.u32 $0xFFFFFF00, v39;
	v35 =	vmul.f32 $1.442695020e+00, v52;
	(erf) = vrcp.f32 v15  }
0x5f8: {  	v55 =	vld.idx.msk [tilespmem:v48+s24+$0x0], $0xffff;
	vm4 =	vlt.f32 v27, $0.0e+00;
	(erf) = vrcp.f32 v19;
	v19 =	vor.u32 v33, v5  }
0x5f9: {  	v39 =	vmul.f32 v18, v23;
	v56 =	vld.idx.msk [tilespmem:v36+s24+$0x0], $0xffff;
	vm4 =	vmor vm5, vm4;
	vm5 =	vgt.f32 v13, $0.0e+00  }
0x5fa: {  	v30 =	vor.u32 v59, v30;
	vm5 =	vmor vm5, vm6;
	v15 =	vld.idx.msk [tilespmem:v48+s25+$0x0], $0xffff;
	(erf) = vpow2.f32 v35  }
0x5fb: {  	v18 =	vadd.f32 v34, v45;
	v10 =	vor.u32 $0x80, v30;
	v33 =	vld.idx.msk [tilespmem:v8+s23+$0x0], $0xffff;
	v47 =	vsel vm5, v19, v13;
	v19 =	vpop (erf)  }
0x5fc: {  	vm6 =	vgt.f32 v29, $0.0e+00;
	v35 =	vadd.f32 v37, v20;
	v20 =	vld.idx.msk [tilespmem:v36+s25+$0x0], $0xffff;
	v57 =	vadd.f32 v19, v19  }
0x5fd: {  	v13 =	vor.u32 v38, v5;
	vm5 =	vmor vm6, vm8;
	v38 =	vld.idx.msk [tilespmem:v11+s23+$0x0], $0xffff  }
0x5fe: {  	v37 =	vadd.f32 v61, v18;
	v13 =	vsel vm5, v13, v29;
	v29 =	vld.idx.msk [tilespmem:v8+s28+$0x0], $0xffff;
	v18 =	vsub.f32 $1.000000000e+00, v57  }
0x5ff: {  	v25 =	vand.u32 $0x80000000, v26;
	v42 =	vor.u32 v42, v5;
	v14 =	vadd.f32 v14, v14;
	v58 =	vld.idx.msk [tilespmem:v11+s28+$0x0], $0xffff  }
0x600: {  	v31 =	vsel vm7, v42, v31;
	v41 =	vmul.f32 v41, v13;
	v13 =	vld.idx.msk [tilespmem:v9+s2+$0x0], $0xffff;
	v19 =	vadd.f32 v54, v16;
	v43 =	vpop (erf)  }
0x601: {  	v34 =	vadd.f32 v63, v44;
	v59 =	vld.idx.msk [tilespmem:v10+s2+$0x0], $0xffff;
	v16 =	vmul.f32 v55, v33;
	v60 =	vmul.f32 v15, v33;
	v61 =	vpop (erf)  }
0x602: {  	v15 =	vand.u32 $0x7FFFFFFF, v19;
	v63 =	vmul.f32 v56, v38;
	v50 =	vmul.f32 v18, v31;
	v18 =	vpop (erf)  }
0x603: {  	v62 =	vld.idx.msk [tilespmem:v8+s29+$0x0], $0xffff;
	v46 =	vmul.f32 v20, v38;
	v15 =	vadd.f32 v15, v15;
	v16 =	vsub.f32 v16, v29;
	v20 =	vpop (erf)  }
0x604: {  	vm3 =	vlt.f32 v26, $0.0e+00;
	p2 =	por $0x1, $0x1;
	v29 =	vsub.f32 v63, v58;
	v32 =	vadd.f32 $1.000000000e+00, v20;
	v20 =	vld.idx.msk [tilespmem:v36+s26+$0x0], $0xffff  }
.Ltmp18:
0x605: {  	v49 =	vmul.f32 $1.442695020e+00, v14;
	v51 =	vmul.f32 $1.442695020e+00, v15;
	v15 =	vadd.f32 v13, v16;
	v36 =	vld.idx.msk [tilespmem:v11+s29+$0x0], $0xffff;
	(pc) =	sbr.rel @!p2 .LBB3_36-.Ltmp18, $4  }
0x606: {  	v30 =	vand.u32 $0x80000000, v27;
	vm5 =	vgt.f32 v19, $0.0e+00;
	v13 =	vadd.f32 v59, v29  }
0x607: {  	v29 =	vadd.f32 v61, v61;
	v14 =	vadd.f32 v18, v18;
	v31 =	vand.u32 $0x7FFFFFFF, v15  }
0x608: {  	s4 =	simm.s32 $0x4;
	s5 =	simm.s32 $0xEF0;
	p0 =	por $0x1, $0x1;
	v40 =	vld.idx.msk [tilespmem:v10+s8+$0x0], $0xffff;
	vm6 =	vlt.f32 v19, $0.0e+00;
	v16 =	vadd.f32 v62, v60;
	v52 =	vadd.f32 v31, v31  }
0x609: {  	s3 =	simm.s32 $0xA4C4;
	s9 =	simm.s32 $0xA4E4;
	s1 =	simm.s32 $0xA4E4;
	v18 =	vld.idx.msk [tilespmem:v48+s26+$0x0], $0xffff;
	v54 =	vsub.f32 $1.000000000e+00, v29;
	v55 =	vsub.f32 $1.000000000e+00, v14;
	v14 =	vand.u32 $0x7FFFFFFF, v13  }
.LBB3_37:
0x60a: {  	v29 =	vadd.f32 v36, v46;
	v36 =	vadd.f32 v43, v43  }
0x60b: {  	v31 =	vld [tilespmem:s5+$0xFFFFFFF0];
	s4 =	sadd.s32 $0x2, s4;
	v42 =	vand.u32 $0x80000000, v19;
	s1 =	sadd.s32 $0x20, s1;
	vm8 =	vmmov vm3;
	vm7 =	vmmov vm4  }
0x60c: {  	vm4 =	vmor vm5, vm6;
	v43 =	vld [tilespmem:s5+$0x0];
	p2 =	slt.u32 s4, $0x9A;
	v44 =	vmul.f32 $1.442695020e+00, v52;
	(erf) = vpow2.f32 v51  }
0x60d: {  	v45 =	vand.u32 $0x80000000, v15;
	v46 =	vsub.f32 $1.000000000e+00, v36;
	v36 =	vmul.f32 v55, v12;
	v12 =	vmovc v47  }
0x60e: {  	s12 =	sadd.s32 $0x20, s12;
	v28 =	vmul.f32 v54, v28;
	v29 =	vadd.f32 v40, v29;
	(erf) = vpow2.f32 v44;
	v40 =	vld.idx.msk [tilespmem:v17+s30+$0x0], $0xffff;
	v17 =	vmovc v8  }
0x60f: {  	s6 =	sadd.s32 $0xFFFFFFF0, s12;
	v44 =	vand.u32 $0x80000000, v13;
	v48 =	vld.idx.msk [tilespmem:v22+s7+$0x0], $0xffff;
	(erf) = vpow2.f32 v49;
	v36 =	vadd.f32 v50, v36;
	v22 =	vmovc v9  }
0x610: {  	v28 =	vadd.f32 v28, v41;
	v8 =	vadd.s32 s6, v31;
	v47 =	vshll.u32 v31, $0x1;
	v49 =	vld.idx.msk [tilespmem:v21+s7+$0x0], $0xffff;
	v21 =	vmovc v10  }
0x611: {  	v8 =	vadd.s32 v1, v8;
	v10 =	vand.u32 $0xFFFFFF00, v47;
	v41 =	vld.idx.msk [tilespmem:v11+s30+$0x0], $0xffff;
	v11 =	vadd.f32 v36, v34  }
0x612: {  	v34 =	vand.u32 $0x7F, v31;
	v36 =	vadd.s32 s12, v43;
	v50 =	vld.idx.msk [tilespmem:v9+s8+$0x0], $0xffff;
	v9 =	vadd.f32 v28, v37  }
0x613: {  	v10 =	vor.u32 v10, v34;
	v28 =	vand.u32 $0x7F, v43;
	v51 =	vld.idx.msk [tilespmem:v31+s24+$0x0], $0xffff;
	v34 =	vadd.f32 v11, v7;
	v7 =	vmovc v24  }
0x614: {  	v11 =	vadd.s32 v1, v36;
	v24 =	vshll.u32 v43, $0x1;
	v37 =	vld.idx.msk [tilespmem:v43+s26+$0x0], $0xffff;
	v9 =	vadd.f32 v9, v6;
	v6 =	vmovc v23  }
0x615: {  	v36 =	vor.u32 v42, v5;
	v47 =	vand.u32 $0xFFFFFF00, v24;
	v24 =	vand.u32 $0x7FFFFFFF, v29;
	v52 =	vld.idx.msk [tilespmem:v31+s25+$0x0], $0xffff;
	v42 =	vpop (erf);
	[tilespmem:s3+$0x0] =	vst v34  }
0x616: {  	vm3 =	vlt.f32 v15, $0.0e+00;
	v28 =	vor.u32 v47, v28;
	v55 =	vadd.f32 v24, v24;
	v31 =	vld.idx.msk [tilespmem:v31+s26+$0x0], $0xffff;
	[tilespmem:s3+$0xFFFFFFF0] =	vst v9;
	s3 =	smov.u32 s9;
	s9 =	smov.u32 s1  }
0x617: {  	v9 =	vor.u32 $0x80, v10;
	v10 =	vor.u32 $0x80, v28;
	v53 =	vld.idx.msk [tilespmem:v43+s24+$0x0], $0xffff;
	v23 =	vpop (erf);
	(erf) = vrcp.f32 v32  }
0x618: {  	v28 =	vsel vm4, v36, v19;
	v19 =	vadd.f32 $1.000000000e+00, v42;
	v32 =	vld.idx.msk [tilespmem:v43+s25+$0x0], $0xffff;
	v34 =	vadd.f32 $1.000000000e+00, v23;
	v23 =	vpop (erf)  }
0x619: {  	v54 =	vand.u32 $0x80000000, v29;
	v24 =	vmovc v38;
	v43 =	vmul.f32 $1.442695020e+00, v55;
	v42 =	vld.idx.msk [tilespmem:v8+s28+$0x0], $0xffff;
	v47 =	vadd.f32 $1.000000000e+00, v23;
	v23 =	vmovc v33  }
0x61a: {  	vm5 =	vgt.f32 v29, $0.0e+00;
	vm4 =	vlt.f32 v29, $0.0e+00;
	v36 =	vld.idx.msk [tilespmem:v11+s29+$0x0], $0xffff;
	(erf) = vrcp.f32 v34  }
0x61b: {  	vm6 =	vlt.f32 v13, $0.0e+00;
	vm4 =	vmor vm5, vm4;
	v55 =	vld.idx.msk [tilespmem:v11+s28+$0x0], $0xffff;
	(erf) = vrcp.f32 v19  }
0x61c: {  	vm5 =	vgt.f32 v13, $0.0e+00;
	v19 =	vmul.f32 v20, v24;
	v20 =	vmovc v37;
	v56 =	vld.idx.msk [tilespmem:v9+s2+$0x0], $0xffff;
	(erf) = vrcp.f32 v47  }
0x61d: {  	vm5 =	vmor vm5, vm6;
	v34 =	vor.u32 v44, v5;
	v33 =	vld.idx.msk [tilespmem:v8+s23+$0x0], $0xffff;
	(erf) = vpow2.f32 v43  }
0x61e: {  	v47 =	vsel vm5, v34, v13;
	vm5 =	vgt.f32 v26, $0.0e+00;
	v57 =	vadd.f32 v41, v19;
	v44 =	vld.idx.msk [tilespmem:v8+s29+$0x0], $0xffff  }
0x61f: {  	v13 =	vmul.f32 v18, v23;
	v34 =	vor.u32 v25, v5;
	v25 =	vmovc v45;
	vm5 =	vmor vm5, vm8;
	v38 =	vld.idx.msk [tilespmem:v11+s23+$0x0], $0xffff  }
0x620: {  	v37 =	vadd.f32 v40, v39;
	v18 =	vmov v31;
	v26 =	vsel vm5, v34, v26;
	v45 =	vld.idx.msk [tilespmem:v10+s2+$0x0], $0xffff;
	v19 =	vpop (erf)  }
0x621: {  	v31 =	vor.u32 v30, v5;
	v34 =	vadd.f32 v49, v35;
	v40 =	vld.idx.msk [tilespmem:v10+s8+$0x0], $0xffff;
	v35 =	vadd.f32 v19, v19  }
0x622: {  	v30 =	vmovc v54;
	v37 =	vadd.f32 v48, v37;
	v41 =	vmul.f32 v46, v26;
	v19 =	vadd.f32 v50, v16  }
0x623: {  	v14 =	vadd.f32 v14, v14;
	v16 =	vmul.f32 v51, v33;
	v43 =	vpop (erf);
	v46 =	vsub.f32 $1.000000000e+00, v35  }
0x624: {  	v49 =	vsel vm7, v31, v27;
	v48 =	vmul.f32 v52, v33;
	v35 =	vand.u32 $0x7FFFFFFF, v19;
	v31 =	vpop (erf)  }
0x625: {  	v53 =	vmul.f32 v53, v38;
	v52 =	vadd.f32 v35, v35;
	v50 =	vmul.f32 v46, v49;
	v26 =	vpop (erf)  }
0x626: {  	vm5 =	vgt.f32 v19, $0.0e+00;
	v16 =	vsub.f32 v16, v42;
	v46 =	vmul.f32 v32, v38;
	v27 =	vpop (erf)  }
.Ltmp19:
0x627: {  	v42 =	vsub.f32 v53, v55;
	v51 =	vmul.f32 $1.442695020e+00, v52;
	v35 =	vmovc v57;
	v32 =	vadd.f32 $1.000000000e+00, v27;
	v27 =	vmovc v29;
	(pc) =	sbr.rel @p2 .LBB3_37-.Ltmp19, $4  }
0x628: {  	v39 =	vmovc v13;
	v49 =	vmul.f32 $1.442695020e+00, v14;
	v14 =	vadd.f32 v26, v26;
	v26 =	vmovc v15;
	v15 =	vadd.f32 v56, v16  }
0x629: {  	vm6 =	vlt.f32 v19, $0.0e+00;
	v29 =	vadd.f32 v31, v31;
	v13 =	vadd.f32 v45, v42  }
0x62a: {  	v16 =	vadd.f32 v44, v48;
	v31 =	vand.u32 $0x7FFFFFFF, v15;
	v55 =	vsub.f32 $1.000000000e+00, v14  }
0x62b: {  	s5 =	sadd.s32 $0x20, s5;
	v52 =	vadd.f32 v31, v31;
	v54 =	vsub.f32 $1.000000000e+00, v29;
	v14 =	vand.u32 $0x7FFFFFFF, v13  }
0x62c: {  	v60 =	vmov v12;
	v58 =	vmov v7  }
0x62d: {  	v59 =	vmovc v6;
	v12 =	vmovc v47;
	v56 =	vmov v17;
	v53 =	vmov v22;
	v57 =	vmov v21  }
0x62e: {  	v47 =	vmovc v24;
	v48 =	vmovc v23;
	v6 =	vmov v33;
	v7 =	vmov v38;
	v29 =	vmov v26  }
0x62f: {  	v38 =	vmovc v25;
	v45 =	vmovc v39;
	v44 =	vmov v35;
	v42 =	vmov v30;
	v31 =	vmov v27  }
.LBB3_39:
0x630: {  	v17 =	vmul.f32 $1.442695020e+00, v52  }
0x631: {  	(erf) = vpow2.f32 @p1 v51  }
0x632: {  	(erf) = vpow2.f32 v17;
	_ =	sdelay $0x1  }
0x633: {  	(erf) = vpow2.f32 @p1 v49;
	_ =	sdelay $0x1  }
0x634: {  	v52 =	vld.idx.msk [tilespmem:v9+s8+$0x0], $0xffff  }
0x635: {  	v21 =	vadd.f32 v36, v46  }
0x636: {  	v22 =	vadd.f32 @p1 v43, v43;
	v23 =	vand.u32 @p1 $0x80000000, v19  }
0x637: {  	v24 =	vmul.f32 @p0 v55, v60;
	vm7 =	vmmov @p1 vm3;
	v21 =	vadd.f32 v40, v21  }
0x638: {  	vm3 =	vmmov @p1 vm4;
	vm5 =	vmor @p1 vm5, vm6;
	v14 =	vadd.f32 v14, v14;
	v25 =	vpop @p1 (erf)  }
0x639: {  	v20 =	vmul.f32 v20, v7;
	v26 =	vand.u32 $0x7FFFFFFF, v21;
	v16 =	vadd.f32 v52, v16;
	v27 =	vpop (erf)  }
0x63a: {  	v17 =	vmul.f32 @p0 v54, v28;
	v26 =	vadd.f32 v26, v26;
	v27 =	vadd.f32 $1.000000000e+00, v27  }
0x63b: {  	v30 =	vand.u32 $0x7FFFFFFF, v16;
	(erf) = vrcp.f32 @p1 v32;
	v25 =	vadd.f32 @p1 $1.000000000e+00, v25;
	v28 =	vpop @p1 (erf)  }
0x63c: {  	v55 =	vadd.f32 v30, v30;
	v28 =	vadd.f32 @p1 $1.000000000e+00, v28;
	(erf) = vrcp.f32 v27  }
0x63d: {  	v61 =	vand.u32 $0x80000000, v15;
	v26 =	vmul.f32 $1.442695020e+00, v26;
	(erf) = vrcp.f32 @p1 v25  }
0x63e: {  	v62 =	vand.u32 $0x80000000, v13;
	v60 =	vmul.f32 $1.442695020e+00, v55;
	(erf) = vrcp.f32 @p1 v28  }
0x63f: {  	vm4 =	vlt.f32 v15, $0.0e+00;
	v14 =	vmul.f32 $1.442695020e+00, v14;
	(erf) = vpow2.f32 v26  }
0x640: {  	vm8 =	vlt.f32 v13, $0.0e+00;
	v24 =	vadd.f32 @p0 v50, v24;
	(erf) = vpow2.f32 v60  }
0x641: {  	v11 =	vld.idx.msk [tilespmem:v11+s30+$0x0], $0xffff;
	vm14 =	vgt.f32 v13, $0.0e+00;
	v18 =	vmul.f32 v18, v6;
	(erf) = vpow2.f32 v14  }
0x642: {  	v33 =	vor.u32 @p1 v38, v5;
	v35 =	vor.u32 @p1 v42, v5;
	v8 =	vld.idx.msk [tilespmem:v8+s30+$0x0], $0xffff;
	v24 =	vadd.f32 @p0 v24, v34  }
0x643: {  	v12 =	vpsel p1, v12, v0;
	v23 =	vor.u32 @p1 v23, v5;
	vm6 =	vmor vm14, vm8;
	v28 =	vld.idx.msk @p1 [tilespmem:v57+s7+$0x0], $0xffff  }
0x644: {  	v31 =	vsel @p1 vm3, v35, v31;
	v25 =	vor.u32 v62, v5;
	v26 =	vpop @p1 (erf);
	v14 =	vadd.f32 @p0 v24, v58;
	v24 =	vld.idx.msk @p1 [tilespmem:v56+s30+$0x0], $0xffff  }
0x645: {  	vm4 =	vmmov vm4;
	v22 =	vsub.f32 @p1 $1.000000000e+00, v22;
	v19 =	vsel @p1 vm5, v23, v19;
	v40 =	vpop (erf)  }
0x646: {  	v19 =	vpsel p1, v19, v0;
	v17 =	vadd.f32 @p0 v17, v41;
	v11 =	vadd.f32 v11, v20;
	v20 =	vpop @p1 (erf)  }
0x647: {  	v63 =	vand.u32 $0x80000000, v21;
	vm12 =	vlt.f32 v21, $0.0e+00;
	v41 =	vsel vm6, v25, v13;
	v25 =	vpop @p1 (erf)  }
0x648: {  	vm13 =	vgt.f32 v21, $0.0e+00;
	v8 =	vadd.f32 v8, v18;
	v28 =	vadd.f32 @p1 v28, v44;
	v43 =	vpop (erf)  }
0x649: {  	vm5 =	vmor vm13, vm12;
	v24 =	vadd.f32 @p1 v24, v45;
	v44 =	vadd.f32 $1.000000000e+00, v43;
	v45 =	vpop (erf)  }
0x64a: {  	v23 =	vor.u32 v63, v5;
	v17 =	vadd.f32 @p0 v17, v37;
	v34 =	vadd.f32 $1.000000000e+00, v45;
	v46 =	vpop (erf)  }
0x64b: {  	vm3 =	vgt.f32 v16, $0.0e+00;
	(erf) = vrcp.f32 v44;
	v49 =	vadd.f32 $1.000000000e+00, v46  }
0x64c: {  	vm15 =	vlt.f32 v16, $0.0e+00;
	v51 =	vand.u32 $0x80000000, v16;
	(erf) = vrcp.f32 v34  }
0x64d: {  	vm3 =	vmor vm3, vm15;
	v54 =	vor.u32 v51, v5;
	(erf) = vrcp.f32 v49  }
0x64e: {  	v17 =	vadd.f32 @p0 v17, v59;
	v32 =	vld.idx.msk @p1 [tilespmem:v53+s7+$0x0], $0xffff;
	v16 =	vsel vm3, v54, v16;
	v26 =	vadd.f32 @p1 v26, v26  }
0x64f: {  	vm3 =	vgt.f32 v15, $0.0e+00;
	vm6 =	vgt.f32 @p1 v29, $0.0e+00;
	v25 =	vadd.f32 @p1 v25, v25  }
0x650: {  	vm6 =	vmor @p1 vm6, vm7;
	v26 =	vsub.f32 @p1 $1.000000000e+00, v26;
	v20 =	vadd.f32 @p1 v20, v20  }
0x651: {  	vm3 =	vmor vm3, vm4;
	v29 =	vsel @p1 vm6, v33, v29;
	v25 =	vsub.f32 @p1 $1.000000000e+00, v25  }
0x652: {  	v22 =	vmul.f32 @p1 v22, v29;
	v26 =	vmul.f32 @p1 v26, v31;
	v20 =	vsub.f32 @p1 $1.000000000e+00, v20  }
0x653: {  	v50 =	vadd.f32 v40, v40;
	v24 =	vadd.f32 @p1 v32, v24;
	v25 =	vpsel p1, v25, v0  }
0x654: {  	v26 =	vpsel p1, v26, v0;
	v20 =	vpsel p1, v20, v0;
	v12 =	vmul.f32 @p1 v25, v12;
	v52 =	vpop (erf)  }
0x655: {  	v19 =	vmul.f32 @p1 v20, v19;
	v20 =	vpsel p1, v24, v0;
	v24 =	vsub.f32 $1.000000000e+00, v50;
	v53 =	vpop (erf)  }
0x656: {  	v59 =	vld.idx.msk [tilespmem:v9+s7+$0x0], $0xffff;
	v22 =	vpsel p1, v22, v0;
	v12 =	vadd.f32 @p1 v26, v12;
	v55 =	vpop (erf);
	v26 =	vadd.f32 v53, v53  }
0x657: {  	v58 =	vor.u32 v61, v5;
	v19 =	vadd.f32 @p1 v19, v22;
	v57 =	vadd.f32 v55, v55  }
0x658: {  	v10 =	vld.idx.msk [tilespmem:v10+s7+$0x0], $0xffff;
	v61 =	vsel vm3, v58, v15;
	v56 =	vadd.f32 v52, v52;
	v60 =	vsub.f32 $1.000000000e+00, v26  }
0x659: {  	vm5 =	vmmov vm5;
	v15 =	vmul.f32 v24, v61;
	v22 =	vsub.f32 $1.000000000e+00, v57  }
0x65a: {  	v19 =	vadd.f32 @p1 v19, v20;
	v20 =	vsub.f32 $1.000000000e+00, v56;
	v16 =	vmul.f32 v60, v16  }
0x65b: {  	v21 =	vsel vm5, v23, v21;
	v8 =	vadd.f32 v59, v8;
	v13 =	vmul.f32 v22, v41  }
0x65c: {  	v28 =	vpsel p1, v28, v0;
	v20 =	vmul.f32 v20, v21;
	v63 =	vadd.f32 v16, v15  }
0x65d: {  	v18 =	vmov @p1 v47;
	v10 =	vadd.f32 v10, v11;
	v12 =	vadd.f32 @p1 v12, v28  }
0x65e: {  	v18 =	vpsel p1, v18, v0;
	v62 =	vadd.f32 v20, v13;
	v8 =	vadd.f32 v63, v8  }
0x65f: {  	s4 =	smov.u32 @p1 s9;
	[tilespmem:s3+$0xFFFFFFF0] =	vst @p0 v17;
	v12 =	vadd.f32 @p1 v12, v18;
	v13 =	vmov @p1 v48  }
0x660: {  	s1 =	sadd.s32 @p1 $0x20, s1;
	[tilespmem:s3+$0x0] =	vst @p0 v14;
	s3 =	smov.u32 @p1 s4;
	v10 =	vadd.f32 v62, v10;
	v13 =	vpsel p1, v13, v0;
	v6 =	vadd.f32 v8, v6  }
0x661: {  	s0 =	smov.u32 @p1 s1;
	[tilespmem:s3+$0x0] =	vst @p1 v12;
	v11 =	vadd.f32 @p1 v19, v13  }
0x662: {  	v7 =	vadd.f32 v10, v7;
	[tilespmem:s0+$0xFFFFFFF0] =	vst v6  }
0x663: {  	s11 =	sadd.s32 $0x1, s11;
	[tilespmem:s3+$0xFFFFFFF0] =	vst @p1 v11  }
0x664: {  	s17 =	simm.s32 $0x9B00;
	p0 =	sne.s32 s11, s21;
	[tilespmem:s0+$0x0] =	vst v7  }
0x665: {  	[hbm4b:s20+s13] =	stream.linear.scatter [tilespmem:s17], [sflag:$0x3], $0x1368, $0x38;
	[tilespmem:$0xAE80] =	vst v63  }
.Ltmp20:
0x666: {  	_ = 	snop;
	(pc) =	sbr.rel @p0 .LBB3_1-.Ltmp20, $4  }
.Ltmp21:
0x667: {  	_ = 	snop;
	(pc) =	sbr.rel @!p0 .LBB3_40-.Ltmp21, $4  }
0x668: {  	_ =	swait.ge [sflag:s22], $0x1368  }
0x669: {  	[sflag:s22] =	ssyncset.done $0x0  }
0x66a: {  	[sflag:s22] =	ssyncadd.s32 $0xFFFFEC98  }
0x66b: {  	_ = 	snop  }
.LBB3_8:
.Ltmp22:
0x66c: {  	(pc) =	sbr.rel .LBB3_13-.Ltmp22, $2  }
0x66d: {  	_ =	sdelay $0x2  }
0x66e: {  	v14 =	vmovc v8;
	v19 =	vmovc v6;
	v22 =	vmov v10;
	v21 =	vmov v13;
	v18 =	vmov v7  }
.LBB3_26:
.Ltmp23:
0x66f: {  	(pc) =	sbr.rel .LBB3_31-.Ltmp23, $2  }
0x670: {  	_ =	sdelay $0x2  }
0x671: {  	v14 =	vmovc v8;
	v19 =	vmovc v6;
	v22 =	vmov v10;
	v21 =	vmov v13;
	p1 =	por $0x0, $0x0;
	v18 =	vmov v7  }
.LBB3_32:
.Ltmp24:
0x672: {  	(pc) =	sbr.rel .LBB3_39-.Ltmp24, $2  }
0x673: {  	_ =	sdelay $0x2  }
0x674: {  	v15 =	vmov v29;
	s1 =	simm.s32 $0xA4C4;
	p1 =	por $0x0, $0x0  }
.LBB3_10:
.Ltmp25:
0x675: {  	(pc) =	sbr.rel .LBB3_13-.Ltmp25, $2  }
0x676: {  	_ =	sdelay $0x2  }
0x677: {  	v15 =	vmov v20;
	v16 =	vmov v17  }
.LBB3_28:
.Ltmp26:
0x678: {  	(pc) =	sbr.rel .LBB3_31-.Ltmp26, $2  }
0x679: {  	_ =	sdelay $0x2  }
0x67a: {  	v15 =	vmov v20;
	v16 =	vmov v17  }
.LBB3_34:
.Ltmp27:
0x67b: {  	(pc) =	sbr.rel .LBB3_39-.Ltmp27, $4  }
0x67c: {  	_ = 	snop  }
0x67d: {  	v56 =	vmov v8  }
0x67e: {  	v53 =	vmovc v9;
	v57 =	vmovc v10;
	v47 =	vmov v7;
	v48 =	vmov v6;
	v15 =	vmov v26  }
0x67f: {  	s1 =	simm.s32 $0xA4C4;
	v8 =	vmovc v17;
	v9 =	vmovc v22;
	v10 =	vmov v21;
	s9 =	simm.s32 $0xA4C4;
	v6 =	vmov v23;
	v7 =	vmov v24  }
.LBB3_36:
.Ltmp28:
0x680: {  	(pc) =	sbr.rel .LBB3_39-.Ltmp28, $4  }
0x681: {  	v60 =	vmov v12;
	v58 =	vmov v7  }
0x682: {  	v59 =	vmovc v6;
	v12 =	vmovc v47;
	v56 =	vmov v17;
	v53 =	vmov v22;
	v57 =	vmov v21  }
0x683: {  	v47 =	vmovc v24;
	v48 =	vmovc v23;
	v6 =	vmov v33;
	v7 =	vmov v38;
	v29 =	vmov v26  }
0x684: {  	s3 =	simm.s32 $0xA4C4;
	s9 =	simm.s32 $0xA4E4;
	v38 =	vmovc v25;
	v45 =	vmovc v39;
	v44 =	vmov v35;
	v42 =	vmov v30;
	v31 =	vmov v27  }
.LBB3_40:
0x685: {  	_ =	sfence.sel $0x180000  }
0x686: {  	[bflag:$0x0] =	sbarrier.arrive $0xFFFF  }
0x687: {  	_ =	strace $0x90000047  }
0x688: {  	s0 =	stileid.u32;
	[bflag:$0x2] =	sbarrier.arrive $0xFFFF  }
0x689: {  	p0 =	sne.s32 s0, $0x0;
	s0 =	rddreg [dreg:$0xe]  }
0x68a: {  	s0 =	sadd.s32 @!p0 $0x100000, s0  }
0x68b: {  	[sflag:s0] =	ssyncadd.tile.s32 @!p0 $0x1;
	_ =	shalt  }
.Lfunc_end3:
_tile_overlayer_lowered:
.L_overlay_start_3:
0x68c: {  	(tag) =	ssettag $0x3  }
0x68d: {  	s0 =	rddreg [dreg:$0x0];
	s2 =	stileid.u32  }
0x68e: {  	s1 =	rddreg [dreg:$0x1];
	p0 =	sne.s32 s2, $0x0  }
0x68f: {  	s3 =	rddreg [dreg:$0x2];
	[bflag:$0x3] =	sbarrier.arrive $0xFFFF;
	s2 =	simm.s32 @!p0 $0x1C03  }
0x690: {  	[timem:s3], [sflag:s2] =	dma.local @!p0 [hbm:s0], s1  }
0x691: {  	s0 =	simm.s32 @!p0 $0x3  }
0x692: {  	_ =	swait.ge @!p0 [sflag:s0], s1  }
0x693: {  	s1 =	ssub.s32 @!p0 $0x0, s1;
	[sflag:s0] =	ssyncset.done @!p0 $0x0  }
0x694: {  	[sflag:s0] =	ssyncadd.s32 @!p0 s1  }
0x695: {  	[bflag:$0x3] =	sbarrier.arrive $0xFFFF  }
0x696: {  	_ =	shalt  }

</sc_bundles>
